<compile_context>
chip_gen: v7x
topology: tpu7x:2x2x1
jax: 0.10.2.dev20260603
libtpu: 0.0.44.dev20260713+nightly
codegen_flags: <defaults>
</compile_context>

<pallas_src>
import functools

import jax
import jax.numpy as jnp
from jax import lax
from jax.experimental import pallas as pl
from jax.experimental.pallas import tpu as pltpu, tpu_sc as plsc

DIM = 128
NUM_HEADS = 8
HEAD_DIM = DIM // NUM_HEADS
N_NODES = 10000
N_EDGES = 320000

NC, NS, L = 2, 16, 16
NW = NC * NS

N_TAB = 10016
CHUNK = 64
N_CHUNKS = 158
E_PER_W = N_CHUNKS * CHUNK
E_PAD = NW * E_PER_W
N_PAIRS = N_CHUNKS // 2
TILE_STRIDE = 624
RD_SPANS = tuple((j * 64, 64) for j in range(10))


def _qkv_body(x_ref, wq_ref, bq_ref, wk_ref, bk_ref, wv_ref, bv_ref,
              q_ref, k_ref, v_ref):
    xb = x_ref[...]
    dn = (((1,), (1,)), ((), ()))
    q_ref[...] = (lax.dot_general(xb, wq_ref[...], dn,
                                  preferred_element_type=jnp.float32)
                  + bq_ref[...]) * (1.0 / (HEAD_DIM ** 0.5))
    k_ref[...] = lax.dot_general(xb, wk_ref[...], dn,
                                 preferred_element_type=jnp.float32) + bk_ref[...]
    v_ref[...] = lax.dot_general(xb, wv_ref[...], dn,
                                 preferred_element_type=jnp.float32) + bv_ref[...]


def _qkv(x, Wq, bq, Wk, bk, Wv, bv):
    n_blocks = 10
    blk = N_NODES // n_blocks
    full = pl.BlockSpec((DIM, DIM), lambda i: (0, 0))
    bias = pl.BlockSpec((1, DIM), lambda i: (0, 0))
    rows = pl.BlockSpec((blk, DIM), lambda i: (i, 0))
    return pl.pallas_call(
        _qkv_body,
        grid=(n_blocks,),
        in_specs=[rows, full, bias, full, bias, full, bias],
        out_specs=[rows, rows, rows],
        out_shape=[jax.ShapeDtypeStruct((N_NODES, DIM), jnp.float32)] * 3,
    )(x, Wq, bq, Wk, bk, Wv, bv)


def _out_body(hp_ref, wo_ref, bo_ref, o_ref):
    hb = hp_ref[0] + hp_ref[1]
    o_ref[...] = lax.dot_general(hb, wo_ref[...], (((1,), (1,)), ((), ())),
                                 preferred_element_type=jnp.float32) + bo_ref[...]


def _outproj(hparts, Wo, bo):
    n_blocks = 10
    blk = N_NODES // n_blocks
    return pl.pallas_call(
        _out_body,
        grid=(n_blocks,),
        in_specs=[
            pl.BlockSpec((2, blk, DIM), lambda i: (0, i, 0)),
            pl.BlockSpec((DIM, DIM), lambda i: (0, 0)),
            pl.BlockSpec((1, DIM), lambda i: (0, 0)),
        ],
        out_specs=pl.BlockSpec((blk, DIM), lambda i: (i, 0)),
        out_shape=jax.ShapeDtypeStruct((N_NODES, DIM), jnp.float32),
    )(hparts, Wo, bo)


_MESH = plsc.VectorSubcoreMesh(core_axis_name="c", subcore_axis_name="s")


@functools.partial(
    pl.kernel,
    out_type=jax.ShapeDtypeStruct((NC, N_NODES, DIM), jnp.float32),
    mesh=_MESH,
    scratch_types=[
        pltpu.VMEM((CHUNK,), jnp.int32),
        pltpu.VMEM((CHUNK,), jnp.int32),
        pltpu.VMEM((CHUNK,), jnp.int32),
        pltpu.VMEM((CHUNK,), jnp.int32),
        pltpu.VMEM((CHUNK, DIM), jnp.float32),
        pltpu.VMEM((CHUNK, DIM), jnp.float32),
        pltpu.VMEM((CHUNK, DIM), jnp.float32),
        pltpu.VMEM((CHUNK, DIM), jnp.float32),
        pltpu.VMEM((CHUNK, DIM), jnp.float32),
        pltpu.VMEM((CHUNK, DIM), jnp.float32),
        pltpu.VMEM_SHARED((N_NODES, DIM), jnp.float32),
        pltpu.SemaphoreType.DMA,
        pltpu.SemaphoreType.DMA,
    ],
    compiler_params=pltpu.CompilerParams(needs_layout_passes=False),
)
def _edge_kernel(q_hbm, k_hbm, v_hbm, src_hbm, dst_hbm, zero_hbm, out_hbm,
                 idxsA, idxdA, idxsB, idxdB, qrA, krA, vrA, qrB, krB, vrB,
                 acc, semA, semB):
    c = lax.axis_index("c")
    s = lax.axis_index("s")
    wid = s * NC + c

    for off, cnt in RD_SPANS:
        pltpu.sync_copy(zero_hbm.at[pl.ds(0, cnt)],
                        acc.at[pl.ds(s * TILE_STRIDE + off, cnt)])
    plsc.subcore_barrier()

    iota = lax.iota(jnp.int32, L)
    wbase = wid * E_PER_W

    def start_gathers(cidx, idxs, idxd, qr, kr, vr, sem):
        base = wbase + cidx * CHUNK
        pltpu.sync_copy(src_hbm.at[pl.ds(base, CHUNK)], idxs)
        pltpu.sync_copy(dst_hbm.at[pl.ds(base, CHUNK)], idxd)
        pltpu.async_copy(q_hbm.at[idxs], qr, sem)
        pltpu.async_copy(k_hbm.at[idxd], kr, sem)
        pltpu.async_copy(v_hbm.at[idxs], vr, sem)

    def drain_gathers(idxs, idxd, qr, kr, vr, sem):
        pltpu.make_async_copy(q_hbm.at[idxs], qr, sem).wait()
        pltpu.make_async_copy(k_hbm.at[idxd], kr, sem).wait()
        pltpu.make_async_copy(v_hbm.at[idxs], vr, sem).wait()

    def compute(qr, kr, vr):
        def edge_body(e, carry2):
            svec = jnp.full((L,), -1e30, jnp.float32)
            for h in range(NUM_HEADS):
                qv = qr[e, pl.ds(h * HEAD_DIM, HEAD_DIM)]
                kv = kr[e, pl.ds(h * HEAD_DIM, HEAD_DIM)]
                s_h = jnp.sum(qv * kv)
                svec = jnp.where(iota == h, s_h, svec)
            ex = jnp.exp(svec - jnp.max(svec))
            attn = ex / jnp.sum(ex)
            for h in range(NUM_HEADS):
                ab = attn.at[jnp.full((L,), h, jnp.int32)].get(
                    mode="promise_in_bounds")
                vslc = (e, pl.ds(h * HEAD_DIM, HEAD_DIM))
                vr[vslc] = vr[vslc] * ab
            return carry2

        lax.fori_loop(0, CHUNK, edge_body, 0)

    start_gathers(0, idxsA, idxdA, qrA, krA, vrA, semA)

    def pair_body(j, carry):
        start_gathers(2 * j + 1, idxsB, idxdB, qrB, krB, vrB, semB)
        drain_gathers(idxsA, idxdA, qrA, krA, vrA, semA)
        compute(qrA, krA, vrA)
        pltpu.sync_copy(vrA, acc.at[idxdA], add=True)
        start_gathers(2 * j + 2, idxsA, idxdA, qrA, krA, vrA, semA)
        drain_gathers(idxsB, idxdB, qrB, krB, vrB, semB)
        compute(qrB, krB, vrB)
        pltpu.sync_copy(vrB, acc.at[idxdB], add=True)
        return carry

    lax.fori_loop(0, N_PAIRS, pair_body, 0)
    drain_gathers(idxsA, idxdA, qrA, krA, vrA, semA)
    plsc.subcore_barrier()

    for off, cnt in RD_SPANS:
        r0 = s * TILE_STRIDE + off
        pltpu.sync_copy(acc.at[pl.ds(r0, cnt)], out_hbm.at[c, pl.ds(r0, cnt)])


def kernel(x, edge_index, Wq, bq, Wk, bk, Wv, bv, Wo, bo):
    x = x.astype(jnp.float32)
    src = edge_index[0].astype(jnp.int32)
    dst = edge_index[1].astype(jnp.int32)
    pad_e = E_PAD + CHUNK - N_EDGES
    src = jnp.pad(src, (0, pad_e), constant_values=N_NODES)
    dst = jnp.pad(dst, (0, pad_e))

    q, k, v = _qkv(x, Wq, bq.reshape(1, DIM), Wk, bk.reshape(1, DIM),
                   Wv, bv.reshape(1, DIM))
    pad_n = ((0, N_TAB - N_NODES), (0, 0))
    qp = jnp.pad(q, pad_n)
    kp = jnp.pad(k, pad_n)
    vp = jnp.pad(v, pad_n)

    zeros = jnp.zeros((CHUNK, DIM), jnp.float32)
    hparts = _edge_kernel(qp, kp, vp, src, dst, zeros)
    return _outproj(hparts, Wo, bo.reshape(1, DIM))

# --- scband reference (transcript-rebuilt; emitter-appended) ---
"""Pipeline reference for scband-dglattention-module-46566035423801 (READ-ONLY COPY).

The authoritative reference and input builder live on the scoring server;
editing this copy changes nothing except your own understanding.
"""

import jax, jax.numpy as jnp
import numpy as np

DIM = 128
NUM_HEADS = 8
HEAD_DIM = DIM // NUM_HEADS
N_NODES = 10000
N_EDGES = 320000


def setup_inputs(seed: int = 0) -> dict:
    key = jax.random.key(seed)
    ks = jax.random.split(key, 12)
    x = jax.random.normal(ks[0], (N_NODES, DIM), dtype=jnp.float32)
    edge_index = jax.random.randint(ks[1], (2, N_EDGES), 0, N_NODES, dtype=jnp.int64) if jax.config.jax_enable_x64 else jax.random.randint(ks[1], (2, N_EDGES), 0, N_NODES).astype(jnp.int32)
    s = 0.02
    Wq = jax.random.normal(ks[2], (DIM, DIM), dtype=jnp.float32) * s
    bq = jax.random.normal(ks[3], (DIM,), dtype=jnp.float32) * s
    Wk = jax.random.normal(ks[4], (DIM, DIM), dtype=jnp.float32) * s
    bk = jax.random.normal(ks[5], (DIM,), dtype=jnp.float32) * s
    Wv = jax.random.normal(ks[6], (DIM, DIM), dtype=jnp.float32) * s
    bv = jax.random.normal(ks[7], (DIM,), dtype=jnp.float32) * s
    Wo = jax.random.normal(ks[8], (DIM, DIM), dtype=jnp.float32) * s
    bo = jax.random.normal(ks[9], (DIM,), dtype=jnp.float32) * s
    return {"x": x, "edge_index": edge_index, "Wq": Wq, "bq": bq, "Wk": Wk, "bk": bk, "Wv": Wv, "bv": bv, "Wo": Wo, "bo": bo}


def reference(x, edge_index, Wq, bq, Wk, bk, Wv, bv, Wo, bo):
    N = x.shape[0]
    # Linear projections (torch nn.Linear: y = x @ W.T + b)
    q = (x @ Wq.T + bq).reshape(N, NUM_HEADS, HEAD_DIM)
    k = (x @ Wk.T + bk).reshape(N, NUM_HEADS, HEAD_DIM)
    v = (x @ Wv.T + bv).reshape(N, NUM_HEADS, HEAD_DIM)
    src = edge_index[0]
    dst = edge_index[1]
    # fn.u_dot_v('q','k','score'): per-edge dot of q_src with k_dst -> [E, H, 1]
    score = jnp.sum(q[src] * k[dst], axis=-1, keepdims=True)
    score = score / (HEAD_DIM ** 0.5)
    # F.softmax(..., dim=1): softmax over the heads dimension (faithful to original)
    attn = jax.nn.softmax(score, axis=1)
    # fn.u_mul_e('v','attn','m') then fn.sum('m','h'): scatter-add into dst nodes
    m = v[src] * attn  # [E, H, Dh]
    h = jax.ops.segment_sum(m, dst, num_segments=N)  # [N, H, Dh]
    h = h.reshape(N, DIM)
    out = h @ Wo.T + bo
    # dropout is identity in eval mode
    return out

if __name__ == "__main__":
    import jax
    _d = setup_inputs()
    print(jax.jit(kernel)(*tuple(_d.values())))

</pallas_src>

<mosaic_0001>
#map = affine_map<(d0, d1) -> (0, 0)>
#map1 = affine_map<(d0, d1) -> (0)>
#map2 = affine_map<(d0, d1) -> (0, 0, 0)>
module attributes {stable_mosaic.version = 14 : i64} {
  func.func @_edge_kernel(%arg0: i32, %arg1: i32, %arg2: memref<10016x128xf32, #tpu.memory_space<hbm>>, %arg3: memref<10016x128xf32, #tpu.memory_space<hbm>>, %arg4: memref<10016x128xf32, #tpu.memory_space<hbm>>, %arg5: memref<323648xi32, #tpu.memory_space<hbm>>, %arg6: memref<323648xi32, #tpu.memory_space<hbm>>, %arg7: memref<64x128xf32, #tpu.memory_space<hbm>>, %arg8: memref<2x10000x128xf32, #tpu.memory_space<hbm>>, %arg9: memref<64xi32, #tpu.memory_space<vmem>>, %arg10: memref<64xi32, #tpu.memory_space<vmem>>, %arg11: memref<64xi32, #tpu.memory_space<vmem>>, %arg12: memref<64xi32, #tpu.memory_space<vmem>>, %arg13: memref<64x128xf32, #tpu.memory_space<vmem>>, %arg14: memref<64x128xf32, #tpu.memory_space<vmem>>, %arg15: memref<64x128xf32, #tpu.memory_space<vmem>>, %arg16: memref<64x128xf32, #tpu.memory_space<vmem>>, %arg17: memref<64x128xf32, #tpu.memory_space<vmem>>, %arg18: memref<64x128xf32, #tpu.memory_space<vmem>>, %arg19: memref<10000x128xf32, #tpu.memory_space<vmem_shared>>, %arg20: memref<!tpu.dma_semaphore, #tpu.memory_space<semaphore_mem>>, %arg21: memref<!tpu.dma_semaphore, #tpu.memory_space<semaphore_mem>>) attributes {dimension_semantics = [#tpu.dimension_semantics<core_parallel>, #tpu.dimension_semantics<subcore_parallel>], iteration_bounds = array<i64: 2, 16>, scalar_prefetch = 0 : i64, scratch_operands = 13 : i64, tpu.core_type = #tpu.core_type<sc_vector_subcore>, window_params = [{transform_indices = #map}, {transform_indices = #map}, {transform_indices = #map}, {transform_indices = #map1}, {transform_indices = #map1}, {transform_indices = #map}, {transform_indices = #map2}]} {
    %mul3A = arith.constant 2 : i32
    %mul3A_0 = arith.muli %arg1, %mul3A : i32
    %add3A = arith.addi %mul3A_0, %arg0 : i32
    %mul3A_1 = arith.constant 624 : i32
    %mul3A_2 = arith.muli %arg1, %mul3A_1 : i32
    %add3A_3 = arith.constant 0 : i32
    %add3A_4 = arith.addi %mul3A_2, %add3A_3 : i32
    "tpu.region"() ({
      %run_scoped3A = tpu.sem_alloc : memref<!tpu.dma_semaphore, #tpu.memory_space<semaphore_mem>>
      %dma_start3A_107 = arith.constant 0 : i32
      %dma_start3A_108 = tpu.memref_slice %arg19[%add3A_4, %dma_start3A_107] : memref<10000x128xf32, #tpu.memory_space<vmem_shared>> -> memref<64x128xf32, #tpu.memory_space<vmem_shared>>
      %dma_start3A_109 = arith.constant 0 : i32
      %dma_start3A_110 = arith.constant 0 : i32
      %dma_start3A_111 = tpu.memref_slice %arg7[%dma_start3A_109, %dma_start3A_110] : memref<64x128xf32, #tpu.memory_space<hbm>> -> memref<64x128xf32, #tpu.memory_space<hbm>>
      tpu.enqueue_dma source(%dma_start3A_111 : memref<64x128xf32, #tpu.memory_space<hbm>>) target(%dma_start3A_108 : memref<64x128xf32, #tpu.memory_space<vmem_shared>>) target_semaphore(%run_scoped3A : memref<!tpu.dma_semaphore, #tpu.memory_space<semaphore_mem>>)
      %dma_wait3A_112 = arith.constant 0 : i32
      %dma_wait3A_113 = tpu.memref_slice %arg19[%add3A_4, %dma_wait3A_112] : memref<10000x128xf32, #tpu.memory_space<vmem_shared>> -> memref<64x128xf32, #tpu.memory_space<vmem_shared>>
      %dma_wait3A_114 = arith.constant 0 : i32
      %dma_wait3A_115 = arith.constant 0 : i32
      %dma_wait3A_116 = tpu.memref_slice %arg7[%dma_wait3A_114, %dma_wait3A_115] : memref<64x128xf32, #tpu.memory_space<hbm>> -> memref<64x128xf32, #tpu.memory_space<hbm>>
      tpu.wait_dma2 semaphore(%run_scoped3A : memref<!tpu.dma_semaphore, #tpu.memory_space<semaphore_mem>>) src(%dma_wait3A_116 : memref<64x128xf32, #tpu.memory_space<hbm>>) dst(%dma_wait3A_113 : memref<64x128xf32, #tpu.memory_space<vmem_shared>>)
      tpu.yield
    }) : () -> ()
    %mul3A_5 = arith.constant 624 : i32
    %mul3A_6 = arith.muli %arg1, %mul3A_5 : i32
    %add3A_7 = arith.constant 64 : i32
    %add3A_8 = arith.addi %mul3A_6, %add3A_7 : i32
    "tpu.region"() ({
      %run_scoped3A = tpu.sem_alloc : memref<!tpu.dma_semaphore, #tpu.memory_space<semaphore_mem>>
      %dma_start3A_107 = arith.constant 0 : i32
      %dma_start3A_108 = tpu.memref_slice %arg19[%add3A_8, %dma_start3A_107] : memref<10000x128xf32, #tpu.memory_space<vmem_shared>> -> memref<64x128xf32, #tpu.memory_space<vmem_shared>>
      %dma_start3A_109 = arith.constant 0 : i32
      %dma_start3A_110 = arith.constant 0 : i32
      %dma_start3A_111 = tpu.memref_slice %arg7[%dma_start3A_109, %dma_start3A_110] : memref<64x128xf32, #tpu.memory_space<hbm>> -> memref<64x128xf32, #tpu.memory_space<hbm>>
      tpu.enqueue_dma source(%dma_start3A_111 : memref<64x128xf32, #tpu.memory_space<hbm>>) target(%dma_start3A_108 : memref<64x128xf32, #tpu.memory_space<vmem_shared>>) target_semaphore(%run_scoped3A : memref<!tpu.dma_semaphore, #tpu.memory_space<semaphore_mem>>)
      %dma_wait3A_112 = arith.constant 0 : i32
      %dma_wait3A_113 = tpu.memref_slice %arg19[%add3A_8, %dma_wait3A_112] : memref<10000x128xf32, #tpu.memory_space<vmem_shared>> -> memref<64x128xf32, #tpu.memory_space<vmem_shared>>
      %dma_wait3A_114 = arith.constant 0 : i32
      %dma_wait3A_115 = arith.constant 0 : i32
      %dma_wait3A_116 = tpu.memref_slice %arg7[%dma_wait3A_114, %dma_wait3A_115] : memref<64x128xf32, #tpu.memory_space<hbm>> -> memref<64x128xf32, #tpu.memory_space<hbm>>
      tpu.wait_dma2 semaphore(%run_scoped3A : memref<!tpu.dma_semaphore, #tpu.memory_space<semaphore_mem>>) src(%dma_wait3A_116 : memref<64x128xf32, #tpu.memory_space<hbm>>) dst(%dma_wait3A_113 : memref<64x128xf32, #tpu.memory_space<vmem_shared>>)
      tpu.yield
    }) : () -> ()
    %mul3A_9 = arith.constant 624 : i32
    %mul3A_10 = arith.muli %arg1, %mul3A_9 : i32
    %add3A_11 = arith.constant 128 : i32
    %add3A_12 = arith.addi %mul3A_10, %add3A_11 : i32
    "tpu.region"() ({
      %run_scoped3A = tpu.sem_alloc : memref<!tpu.dma_semaphore, #tpu.memory_space<semaphore_mem>>
      %dma_start3A_107 = arith.constant 0 : i32
      %dma_start3A_108 = tpu.memref_slice %arg19[%add3A_12, %dma_start3A_107] : memref<10000x128xf32, #tpu.memory_space<vmem_shared>> -> memref<64x128xf32, #tpu.memory_space<vmem_shared>>
      %dma_start3A_109 = arith.constant 0 : i32
      %dma_start3A_110 = arith.constant 0 : i32
      %dma_start3A_111 = tpu.memref_slice %arg7[%dma_start3A_109, %dma_start3A_110] : memref<64x128xf32, #tpu.memory_space<hbm>> -> memref<64x128xf32, #tpu.memory_space<hbm>>
      tpu.enqueue_dma source(%dma_start3A_111 : memref<64x128xf32, #tpu.memory_space<hbm>>) target(%dma_start3A_108 : memref<64x128xf32, #tpu.memory_space<vmem_shared>>) target_semaphore(%run_scoped3A : memref<!tpu.dma_semaphore, #tpu.memory_space<semaphore_mem>>)
      %dma_wait3A_112 = arith.constant 0 : i32
      %dma_wait3A_113 = tpu.memref_slice %arg19[%add3A_12, %dma_wait3A_112] : memref<10000x128xf32, #tpu.memory_space<vmem_shared>> -> memref<64x128xf32, #tpu.memory_space<vmem_shared>>
      %dma_wait3A_114 = arith.constant 0 : i32
      %dma_wait3A_115 = arith.constant 0 : i32
      %dma_wait3A_116 = tpu.memref_slice %arg7[%dma_wait3A_114, %dma_wait3A_115] : memref<64x128xf32, #tpu.memory_space<hbm>> -> memref<64x128xf32, #tpu.memory_space<hbm>>
      tpu.wait_dma2 semaphore(%run_scoped3A : memref<!tpu.dma_semaphore, #tpu.memory_space<semaphore_mem>>) src(%dma_wait3A_116 : memref<64x128xf32, #tpu.memory_space<hbm>>) dst(%dma_wait3A_113 : memref<64x128xf32, #tpu.memory_space<vmem_shared>>)
      tpu.yield
    }) : () -> ()
    %mul3A_13 = arith.constant 624 : i32
    %mul3A_14 = arith.muli %arg1, %mul3A_13 : i32
    %add3A_15 = arith.constant 192 : i32
    %add3A_16 = arith.addi %mul3A_14, %add3A_15 : i32
    "tpu.region"() ({
      %run_scoped3A = tpu.sem_alloc : memref<!tpu.dma_semaphore, #tpu.memory_space<semaphore_mem>>
      %dma_start3A_107 = arith.constant 0 : i32
      %dma_start3A_108 = tpu.memref_slice %arg19[%add3A_16, %dma_start3A_107] : memref<10000x128xf32, #tpu.memory_space<vmem_shared>> -> memref<64x128xf32, #tpu.memory_space<vmem_shared>>
      %dma_start3A_109 = arith.constant 0 : i32
      %dma_start3A_110 = arith.constant 0 : i32
      %dma_start3A_111 = tpu.memref_slice %arg7[%dma_start3A_109, %dma_start3A_110] : memref<64x128xf32, #tpu.memory_space<hbm>> -> memref<64x128xf32, #tpu.memory_space<hbm>>
      tpu.enqueue_dma source(%dma_start3A_111 : memref<64x128xf32, #tpu.memory_space<hbm>>) target(%dma_start3A_108 : memref<64x128xf32, #tpu.memory_space<vmem_shared>>) target_semaphore(%run_scoped3A : memref<!tpu.dma_semaphore, #tpu.memory_space<semaphore_mem>>)
      %dma_wait3A_112 = arith.constant 0 : i32
      %dma_wait3A_113 = tpu.memref_slice %arg19[%add3A_16, %dma_wait3A_112] : memref<10000x128xf32, #tpu.memory_space<vmem_shared>> -> memref<64x128xf32, #tpu.memory_space<vmem_shared>>
      %dma_wait3A_114 = arith.constant 0 : i32
      %dma_wait3A_115 = arith.constant 0 : i32
      %dma_wait3A_116 = tpu.memref_slice %arg7[%dma_wait3A_114, %dma_wait3A_115] : memref<64x128xf32, #tpu.memory_space<hbm>> -> memref<64x128xf32, #tpu.memory_space<hbm>>
      tpu.wait_dma2 semaphore(%run_scoped3A : memref<!tpu.dma_semaphore, #tpu.memory_space<semaphore_mem>>) src(%dma_wait3A_116 : memref<64x128xf32, #tpu.memory_space<hbm>>) dst(%dma_wait3A_113 : memref<64x128xf32, #tpu.memory_space<vmem_shared>>)
      tpu.yield
    }) : () -> ()
    %mul3A_17 = arith.constant 624 : i32
    %mul3A_18 = arith.muli %arg1, %mul3A_17 : i32
    %add3A_19 = arith.constant 256 : i32
    %add3A_20 = arith.addi %mul3A_18, %add3A_19 : i32
    "tpu.region"() ({
      %run_scoped3A = tpu.sem_alloc : memref<!tpu.dma_semaphore, #tpu.memory_space<semaphore_mem>>
      %dma_start3A_107 = arith.constant 0 : i32
      %dma_start3A_108 = tpu.memref_slice %arg19[%add3A_20, %dma_start3A_107] : memref<10000x128xf32, #tpu.memory_space<vmem_shared>> -> memref<64x128xf32, #tpu.memory_space<vmem_shared>>
      %dma_start3A_109 = arith.constant 0 : i32
      %dma_start3A_110 = arith.constant 0 : i32
      %dma_start3A_111 = tpu.memref_slice %arg7[%dma_start3A_109, %dma_start3A_110] : memref<64x128xf32, #tpu.memory_space<hbm>> -> memref<64x128xf32, #tpu.memory_space<hbm>>
      tpu.enqueue_dma source(%dma_start3A_111 : memref<64x128xf32, #tpu.memory_space<hbm>>) target(%dma_start3A_108 : memref<64x128xf32, #tpu.memory_space<vmem_shared>>) target_semaphore(%run_scoped3A : memref<!tpu.dma_semaphore, #tpu.memory_space<semaphore_mem>>)
      %dma_wait3A_112 = arith.constant 0 : i32
      %dma_wait3A_113 = tpu.memref_slice %arg19[%add3A_20, %dma_wait3A_112] : memref<10000x128xf32, #tpu.memory_space<vmem_shared>> -> memref<64x128xf32, #tpu.memory_space<vmem_shared>>
      %dma_wait3A_114 = arith.constant 0 : i32
      %dma_wait3A_115 = arith.constant 0 : i32
      %dma_wait3A_116 = tpu.memref_slice %arg7[%dma_wait3A_114, %dma_wait3A_115] : memref<64x128xf32, #tpu.memory_space<hbm>> -> memref<64x128xf32, #tpu.memory_space<hbm>>
      tpu.wait_dma2 semaphore(%run_scoped3A : memref<!tpu.dma_semaphore, #tpu.memory_space<semaphore_mem>>) src(%dma_wait3A_116 : memref<64x128xf32, #tpu.memory_space<hbm>>) dst(%dma_wait3A_113 : memref<64x128xf32, #tpu.memory_space<vmem_shared>>)
      tpu.yield
    }) : () -> ()
    %mul3A_21 = arith.constant 624 : i32
    %mul3A_22 = arith.muli %arg1, %mul3A_21 : i32
    %add3A_23 = arith.constant 320 : i32
    %add3A_24 = arith.addi %mul3A_22, %add3A_23 : i32
    "tpu.region"() ({
      %run_scoped3A = tpu.sem_alloc : memref<!tpu.dma_semaphore, #tpu.memory_space<semaphore_mem>>
      %dma_start3A_107 = arith.constant 0 : i32
      %dma_start3A_108 = tpu.memref_slice %arg19[%add3A_24, %dma_start3A_107] : memref<10000x128xf32, #tpu.memory_space<vmem_shared>> -> memref<64x128xf32, #tpu.memory_space<vmem_shared>>
      %dma_start3A_109 = arith.constant 0 : i32
      %dma_start3A_110 = arith.constant 0 : i32
      %dma_start3A_111 = tpu.memref_slice %arg7[%dma_start3A_109, %dma_start3A_110] : memref<64x128xf32, #tpu.memory_space<hbm>> -> memref<64x128xf32, #tpu.memory_space<hbm>>
      tpu.enqueue_dma source(%dma_start3A_111 : memref<64x128xf32, #tpu.memory_space<hbm>>) target(%dma_start3A_108 : memref<64x128xf32, #tpu.memory_space<vmem_shared>>) target_semaphore(%run_scoped3A : memref<!tpu.dma_semaphore, #tpu.memory_space<semaphore_mem>>)
      %dma_wait3A_112 = arith.constant 0 : i32
      %dma_wait3A_113 = tpu.memref_slice %arg19[%add3A_24, %dma_wait3A_112] : memref<10000x128xf32, #tpu.memory_space<vmem_shared>> -> memref<64x128xf32, #tpu.memory_space<vmem_shared>>
      %dma_wait3A_114 = arith.constant 0 : i32
      %dma_wait3A_115 = arith.constant 0 : i32
      %dma_wait3A_116 = tpu.memref_slice %arg7[%dma_wait3A_114, %dma_wait3A_115] : memref<64x128xf32, #tpu.memory_space<hbm>> -> memref<64x128xf32, #tpu.memory_space<hbm>>
      tpu.wait_dma2 semaphore(%run_scoped3A : memref<!tpu.dma_semaphore, #tpu.memory_space<semaphore_mem>>) src(%dma_wait3A_116 : memref<64x128xf32, #tpu.memory_space<hbm>>) dst(%dma_wait3A_113 : memref<64x128xf32, #tpu.memory_space<vmem_shared>>)
      tpu.yield
    }) : () -> ()
    %mul3A_25 = arith.constant 624 : i32
    %mul3A_26 = arith.muli %arg1, %mul3A_25 : i32
    %add3A_27 = arith.constant 384 : i32
    %add3A_28 = arith.addi %mul3A_26, %add3A_27 : i32
    "tpu.region"() ({
      %run_scoped3A = tpu.sem_alloc : memref<!tpu.dma_semaphore, #tpu.memory_space<semaphore_mem>>
      %dma_start3A_107 = arith.constant 0 : i32
      %dma_start3A_108 = tpu.memref_slice %arg19[%add3A_28, %dma_start3A_107] : memref<10000x128xf32, #tpu.memory_space<vmem_shared>> -> memref<64x128xf32, #tpu.memory_space<vmem_shared>>
      %dma_start3A_109 = arith.constant 0 : i32
      %dma_start3A_110 = arith.constant 0 : i32
      %dma_start3A_111 = tpu.memref_slice %arg7[%dma_start3A_109, %dma_start3A_110] : memref<64x128xf32, #tpu.memory_space<hbm>> -> memref<64x128xf32, #tpu.memory_space<hbm>>
      tpu.enqueue_dma source(%dma_start3A_111 : memref<64x128xf32, #tpu.memory_space<hbm>>) target(%dma_start3A_108 : memref<64x128xf32, #tpu.memory_space<vmem_shared>>) target_semaphore(%run_scoped3A : memref<!tpu.dma_semaphore, #tpu.memory_space<semaphore_mem>>)
      %dma_wait3A_112 = arith.constant 0 : i32
      %dma_wait3A_113 = tpu.memref_slice %arg19[%add3A_28, %dma_wait3A_112] : memref<10000x128xf32, #tpu.memory_space<vmem_shared>> -> memref<64x128xf32, #tpu.memory_space<vmem_shared>>
      %dma_wait3A_114 = arith.constant 0 : i32
      %dma_wait3A_115 = arith.constant 0 : i32
      %dma_wait3A_116 = tpu.memref_slice %arg7[%dma_wait3A_114, %dma_wait3A_115] : memref<64x128xf32, #tpu.memory_space<hbm>> -> memref<64x128xf32, #tpu.memory_space<hbm>>
      tpu.wait_dma2 semaphore(%run_scoped3A : memref<!tpu.dma_semaphore, #tpu.memory_space<semaphore_mem>>) src(%dma_wait3A_116 : memref<64x128xf32, #tpu.memory_space<hbm>>) dst(%dma_wait3A_113 : memref<64x128xf32, #tpu.memory_space<vmem_shared>>)
      tpu.yield
    }) : () -> ()
    %mul3A_29 = arith.constant 624 : i32
    %mul3A_30 = arith.muli %arg1, %mul3A_29 : i32
    %add3A_31 = arith.constant 448 : i32
    %add3A_32 = arith.addi %mul3A_30, %add3A_31 : i32
    "tpu.region"() ({
      %run_scoped3A = tpu.sem_alloc : memref<!tpu.dma_semaphore, #tpu.memory_space<semaphore_mem>>
      %dma_start3A_107 = arith.constant 0 : i32
      %dma_start3A_108 = tpu.memref_slice %arg19[%add3A_32, %dma_start3A_107] : memref<10000x128xf32, #tpu.memory_space<vmem_shared>> -> memref<64x128xf32, #tpu.memory_space<vmem_shared>>
      %dma_start3A_109 = arith.constant 0 : i32
      %dma_start3A_110 = arith.constant 0 : i32
      %dma_start3A_111 = tpu.memref_slice %arg7[%dma_start3A_109, %dma_start3A_110] : memref<64x128xf32, #tpu.memory_space<hbm>> -> memref<64x128xf32, #tpu.memory_space<hbm>>
      tpu.enqueue_dma source(%dma_start3A_111 : memref<64x128xf32, #tpu.memory_space<hbm>>) target(%dma_start3A_108 : memref<64x128xf32, #tpu.memory_space<vmem_shared>>) target_semaphore(%run_scoped3A : memref<!tpu.dma_semaphore, #tpu.memory_space<semaphore_mem>>)
      %dma_wait3A_112 = arith.constant 0 : i32
      %dma_wait3A_113 = tpu.memref_slice %arg19[%add3A_32, %dma_wait3A_112] : memref<10000x128xf32, #tpu.memory_space<vmem_shared>> -> memref<64x128xf32, #tpu.memory_space<vmem_shared>>
      %dma_wait3A_114 = arith.constant 0 : i32
      %dma_wait3A_115 = arith.constant 0 : i32
      %dma_wait3A_116 = tpu.memref_slice %arg7[%dma_wait3A_114, %dma_wait3A_115] : memref<64x128xf32, #tpu.memory_space<hbm>> -> memref<64x128xf32, #tpu.memory_space<hbm>>
      tpu.wait_dma2 semaphore(%run_scoped3A : memref<!tpu.dma_semaphore, #tpu.memory_space<semaphore_mem>>) src(%dma_wait3A_116 : memref<64x128xf32, #tpu.memory_space<hbm>>) dst(%dma_wait3A_113 : memref<64x128xf32, #tpu.memory_space<vmem_shared>>)
      tpu.yield
    }) : () -> ()
    %mul3A_33 = arith.constant 624 : i32
    %mul3A_34 = arith.muli %arg1, %mul3A_33 : i32
    %add3A_35 = arith.constant 512 : i32
    %add3A_36 = arith.addi %mul3A_34, %add3A_35 : i32
    "tpu.region"() ({
      %run_scoped3A = tpu.sem_alloc : memref<!tpu.dma_semaphore, #tpu.memory_space<semaphore_mem>>
      %dma_start3A_107 = arith.constant 0 : i32
      %dma_start3A_108 = tpu.memref_slice %arg19[%add3A_36, %dma_start3A_107] : memref<10000x128xf32, #tpu.memory_space<vmem_shared>> -> memref<64x128xf32, #tpu.memory_space<vmem_shared>>
      %dma_start3A_109 = arith.constant 0 : i32
      %dma_start3A_110 = arith.constant 0 : i32
      %dma_start3A_111 = tpu.memref_slice %arg7[%dma_start3A_109, %dma_start3A_110] : memref<64x128xf32, #tpu.memory_space<hbm>> -> memref<64x128xf32, #tpu.memory_space<hbm>>
      tpu.enqueue_dma source(%dma_start3A_111 : memref<64x128xf32, #tpu.memory_space<hbm>>) target(%dma_start3A_108 : memref<64x128xf32, #tpu.memory_space<vmem_shared>>) target_semaphore(%run_scoped3A : memref<!tpu.dma_semaphore, #tpu.memory_space<semaphore_mem>>)
      %dma_wait3A_112 = arith.constant 0 : i32
      %dma_wait3A_113 = tpu.memref_slice %arg19[%add3A_36, %dma_wait3A_112] : memref<10000x128xf32, #tpu.memory_space<vmem_shared>> -> memref<64x128xf32, #tpu.memory_space<vmem_shared>>
      %dma_wait3A_114 = arith.constant 0 : i32
      %dma_wait3A_115 = arith.constant 0 : i32
      %dma_wait3A_116 = tpu.memref_slice %arg7[%dma_wait3A_114, %dma_wait3A_115] : memref<64x128xf32, #tpu.memory_space<hbm>> -> memref<64x128xf32, #tpu.memory_space<hbm>>
      tpu.wait_dma2 semaphore(%run_scoped3A : memref<!tpu.dma_semaphore, #tpu.memory_space<semaphore_mem>>) src(%dma_wait3A_116 : memref<64x128xf32, #tpu.memory_space<hbm>>) dst(%dma_wait3A_113 : memref<64x128xf32, #tpu.memory_space<vmem_shared>>)
      tpu.yield
    }) : () -> ()
    %mul3A_37 = arith.constant 624 : i32
    %mul3A_38 = arith.muli %arg1, %mul3A_37 : i32
    %add3A_39 = arith.constant 576 : i32
    %add3A_40 = arith.addi %mul3A_38, %add3A_39 : i32
    "tpu.region"() ({
      %run_scoped3A = tpu.sem_alloc : memref<!tpu.dma_semaphore, #tpu.memory_space<semaphore_mem>>
      %dma_start3A_107 = arith.constant 0 : i32
      %dma_start3A_108 = tpu.memref_slice %arg19[%add3A_40, %dma_start3A_107] : memref<10000x128xf32, #tpu.memory_space<vmem_shared>> -> memref<64x128xf32, #tpu.memory_space<vmem_shared>>
      %dma_start3A_109 = arith.constant 0 : i32
      %dma_start3A_110 = arith.constant 0 : i32
      %dma_start3A_111 = tpu.memref_slice %arg7[%dma_start3A_109, %dma_start3A_110] : memref<64x128xf32, #tpu.memory_space<hbm>> -> memref<64x128xf32, #tpu.memory_space<hbm>>
      tpu.enqueue_dma source(%dma_start3A_111 : memref<64x128xf32, #tpu.memory_space<hbm>>) target(%dma_start3A_108 : memref<64x128xf32, #tpu.memory_space<vmem_shared>>) target_semaphore(%run_scoped3A : memref<!tpu.dma_semaphore, #tpu.memory_space<semaphore_mem>>)
      %dma_wait3A_112 = arith.constant 0 : i32
      %dma_wait3A_113 = tpu.memref_slice %arg19[%add3A_40, %dma_wait3A_112] : memref<10000x128xf32, #tpu.memory_space<vmem_shared>> -> memref<64x128xf32, #tpu.memory_space<vmem_shared>>
      %dma_wait3A_114 = arith.constant 0 : i32
      %dma_wait3A_115 = arith.constant 0 : i32
      %dma_wait3A_116 = tpu.memref_slice %arg7[%dma_wait3A_114, %dma_wait3A_115] : memref<64x128xf32, #tpu.memory_space<hbm>> -> memref<64x128xf32, #tpu.memory_space<hbm>>
      tpu.wait_dma2 semaphore(%run_scoped3A : memref<!tpu.dma_semaphore, #tpu.memory_space<semaphore_mem>>) src(%dma_wait3A_116 : memref<64x128xf32, #tpu.memory_space<hbm>>) dst(%dma_wait3A_113 : memref<64x128xf32, #tpu.memory_space<vmem_shared>>)
      tpu.yield
    }) : () -> ()
    %barrier3A = arith.constant 0 : index
    tpu.barrier barrier_id(%barrier3A)
    %iota3A = tpu.iota {dimensions = array<i32: 0>} : vector<16xi32>
    %mul3A_41 = arith.constant 10112 : i32
    %mul3A_42 = arith.muli %add3A, %mul3A_41 : i32
    %add3A_43 = arith.constant 0 : i32
    %add3A_44 = arith.addi %mul3A_42, %add3A_43 : i32
    "tpu.region"() ({
      %run_scoped3A = tpu.sem_alloc : memref<!tpu.dma_semaphore, #tpu.memory_space<semaphore_mem>>
      %dma_start3A_107 = tpu.memref_slice %arg5[%add3A_44] : memref<323648xi32, #tpu.memory_space<hbm>> -> memref<64xi32, #tpu.memory_space<hbm>>
      %dma_start3A_108 = tpu.memref_slice %arg5[%add3A_44] : memref<323648xi32, #tpu.memory_space<hbm>> -> memref<64xi32, #tpu.memory_space<hbm>>
      tpu.enqueue_dma source(%dma_start3A_108 : memref<64xi32, #tpu.memory_space<hbm>>) target(%arg9 : memref<64xi32, #tpu.memory_space<vmem>>) target_semaphore(%run_scoped3A : memref<!tpu.dma_semaphore, #tpu.memory_space<semaphore_mem>>)
      %dma_wait3A_109 = tpu.memref_slice %arg5[%add3A_44] : memref<323648xi32, #tpu.memory_space<hbm>> -> memref<64xi32, #tpu.memory_space<hbm>>
      %dma_wait3A_110 = tpu.memref_slice %arg5[%add3A_44] : memref<323648xi32, #tpu.memory_space<hbm>> -> memref<64xi32, #tpu.memory_space<hbm>>
      tpu.wait_dma2 semaphore(%run_scoped3A : memref<!tpu.dma_semaphore, #tpu.memory_space<semaphore_mem>>) src(%dma_wait3A_110 : memref<64xi32, #tpu.memory_space<hbm>>) dst(%arg9 : memref<64xi32, #tpu.memory_space<vmem>>)
      tpu.yield
    }) : () -> ()
    "tpu.region"() ({
      %run_scoped3A = tpu.sem_alloc : memref<!tpu.dma_semaphore, #tpu.memory_space<semaphore_mem>>
      %dma_start3A_107 = tpu.memref_slice %arg6[%add3A_44] : memref<323648xi32, #tpu.memory_space<hbm>> -> memref<64xi32, #tpu.memory_space<hbm>>
      %dma_start3A_108 = tpu.memref_slice %arg6[%add3A_44] : memref<323648xi32, #tpu.memory_space<hbm>> -> memref<64xi32, #tpu.memory_space<hbm>>
      tpu.enqueue_dma source(%dma_start3A_108 : memref<64xi32, #tpu.memory_space<hbm>>) target(%arg10 : memref<64xi32, #tpu.memory_space<vmem>>) target_semaphore(%run_scoped3A : memref<!tpu.dma_semaphore, #tpu.memory_space<semaphore_mem>>)
      %dma_wait3A_109 = tpu.memref_slice %arg6[%add3A_44] : memref<323648xi32, #tpu.memory_space<hbm>> -> memref<64xi32, #tpu.memory_space<hbm>>
      %dma_wait3A_110 = tpu.memref_slice %arg6[%add3A_44] : memref<323648xi32, #tpu.memory_space<hbm>> -> memref<64xi32, #tpu.memory_space<hbm>>
      tpu.wait_dma2 semaphore(%run_scoped3A : memref<!tpu.dma_semaphore, #tpu.memory_space<semaphore_mem>>) src(%dma_wait3A_110 : memref<64xi32, #tpu.memory_space<hbm>>) dst(%arg10 : memref<64xi32, #tpu.memory_space<vmem>>)
      tpu.yield
    }) : () -> ()
    %dma_start3A = arith.constant 0 : i32
    %dma_start3A_45 = arith.constant 0 : i32
    %dma_start3A_46 = tpu.memref_slice %arg2[%dma_start3A, %dma_start3A_45] : memref<10016x128xf32, #tpu.memory_space<hbm>> -> memref<10016x128xf32, #tpu.memory_space<hbm>>
    tpu.enqueue_indirect_dma source(%dma_start3A_46 : memref<10016x128xf32, #tpu.memory_space<hbm>>) target(%arg13 : memref<64x128xf32, #tpu.memory_space<vmem>>) offsets(%arg9 : memref<64xi32, #tpu.memory_space<vmem>>) semaphore(%arg20 : memref<!tpu.dma_semaphore, #tpu.memory_space<semaphore_mem>>)
    %dma_start3A_47 = arith.constant 0 : i32
    %dma_start3A_48 = arith.constant 0 : i32
    %dma_start3A_49 = tpu.memref_slice %arg3[%dma_start3A_47, %dma_start3A_48] : memref<10016x128xf32, #tpu.memory_space<hbm>> -> memref<10016x128xf32, #tpu.memory_space<hbm>>
    tpu.enqueue_indirect_dma source(%dma_start3A_49 : memref<10016x128xf32, #tpu.memory_space<hbm>>) target(%arg14 : memref<64x128xf32, #tpu.memory_space<vmem>>) offsets(%arg10 : memref<64xi32, #tpu.memory_space<vmem>>) semaphore(%arg20 : memref<!tpu.dma_semaphore, #tpu.memory_space<semaphore_mem>>)
    %dma_start3A_50 = arith.constant 0 : i32
    %dma_start3A_51 = arith.constant 0 : i32
    %dma_start3A_52 = tpu.memref_slice %arg4[%dma_start3A_50, %dma_start3A_51] : memref<10016x128xf32, #tpu.memory_space<hbm>> -> memref<10016x128xf32, #tpu.memory_space<hbm>>
    tpu.enqueue_indirect_dma source(%dma_start3A_52 : memref<10016x128xf32, #tpu.memory_space<hbm>>) target(%arg15 : memref<64x128xf32, #tpu.memory_space<vmem>>) offsets(%arg9 : memref<64xi32, #tpu.memory_space<vmem>>) semaphore(%arg20 : memref<!tpu.dma_semaphore, #tpu.memory_space<semaphore_mem>>)
    %scan3A = arith.constant 0 : i32
    %scan3A_53 = arith.constant 0 : i32
    %scan3A_54 = arith.constant 79 : i32
    %scan3A_55 = arith.addi %scan3A_53, %scan3A_54 : i32
    %scan3A_56 = arith.constant 1 : i32
    scf.for %scan3A_107 = %scan3A_53 to %scan3A_55 step %scan3A_56  : i32 {
      %mul3A_108 = arith.constant 2 : i32
      %mul3A_109 = arith.muli %mul3A_108, %scan3A_107 : i32
      %add3A_110 = arith.constant 1 : i32
      %add3A_111 = arith.addi %mul3A_109, %add3A_110 : i32
      %mul3A_112 = arith.constant 64 : i32
      %mul3A_113 = arith.muli %add3A_111, %mul3A_112 : i32
      %add3A_114 = arith.addi %mul3A_42, %mul3A_113 : i32
      "tpu.region"() ({
        %run_scoped3A = tpu.sem_alloc : memref<!tpu.dma_semaphore, #tpu.memory_space<semaphore_mem>>
        %dma_start3A_170 = tpu.memref_slice %arg5[%add3A_114] : memref<323648xi32, #tpu.memory_space<hbm>> -> memref<64xi32, #tpu.memory_space<hbm>>
        %dma_start3A_171 = tpu.memref_slice %arg5[%add3A_114] : memref<323648xi32, #tpu.memory_space<hbm>> -> memref<64xi32, #tpu.memory_space<hbm>>
        tpu.enqueue_dma source(%dma_start3A_171 : memref<64xi32, #tpu.memory_space<hbm>>) target(%arg11 : memref<64xi32, #tpu.memory_space<vmem>>) target_semaphore(%run_scoped3A : memref<!tpu.dma_semaphore, #tpu.memory_space<semaphore_mem>>)
        %dma_wait3A_172 = tpu.memref_slice %arg5[%add3A_114] : memref<323648xi32, #tpu.memory_space<hbm>> -> memref<64xi32, #tpu.memory_space<hbm>>
        %dma_wait3A_173 = tpu.memref_slice %arg5[%add3A_114] : memref<323648xi32, #tpu.memory_space<hbm>> -> memref<64xi32, #tpu.memory_space<hbm>>
        tpu.wait_dma2 semaphore(%run_scoped3A : memref<!tpu.dma_semaphore, #tpu.memory_space<semaphore_mem>>) src(%dma_wait3A_173 : memref<64xi32, #tpu.memory_space<hbm>>) dst(%arg11 : memref<64xi32, #tpu.memory_space<vmem>>)
        tpu.yield
      }) : () -> ()
      "tpu.region"() ({
        %run_scoped3A = tpu.sem_alloc : memref<!tpu.dma_semaphore, #tpu.memory_space<semaphore_mem>>
        %dma_start3A_170 = tpu.memref_slice %arg6[%add3A_114] : memref<323648xi32, #tpu.memory_space<hbm>> -> memref<64xi32, #tpu.memory_space<hbm>>
        %dma_start3A_171 = tpu.memref_slice %arg6[%add3A_114] : memref<323648xi32, #tpu.memory_space<hbm>> -> memref<64xi32, #tpu.memory_space<hbm>>
        tpu.enqueue_dma source(%dma_start3A_171 : memref<64xi32, #tpu.memory_space<hbm>>) target(%arg12 : memref<64xi32, #tpu.memory_space<vmem>>) target_semaphore(%run_scoped3A : memref<!tpu.dma_semaphore, #tpu.memory_space<semaphore_mem>>)
        %dma_wait3A_172 = tpu.memref_slice %arg6[%add3A_114] : memref<323648xi32, #tpu.memory_space<hbm>> -> memref<64xi32, #tpu.memory_space<hbm>>
        %dma_wait3A_173 = tpu.memref_slice %arg6[%add3A_114] : memref<323648xi32, #tpu.memory_space<hbm>> -> memref<64xi32, #tpu.memory_space<hbm>>
        tpu.wait_dma2 semaphore(%run_scoped3A : memref<!tpu.dma_semaphore, #tpu.memory_space<semaphore_mem>>) src(%dma_wait3A_173 : memref<64xi32, #tpu.memory_space<hbm>>) dst(%arg12 : memref<64xi32, #tpu.memory_space<vmem>>)
        tpu.yield
      }) : () -> ()
      %dma_start3A_115 = arith.constant 0 : i32
      %dma_start3A_116 = arith.constant 0 : i32
      %dma_start3A_117 = tpu.memref_slice %arg2[%dma_start3A_115, %dma_start3A_116] : memref<10016x128xf32, #tpu.memory_space<hbm>> -> memref<10016x128xf32, #tpu.memory_space<hbm>>
      tpu.enqueue_indirect_dma source(%dma_start3A_117 : memref<10016x128xf32, #tpu.memory_space<hbm>>) target(%arg16 : memref<64x128xf32, #tpu.memory_space<vmem>>) offsets(%arg11 : memref<64xi32, #tpu.memory_space<vmem>>) semaphore(%arg21 : memref<!tpu.dma_semaphore, #tpu.memory_space<semaphore_mem>>)
      %dma_start3A_118 = arith.constant 0 : i32
      %dma_start3A_119 = arith.constant 0 : i32
      %dma_start3A_120 = tpu.memref_slice %arg3[%dma_start3A_118, %dma_start3A_119] : memref<10016x128xf32, #tpu.memory_space<hbm>> -> memref<10016x128xf32, #tpu.memory_space<hbm>>
      tpu.enqueue_indirect_dma source(%dma_start3A_120 : memref<10016x128xf32, #tpu.memory_space<hbm>>) target(%arg17 : memref<64x128xf32, #tpu.memory_space<vmem>>) offsets(%arg12 : memref<64xi32, #tpu.memory_space<vmem>>) semaphore(%arg21 : memref<!tpu.dma_semaphore, #tpu.memory_space<semaphore_mem>>)
      %dma_start3A_121 = arith.constant 0 : i32
      %dma_start3A_122 = arith.constant 0 : i32
      %dma_start3A_123 = tpu.memref_slice %arg4[%dma_start3A_121, %dma_start3A_122] : memref<10016x128xf32, #tpu.memory_space<hbm>> -> memref<10016x128xf32, #tpu.memory_space<hbm>>
      tpu.enqueue_indirect_dma source(%dma_start3A_123 : memref<10016x128xf32, #tpu.memory_space<hbm>>) target(%arg18 : memref<64x128xf32, #tpu.memory_space<vmem>>) offsets(%arg11 : memref<64xi32, #tpu.memory_space<vmem>>) semaphore(%arg21 : memref<!tpu.dma_semaphore, #tpu.memory_space<semaphore_mem>>)
      %dma_wait3A_124 = arith.constant 0 : i32
      %dma_wait3A_125 = arith.constant 0 : i32
      %dma_wait3A_126 = tpu.memref_slice %arg2[%dma_wait3A_124, %dma_wait3A_125] : memref<10016x128xf32, #tpu.memory_space<hbm>> -> memref<10016x128xf32, #tpu.memory_space<hbm>>
      tpu.wait_indirect_dma semaphore(%arg20 : memref<!tpu.dma_semaphore, #tpu.memory_space<semaphore_mem>>) src(%dma_wait3A_126 : memref<10016x128xf32, #tpu.memory_space<hbm>>) dst(%arg13 : memref<64x128xf32, #tpu.memory_space<vmem>>)
      %dma_wait3A_127 = arith.constant 0 : i32
      %dma_wait3A_128 = arith.constant 0 : i32
      %dma_wait3A_129 = tpu.memref_slice %arg3[%dma_wait3A_127, %dma_wait3A_128] : memref<10016x128xf32, #tpu.memory_space<hbm>> -> memref<10016x128xf32, #tpu.memory_space<hbm>>
      tpu.wait_indirect_dma semaphore(%arg20 : memref<!tpu.dma_semaphore, #tpu.memory_space<semaphore_mem>>) src(%dma_wait3A_129 : memref<10016x128xf32, #tpu.memory_space<hbm>>) dst(%arg14 : memref<64x128xf32, #tpu.memory_space<vmem>>)
      %dma_wait3A_130 = arith.constant 0 : i32
      %dma_wait3A_131 = arith.constant 0 : i32
      %dma_wait3A_132 = tpu.memref_slice %arg4[%dma_wait3A_130, %dma_wait3A_131] : memref<10016x128xf32, #tpu.memory_space<hbm>> -> memref<10016x128xf32, #tpu.memory_space<hbm>>
      tpu.wait_indirect_dma semaphore(%arg20 : memref<!tpu.dma_semaphore, #tpu.memory_space<semaphore_mem>>) src(%dma_wait3A_132 : memref<10016x128xf32, #tpu.memory_space<hbm>>) dst(%arg15 : memref<64x128xf32, #tpu.memory_space<vmem>>)
      %scan3A_133 = arith.constant 0 : i32
      %scan3A_134 = arith.constant 0 : i32
      %scan3A_135 = arith.constant 64 : i32
      %scan3A_136 = arith.addi %scan3A_134, %scan3A_135 : i32
      %scan3A_137 = arith.constant 1 : i32
      scf.for %scan3A_170 = %scan3A_134 to %scan3A_136 step %scan3A_137  : i32 {
        %broadcast_in_dim3A = arith.constant -1.000000e+30 : f32
        %broadcast_in_dim3A_171 = vector.broadcast %broadcast_in_dim3A : f32 to vector<16xf32>
        %get3A = arith.index_cast %scan3A_170 : i32 to index
        %get3A_172 = arith.constant 0 : index
        %get3A_173 = tpu.vector_load %arg13[%get3A, %get3A_172] {strides = array<i32>} : memref<64x128xf32, #tpu.memory_space<vmem>>, vector<16xf32>,
        %get3A_174 = arith.index_cast %scan3A_170 : i32 to index
        %get3A_175 = arith.constant 0 : index
        %get3A_176 = tpu.vector_load %arg14[%get3A_174, %get3A_175] {strides = array<i32>} : memref<64x128xf32, #tpu.memory_space<vmem>>, vector<16xf32>,
        %mul3A_177 = arith.mulf %get3A_173, %get3A_176 : vector<16xf32>
        %reduce_sum3A = arith.constant true
        %reduce_sum3A_178 = vector.broadcast %reduce_sum3A : i1 to vector<16xi1>
        %reduce_sum3A_179 = tpu.scan <sum>, %mul3A_177 masked %reduce_sum3A_178 : vector<16xf32>, vector<16xi1> -> vector<16xf32>
        %reduce_sum3A_180 = vector.extract %reduce_sum3A_179[15] : f32 from vector<16xf32>
        %eq3A = arith.constant 0 : i32
        %eq3A_181 = vector.broadcast %eq3A : i32 to vector<16xi32>
        %eq3A_182 = arith.cmpi eq, %iota3A, %eq3A_181 : vector<16xi32>
        %broadcast_in_dim3A_183 = vector.broadcast %reduce_sum3A_180 : f32 to vector<16xf32>
        %select_n3A = arith.select %eq3A_182, %broadcast_in_dim3A_183, %broadcast_in_dim3A_171 : vector<16xi1>, vector<16xf32>
        %get3A_184 = arith.index_cast %scan3A_170 : i32 to index
        %get3A_185 = arith.constant 16 : index
        %get3A_186 = tpu.vector_load %arg13[%get3A_184, %get3A_185] {strides = array<i32>} : memref<64x128xf32, #tpu.memory_space<vmem>>, vector<16xf32>,
        %get3A_187 = arith.index_cast %scan3A_170 : i32 to index
        %get3A_188 = arith.constant 16 : index
        %get3A_189 = tpu.vector_load %arg14[%get3A_187, %get3A_188] {strides = array<i32>} : memref<64x128xf32, #tpu.memory_space<vmem>>, vector<16xf32>,
        %mul3A_190 = arith.mulf %get3A_186, %get3A_189 : vector<16xf32>
        %reduce_sum3A_191 = arith.constant true
        %reduce_sum3A_192 = vector.broadcast %reduce_sum3A_191 : i1 to vector<16xi1>
        %reduce_sum3A_193 = tpu.scan <sum>, %mul3A_190 masked %reduce_sum3A_192 : vector<16xf32>, vector<16xi1> -> vector<16xf32>
        %reduce_sum3A_194 = vector.extract %reduce_sum3A_193[15] : f32 from vector<16xf32>
        %eq3A_195 = arith.constant 1 : i32
        %eq3A_196 = vector.broadcast %eq3A_195 : i32 to vector<16xi32>
        %eq3A_197 = arith.cmpi eq, %iota3A, %eq3A_196 : vector<16xi32>
        %broadcast_in_dim3A_198 = vector.broadcast %reduce_sum3A_194 : f32 to vector<16xf32>
        %select_n3A_199 = arith.select %eq3A_197, %broadcast_in_dim3A_198, %select_n3A : vector<16xi1>, vector<16xf32>
        %get3A_200 = arith.index_cast %scan3A_170 : i32 to index
        %get3A_201 = arith.constant 32 : index
        %get3A_202 = tpu.vector_load %arg13[%get3A_200, %get3A_201] {strides = array<i32>} : memref<64x128xf32, #tpu.memory_space<vmem>>, vector<16xf32>,
        %get3A_203 = arith.index_cast %scan3A_170 : i32 to index
        %get3A_204 = arith.constant 32 : index
        %get3A_205 = tpu.vector_load %arg14[%get3A_203, %get3A_204] {strides = array<i32>} : memref<64x128xf32, #tpu.memory_space<vmem>>, vector<16xf32>,
        %mul3A_206 = arith.mulf %get3A_202, %get3A_205 : vector<16xf32>
        %reduce_sum3A_207 = arith.constant true
        %reduce_sum3A_208 = vector.broadcast %reduce_sum3A_207 : i1 to vector<16xi1>
        %reduce_sum3A_209 = tpu.scan <sum>, %mul3A_206 masked %reduce_sum3A_208 : vector<16xf32>, vector<16xi1> -> vector<16xf32>
        %reduce_sum3A_210 = vector.extract %reduce_sum3A_209[15] : f32 from vector<16xf32>
        %eq3A_211 = arith.constant 2 : i32
        %eq3A_212 = vector.broadcast %eq3A_211 : i32 to vector<16xi32>
        %eq3A_213 = arith.cmpi eq, %iota3A, %eq3A_212 : vector<16xi32>
        %broadcast_in_dim3A_214 = vector.broadcast %reduce_sum3A_210 : f32 to vector<16xf32>
        %select_n3A_215 = arith.select %eq3A_213, %broadcast_in_dim3A_214, %select_n3A_199 : vector<16xi1>, vector<16xf32>
        %get3A_216 = arith.index_cast %scan3A_170 : i32 to index
        %get3A_217 = arith.constant 48 : index
        %get3A_218 = tpu.vector_load %arg13[%get3A_216, %get3A_217] {strides = array<i32>} : memref<64x128xf32, #tpu.memory_space<vmem>>, vector<16xf32>,
        %get3A_219 = arith.index_cast %scan3A_170 : i32 to index
        %get3A_220 = arith.constant 48 : index
        %get3A_221 = tpu.vector_load %arg14[%get3A_219, %get3A_220] {strides = array<i32>} : memref<64x128xf32, #tpu.memory_space<vmem>>, vector<16xf32>,
        %mul3A_222 = arith.mulf %get3A_218, %get3A_221 : vector<16xf32>
        %reduce_sum3A_223 = arith.constant true
        %reduce_sum3A_224 = vector.broadcast %reduce_sum3A_223 : i1 to vector<16xi1>
        %reduce_sum3A_225 = tpu.scan <sum>, %mul3A_222 masked %reduce_sum3A_224 : vector<16xf32>, vector<16xi1> -> vector<16xf32>
        %reduce_sum3A_226 = vector.extract %reduce_sum3A_225[15] : f32 from vector<16xf32>
        %eq3A_227 = arith.constant 3 : i32
        %eq3A_228 = vector.broadcast %eq3A_227 : i32 to vector<16xi32>
        %eq3A_229 = arith.cmpi eq, %iota3A, %eq3A_228 : vector<16xi32>
        %broadcast_in_dim3A_230 = vector.broadcast %reduce_sum3A_226 : f32 to vector<16xf32>
        %select_n3A_231 = arith.select %eq3A_229, %broadcast_in_dim3A_230, %select_n3A_215 : vector<16xi1>, vector<16xf32>
        %get3A_232 = arith.index_cast %scan3A_170 : i32 to index
        %get3A_233 = arith.constant 64 : index
        %get3A_234 = tpu.vector_load %arg13[%get3A_232, %get3A_233] {strides = array<i32>} : memref<64x128xf32, #tpu.memory_space<vmem>>, vector<16xf32>,
        %get3A_235 = arith.index_cast %scan3A_170 : i32 to index
        %get3A_236 = arith.constant 64 : index
        %get3A_237 = tpu.vector_load %arg14[%get3A_235, %get3A_236] {strides = array<i32>} : memref<64x128xf32, #tpu.memory_space<vmem>>, vector<16xf32>,
        %mul3A_238 = arith.mulf %get3A_234, %get3A_237 : vector<16xf32>
        %reduce_sum3A_239 = arith.constant true
        %reduce_sum3A_240 = vector.broadcast %reduce_sum3A_239 : i1 to vector<16xi1>
        %reduce_sum3A_241 = tpu.scan <sum>, %mul3A_238 masked %reduce_sum3A_240 : vector<16xf32>, vector<16xi1> -> vector<16xf32>
        %reduce_sum3A_242 = vector.extract %reduce_sum3A_241[15] : f32 from vector<16xf32>
        %eq3A_243 = arith.constant 4 : i32
        %eq3A_244 = vector.broadcast %eq3A_243 : i32 to vector<16xi32>
        %eq3A_245 = arith.cmpi eq, %iota3A, %eq3A_244 : vector<16xi32>
        %broadcast_in_dim3A_246 = vector.broadcast %reduce_sum3A_242 : f32 to vector<16xf32>
        %select_n3A_247 = arith.select %eq3A_245, %broadcast_in_dim3A_246, %select_n3A_231 : vector<16xi1>, vector<16xf32>
        %get3A_248 = arith.index_cast %scan3A_170 : i32 to index
        %get3A_249 = arith.constant 80 : index
        %get3A_250 = tpu.vector_load %arg13[%get3A_248, %get3A_249] {strides = array<i32>} : memref<64x128xf32, #tpu.memory_space<vmem>>, vector<16xf32>,
        %get3A_251 = arith.index_cast %scan3A_170 : i32 to index
        %get3A_252 = arith.constant 80 : index
        %get3A_253 = tpu.vector_load %arg14[%get3A_251, %get3A_252] {strides = array<i32>} : memref<64x128xf32, #tpu.memory_space<vmem>>, vector<16xf32>,
        %mul3A_254 = arith.mulf %get3A_250, %get3A_253 : vector<16xf32>
        %reduce_sum3A_255 = arith.constant true
        %reduce_sum3A_256 = vector.broadcast %reduce_sum3A_255 : i1 to vector<16xi1>
        %reduce_sum3A_257 = tpu.scan <sum>, %mul3A_254 masked %reduce_sum3A_256 : vector<16xf32>, vector<16xi1> -> vector<16xf32>
        %reduce_sum3A_258 = vector.extract %reduce_sum3A_257[15] : f32 from vector<16xf32>
        %eq3A_259 = arith.constant 5 : i32
        %eq3A_260 = vector.broadcast %eq3A_259 : i32 to vector<16xi32>
        %eq3A_261 = arith.cmpi eq, %iota3A, %eq3A_260 : vector<16xi32>
        %broadcast_in_dim3A_262 = vector.broadcast %reduce_sum3A_258 : f32 to vector<16xf32>
        %select_n3A_263 = arith.select %eq3A_261, %broadcast_in_dim3A_262, %select_n3A_247 : vector<16xi1>, vector<16xf32>
        %get3A_264 = arith.index_cast %scan3A_170 : i32 to index
        %get3A_265 = arith.constant 96 : index
        %get3A_266 = tpu.vector_load %arg13[%get3A_264, %get3A_265] {strides = array<i32>} : memref<64x128xf32, #tpu.memory_space<vmem>>, vector<16xf32>,
        %get3A_267 = arith.index_cast %scan3A_170 : i32 to index
        %get3A_268 = arith.constant 96 : index
        %get3A_269 = tpu.vector_load %arg14[%get3A_267, %get3A_268] {strides = array<i32>} : memref<64x128xf32, #tpu.memory_space<vmem>>, vector<16xf32>,
        %mul3A_270 = arith.mulf %get3A_266, %get3A_269 : vector<16xf32>
        %reduce_sum3A_271 = arith.constant true
        %reduce_sum3A_272 = vector.broadcast %reduce_sum3A_271 : i1 to vector<16xi1>
        %reduce_sum3A_273 = tpu.scan <sum>, %mul3A_270 masked %reduce_sum3A_272 : vector<16xf32>, vector<16xi1> -> vector<16xf32>
        %reduce_sum3A_274 = vector.extract %reduce_sum3A_273[15] : f32 from vector<16xf32>
        %eq3A_275 = arith.constant 6 : i32
        %eq3A_276 = vector.broadcast %eq3A_275 : i32 to vector<16xi32>
        %eq3A_277 = arith.cmpi eq, %iota3A, %eq3A_276 : vector<16xi32>
        %broadcast_in_dim3A_278 = vector.broadcast %reduce_sum3A_274 : f32 to vector<16xf32>
        %select_n3A_279 = arith.select %eq3A_277, %broadcast_in_dim3A_278, %select_n3A_263 : vector<16xi1>, vector<16xf32>
        %get3A_280 = arith.index_cast %scan3A_170 : i32 to index
        %get3A_281 = arith.constant 112 : index
        %get3A_282 = tpu.vector_load %arg13[%get3A_280, %get3A_281] {strides = array<i32>} : memref<64x128xf32, #tpu.memory_space<vmem>>, vector<16xf32>,
        %get3A_283 = arith.index_cast %scan3A_170 : i32 to index
        %get3A_284 = arith.constant 112 : index
        %get3A_285 = tpu.vector_load %arg14[%get3A_283, %get3A_284] {strides = array<i32>} : memref<64x128xf32, #tpu.memory_space<vmem>>, vector<16xf32>,
        %mul3A_286 = arith.mulf %get3A_282, %get3A_285 : vector<16xf32>
        %reduce_sum3A_287 = arith.constant true
        %reduce_sum3A_288 = vector.broadcast %reduce_sum3A_287 : i1 to vector<16xi1>
        %reduce_sum3A_289 = tpu.scan <sum>, %mul3A_286 masked %reduce_sum3A_288 : vector<16xf32>, vector<16xi1> -> vector<16xf32>
        %reduce_sum3A_290 = vector.extract %reduce_sum3A_289[15] : f32 from vector<16xf32>
        %eq3A_291 = arith.constant 7 : i32
        %eq3A_292 = vector.broadcast %eq3A_291 : i32 to vector<16xi32>
        %eq3A_293 = arith.cmpi eq, %iota3A, %eq3A_292 : vector<16xi32>
        %broadcast_in_dim3A_294 = vector.broadcast %reduce_sum3A_290 : f32 to vector<16xf32>
        %select_n3A_295 = arith.select %eq3A_293, %broadcast_in_dim3A_294, %select_n3A_279 : vector<16xi1>, vector<16xf32>
        %reduce_max3A = arith.constant true
        %reduce_max3A_296 = vector.broadcast %reduce_max3A : i1 to vector<16xi1>
        %reduce_max3A_297 = tpu.scan <max>, %select_n3A_295 masked %reduce_max3A_296 : vector<16xf32>, vector<16xi1> -> vector<16xf32>
        %reduce_max3A_298 = vector.extract %reduce_max3A_297[15] : f32 from vector<16xf32>
        %sub3A = vector.broadcast %reduce_max3A_298 : f32 to vector<16xf32>
        %sub3A_299 = arith.subf %select_n3A_295, %sub3A : vector<16xf32>
        %exp3A = math.exp %sub3A_299 : vector<16xf32>
        %reduce_sum3A_300 = arith.constant true
        %reduce_sum3A_301 = vector.broadcast %reduce_sum3A_300 : i1 to vector<16xi1>
        %reduce_sum3A_302 = tpu.scan <sum>, %exp3A masked %reduce_sum3A_301 : vector<16xf32>, vector<16xi1> -> vector<16xf32>
        %reduce_sum3A_303 = vector.extract %reduce_sum3A_302[15] : f32 from vector<16xf32>
        %div3A = vector.broadcast %reduce_sum3A_303 : f32 to vector<16xf32>
        %div3A_304 = arith.divf %exp3A, %div3A : vector<16xf32>
        %broadcast_in_dim3A_305 = arith.constant 0 : i32
        %broadcast_in_dim3A_306 = vector.broadcast %broadcast_in_dim3A_305 : i32 to vector<16xi32>
        %lt3A = arith.constant 0 : i32
        %lt3A_307 = vector.broadcast %lt3A : i32 to vector<16xi32>
        %lt3A_308 = arith.cmpi slt, %broadcast_in_dim3A_306, %lt3A_307 : vector<16xi32>
        %add3A_309 = arith.constant 16 : i32
        %add3A_310 = vector.broadcast %add3A_309 : i32 to vector<16xi32>
        %add3A_311 = arith.addi %broadcast_in_dim3A_306, %add3A_310 : vector<16xi32>
        %select_n3A_312 = arith.select %lt3A_308, %add3A_311, %broadcast_in_dim3A_306 : vector<16xi1>, vector<16xi32>
        %broadcast_in_dim3A_313 = vector.shape_cast %select_n3A_312 : vector<16xi32> to vector<16x1xi32>
        %gather3A = vector.shape_cast %broadcast_in_dim3A_313 : vector<16x1xi32> to vector<16xi32>
        %gather3A_314 = tpu.dynamic_gather %div3A_304[%gather3A] in [0] : vector<16xf32>, vector<16xi32> -> vector<16xf32>
        %get3A_315 = arith.index_cast %scan3A_170 : i32 to index
        %get3A_316 = arith.constant 0 : index
        %get3A_317 = tpu.vector_load %arg15[%get3A_315, %get3A_316] {strides = array<i32>} : memref<64x128xf32, #tpu.memory_space<vmem>>, vector<16xf32>,
        %mul3A_318 = arith.mulf %get3A_317, %gather3A_314 : vector<16xf32>
        %swap3A = arith.index_cast %scan3A_170 : i32 to index
        %swap3A_319 = arith.constant 0 : index
        %swap3A_320 = tpu.vector_load %arg15[%swap3A, %swap3A_319] {strides = array<i32>} : memref<64x128xf32, #tpu.memory_space<vmem>>, vector<16xf32>,
        tpu.vector_store %arg15[%swap3A, %swap3A_319], %mul3A_318 {strides = array<i32>} : memref<64x128xf32, #tpu.memory_space<vmem>>, vector<16xf32>,
        %broadcast_in_dim3A_321 = arith.constant 1 : i32
        %broadcast_in_dim3A_322 = vector.broadcast %broadcast_in_dim3A_321 : i32 to vector<16xi32>
        %lt3A_323 = arith.constant 0 : i32
        %lt3A_324 = vector.broadcast %lt3A_323 : i32 to vector<16xi32>
        %lt3A_325 = arith.cmpi slt, %broadcast_in_dim3A_322, %lt3A_324 : vector<16xi32>
        %add3A_326 = arith.constant 16 : i32
        %add3A_327 = vector.broadcast %add3A_326 : i32 to vector<16xi32>
        %add3A_328 = arith.addi %broadcast_in_dim3A_322, %add3A_327 : vector<16xi32>
        %select_n3A_329 = arith.select %lt3A_325, %add3A_328, %broadcast_in_dim3A_322 : vector<16xi1>, vector<16xi32>
        %broadcast_in_dim3A_330 = vector.shape_cast %select_n3A_329 : vector<16xi32> to vector<16x1xi32>
        %gather3A_331 = vector.shape_cast %broadcast_in_dim3A_330 : vector<16x1xi32> to vector<16xi32>
        %gather3A_332 = tpu.dynamic_gather %div3A_304[%gather3A_331] in [0] : vector<16xf32>, vector<16xi32> -> vector<16xf32>
        %get3A_333 = arith.index_cast %scan3A_170 : i32 to index
        %get3A_334 = arith.constant 16 : index
        %get3A_335 = tpu.vector_load %arg15[%get3A_333, %get3A_334] {strides = array<i32>} : memref<64x128xf32, #tpu.memory_space<vmem>>, vector<16xf32>,
        %mul3A_336 = arith.mulf %get3A_335, %gather3A_332 : vector<16xf32>
        %swap3A_337 = arith.index_cast %scan3A_170 : i32 to index
        %swap3A_338 = arith.constant 16 : index
        %swap3A_339 = tpu.vector_load %arg15[%swap3A_337, %swap3A_338] {strides = array<i32>} : memref<64x128xf32, #tpu.memory_space<vmem>>, vector<16xf32>,
        tpu.vector_store %arg15[%swap3A_337, %swap3A_338], %mul3A_336 {strides = array<i32>} : memref<64x128xf32, #tpu.memory_space<vmem>>, vector<16xf32>,
        %broadcast_in_dim3A_340 = arith.constant 2 : i32
        %broadcast_in_dim3A_341 = vector.broadcast %broadcast_in_dim3A_340 : i32 to vector<16xi32>
        %lt3A_342 = arith.constant 0 : i32
        %lt3A_343 = vector.broadcast %lt3A_342 : i32 to vector<16xi32>
        %lt3A_344 = arith.cmpi slt, %broadcast_in_dim3A_341, %lt3A_343 : vector<16xi32>
        %add3A_345 = arith.constant 16 : i32
        %add3A_346 = vector.broadcast %add3A_345 : i32 to vector<16xi32>
        %add3A_347 = arith.addi %broadcast_in_dim3A_341, %add3A_346 : vector<16xi32>
        %select_n3A_348 = arith.select %lt3A_344, %add3A_347, %broadcast_in_dim3A_341 : vector<16xi1>, vector<16xi32>
        %broadcast_in_dim3A_349 = vector.shape_cast %select_n3A_348 : vector<16xi32> to vector<16x1xi32>
        %gather3A_350 = vector.shape_cast %broadcast_in_dim3A_349 : vector<16x1xi32> to vector<16xi32>
        %gather3A_351 = tpu.dynamic_gather %div3A_304[%gather3A_350] in [0] : vector<16xf32>, vector<16xi32> -> vector<16xf32>
        %get3A_352 = arith.index_cast %scan3A_170 : i32 to index
        %get3A_353 = arith.constant 32 : index
        %get3A_354 = tpu.vector_load %arg15[%get3A_352, %get3A_353] {strides = array<i32>} : memref<64x128xf32, #tpu.memory_space<vmem>>, vector<16xf32>,
        %mul3A_355 = arith.mulf %get3A_354, %gather3A_351 : vector<16xf32>
        %swap3A_356 = arith.index_cast %scan3A_170 : i32 to index
        %swap3A_357 = arith.constant 32 : index
        %swap3A_358 = tpu.vector_load %arg15[%swap3A_356, %swap3A_357] {strides = array<i32>} : memref<64x128xf32, #tpu.memory_space<vmem>>, vector<16xf32>,
        tpu.vector_store %arg15[%swap3A_356, %swap3A_357], %mul3A_355 {strides = array<i32>} : memref<64x128xf32, #tpu.memory_space<vmem>>, vector<16xf32>,
        %broadcast_in_dim3A_359 = arith.constant 3 : i32
        %broadcast_in_dim3A_360 = vector.broadcast %broadcast_in_dim3A_359 : i32 to vector<16xi32>
        %lt3A_361 = arith.constant 0 : i32
        %lt3A_362 = vector.broadcast %lt3A_361 : i32 to vector<16xi32>
        %lt3A_363 = arith.cmpi slt, %broadcast_in_dim3A_360, %lt3A_362 : vector<16xi32>
        %add3A_364 = arith.constant 16 : i32
        %add3A_365 = vector.broadcast %add3A_364 : i32 to vector<16xi32>
        %add3A_366 = arith.addi %broadcast_in_dim3A_360, %add3A_365 : vector<16xi32>
        %select_n3A_367 = arith.select %lt3A_363, %add3A_366, %broadcast_in_dim3A_360 : vector<16xi1>, vector<16xi32>
        %broadcast_in_dim3A_368 = vector.shape_cast %select_n3A_367 : vector<16xi32> to vector<16x1xi32>
        %gather3A_369 = vector.shape_cast %broadcast_in_dim3A_368 : vector<16x1xi32> to vector<16xi32>
        %gather3A_370 = tpu.dynamic_gather %div3A_304[%gather3A_369] in [0] : vector<16xf32>, vector<16xi32> -> vector<16xf32>
        %get3A_371 = arith.index_cast %scan3A_170 : i32 to index
        %get3A_372 = arith.constant 48 : index
        %get3A_373 = tpu.vector_load %arg15[%get3A_371, %get3A_372] {strides = array<i32>} : memref<64x128xf32, #tpu.memory_space<vmem>>, vector<16xf32>,
        %mul3A_374 = arith.mulf %get3A_373, %gather3A_370 : vector<16xf32>
        %swap3A_375 = arith.index_cast %scan3A_170 : i32 to index
        %swap3A_376 = arith.constant 48 : index
        %swap3A_377 = tpu.vector_load %arg15[%swap3A_375, %swap3A_376] {strides = array<i32>} : memref<64x128xf32, #tpu.memory_space<vmem>>, vector<16xf32>,
        tpu.vector_store %arg15[%swap3A_375, %swap3A_376], %mul3A_374 {strides = array<i32>} : memref<64x128xf32, #tpu.memory_space<vmem>>, vector<16xf32>,
        %broadcast_in_dim3A_378 = arith.constant 4 : i32
        %broadcast_in_dim3A_379 = vector.broadcast %broadcast_in_dim3A_378 : i32 to vector<16xi32>
        %lt3A_380 = arith.constant 0 : i32
        %lt3A_381 = vector.broadcast %lt3A_380 : i32 to vector<16xi32>
        %lt3A_382 = arith.cmpi slt, %broadcast_in_dim3A_379, %lt3A_381 : vector<16xi32>
        %add3A_383 = arith.constant 16 : i32
        %add3A_384 = vector.broadcast %add3A_383 : i32 to vector<16xi32>
        %add3A_385 = arith.addi %broadcast_in_dim3A_379, %add3A_384 : vector<16xi32>
        %select_n3A_386 = arith.select %lt3A_382, %add3A_385, %broadcast_in_dim3A_379 : vector<16xi1>, vector<16xi32>
        %broadcast_in_dim3A_387 = vector.shape_cast %select_n3A_386 : vector<16xi32> to vector<16x1xi32>
        %gather3A_388 = vector.shape_cast %broadcast_in_dim3A_387 : vector<16x1xi32> to vector<16xi32>
        %gather3A_389 = tpu.dynamic_gather %div3A_304[%gather3A_388] in [0] : vector<16xf32>, vector<16xi32> -> vector<16xf32>
        %get3A_390 = arith.index_cast %scan3A_170 : i32 to index
        %get3A_391 = arith.constant 64 : index
        %get3A_392 = tpu.vector_load %arg15[%get3A_390, %get3A_391] {strides = array<i32>} : memref<64x128xf32, #tpu.memory_space<vmem>>, vector<16xf32>,
        %mul3A_393 = arith.mulf %get3A_392, %gather3A_389 : vector<16xf32>
        %swap3A_394 = arith.index_cast %scan3A_170 : i32 to index
        %swap3A_395 = arith.constant 64 : index
        %swap3A_396 = tpu.vector_load %arg15[%swap3A_394, %swap3A_395] {strides = array<i32>} : memref<64x128xf32, #tpu.memory_space<vmem>>, vector<16xf32>,
        tpu.vector_store %arg15[%swap3A_394, %swap3A_395], %mul3A_393 {strides = array<i32>} : memref<64x128xf32, #tpu.memory_space<vmem>>, vector<16xf32>,
        %broadcast_in_dim3A_397 = arith.constant 5 : i32
        %broadcast_in_dim3A_398 = vector.broadcast %broadcast_in_dim3A_397 : i32 to vector<16xi32>
        %lt3A_399 = arith.constant 0 : i32
        %lt3A_400 = vector.broadcast %lt3A_399 : i32 to vector<16xi32>
        %lt3A_401 = arith.cmpi slt, %broadcast_in_dim3A_398, %lt3A_400 : vector<16xi32>
        %add3A_402 = arith.constant 16 : i32
        %add3A_403 = vector.broadcast %add3A_402 : i32 to vector<16xi32>
        %add3A_404 = arith.addi %broadcast_in_dim3A_398, %add3A_403 : vector<16xi32>
        %select_n3A_405 = arith.select %lt3A_401, %add3A_404, %broadcast_in_dim3A_398 : vector<16xi1>, vector<16xi32>
        %broadcast_in_dim3A_406 = vector.shape_cast %select_n3A_405 : vector<16xi32> to vector<16x1xi32>
        %gather3A_407 = vector.shape_cast %broadcast_in_dim3A_406 : vector<16x1xi32> to vector<16xi32>
        %gather3A_408 = tpu.dynamic_gather %div3A_304[%gather3A_407] in [0] : vector<16xf32>, vector<16xi32> -> vector<16xf32>
        %get3A_409 = arith.index_cast %scan3A_170 : i32 to index
        %get3A_410 = arith.constant 80 : index
        %get3A_411 = tpu.vector_load %arg15[%get3A_409, %get3A_410] {strides = array<i32>} : memref<64x128xf32, #tpu.memory_space<vmem>>, vector<16xf32>,
        %mul3A_412 = arith.mulf %get3A_411, %gather3A_408 : vector<16xf32>
        %swap3A_413 = arith.index_cast %scan3A_170 : i32 to index
        %swap3A_414 = arith.constant 80 : index
        %swap3A_415 = tpu.vector_load %arg15[%swap3A_413, %swap3A_414] {strides = array<i32>} : memref<64x128xf32, #tpu.memory_space<vmem>>, vector<16xf32>,
        tpu.vector_store %arg15[%swap3A_413, %swap3A_414], %mul3A_412 {strides = array<i32>} : memref<64x128xf32, #tpu.memory_space<vmem>>, vector<16xf32>,
        %broadcast_in_dim3A_416 = arith.constant 6 : i32
        %broadcast_in_dim3A_417 = vector.broadcast %broadcast_in_dim3A_416 : i32 to vector<16xi32>
        %lt3A_418 = arith.constant 0 : i32
        %lt3A_419 = vector.broadcast %lt3A_418 : i32 to vector<16xi32>
        %lt3A_420 = arith.cmpi slt, %broadcast_in_dim3A_417, %lt3A_419 : vector<16xi32>
        %add3A_421 = arith.constant 16 : i32
        %add3A_422 = vector.broadcast %add3A_421 : i32 to vector<16xi32>
        %add3A_423 = arith.addi %broadcast_in_dim3A_417, %add3A_422 : vector<16xi32>
        %select_n3A_424 = arith.select %lt3A_420, %add3A_423, %broadcast_in_dim3A_417 : vector<16xi1>, vector<16xi32>
        %broadcast_in_dim3A_425 = vector.shape_cast %select_n3A_424 : vector<16xi32> to vector<16x1xi32>
        %gather3A_426 = vector.shape_cast %broadcast_in_dim3A_425 : vector<16x1xi32> to vector<16xi32>
        %gather3A_427 = tpu.dynamic_gather %div3A_304[%gather3A_426] in [0] : vector<16xf32>, vector<16xi32> -> vector<16xf32>
        %get3A_428 = arith.index_cast %scan3A_170 : i32 to index
        %get3A_429 = arith.constant 96 : index
        %get3A_430 = tpu.vector_load %arg15[%get3A_428, %get3A_429] {strides = array<i32>} : memref<64x128xf32, #tpu.memory_space<vmem>>, vector<16xf32>,
        %mul3A_431 = arith.mulf %get3A_430, %gather3A_427 : vector<16xf32>
        %swap3A_432 = arith.index_cast %scan3A_170 : i32 to index
        %swap3A_433 = arith.constant 96 : index
        %swap3A_434 = tpu.vector_load %arg15[%swap3A_432, %swap3A_433] {strides = array<i32>} : memref<64x128xf32, #tpu.memory_space<vmem>>, vector<16xf32>,
        tpu.vector_store %arg15[%swap3A_432, %swap3A_433], %mul3A_431 {strides = array<i32>} : memref<64x128xf32, #tpu.memory_space<vmem>>, vector<16xf32>,
        %broadcast_in_dim3A_435 = arith.constant 7 : i32
        %broadcast_in_dim3A_436 = vector.broadcast %broadcast_in_dim3A_435 : i32 to vector<16xi32>
        %lt3A_437 = arith.constant 0 : i32
        %lt3A_438 = vector.broadcast %lt3A_437 : i32 to vector<16xi32>
        %lt3A_439 = arith.cmpi slt, %broadcast_in_dim3A_436, %lt3A_438 : vector<16xi32>
        %add3A_440 = arith.constant 16 : i32
        %add3A_441 = vector.broadcast %add3A_440 : i32 to vector<16xi32>
        %add3A_442 = arith.addi %broadcast_in_dim3A_436, %add3A_441 : vector<16xi32>
        %select_n3A_443 = arith.select %lt3A_439, %add3A_442, %broadcast_in_dim3A_436 : vector<16xi1>, vector<16xi32>
        %broadcast_in_dim3A_444 = vector.shape_cast %select_n3A_443 : vector<16xi32> to vector<16x1xi32>
        %gather3A_445 = vector.shape_cast %broadcast_in_dim3A_444 : vector<16x1xi32> to vector<16xi32>
        %gather3A_446 = tpu.dynamic_gather %div3A_304[%gather3A_445] in [0] : vector<16xf32>, vector<16xi32> -> vector<16xf32>
        %get3A_447 = arith.index_cast %scan3A_170 : i32 to index
        %get3A_448 = arith.constant 112 : index
        %get3A_449 = tpu.vector_load %arg15[%get3A_447, %get3A_448] {strides = array<i32>} : memref<64x128xf32, #tpu.memory_space<vmem>>, vector<16xf32>,
        %mul3A_450 = arith.mulf %get3A_449, %gather3A_446 : vector<16xf32>
        %swap3A_451 = arith.index_cast %scan3A_170 : i32 to index
        %swap3A_452 = arith.constant 112 : index
        %swap3A_453 = tpu.vector_load %arg15[%swap3A_451, %swap3A_452] {strides = array<i32>} : memref<64x128xf32, #tpu.memory_space<vmem>>, vector<16xf32>,
        tpu.vector_store %arg15[%swap3A_451, %swap3A_452], %mul3A_450 {strides = array<i32>} : memref<64x128xf32, #tpu.memory_space<vmem>>, vector<16xf32>,
      }
      %scan3A_138 = arith.constant 64 : i32
      "tpu.region"() ({
        %run_scoped3A = tpu.sem_alloc : memref<!tpu.dma_semaphore, #tpu.memory_space<semaphore_mem>>
        %dma_start3A_170 = arith.constant 0 : i32
        %dma_start3A_171 = arith.constant 0 : i32
        %dma_start3A_172 = tpu.memref_slice %arg19[%dma_start3A_170, %dma_start3A_171] : memref<10000x128xf32, #tpu.memory_space<vmem_shared>> -> memref<10000x128xf32, #tpu.memory_space<vmem_shared>>
        tpu.enqueue_indirect_dma source(%arg15 : memref<64x128xf32, #tpu.memory_space<vmem>>) target(%dma_start3A_172 : memref<10000x128xf32, #tpu.memory_space<vmem_shared>>) offsets(%arg10 : memref<64xi32, #tpu.memory_space<vmem>>) semaphore(%run_scoped3A : memref<!tpu.dma_semaphore, #tpu.memory_space<semaphore_mem>>) {add = true}
        %dma_wait3A_173 = arith.constant 0 : i32
        %dma_wait3A_174 = arith.constant 0 : i32
        %dma_wait3A_175 = tpu.memref_slice %arg19[%dma_wait3A_173, %dma_wait3A_174] : memref<10000x128xf32, #tpu.memory_space<vmem_shared>> -> memref<10000x128xf32, #tpu.memory_space<vmem_shared>>
        tpu.wait_indirect_dma semaphore(%run_scoped3A : memref<!tpu.dma_semaphore, #tpu.memory_space<semaphore_mem>>) src(%arg15 : memref<64x128xf32, #tpu.memory_space<vmem>>) dst(%dma_wait3A_175 : memref<10000x128xf32, #tpu.memory_space<vmem_shared>>)
        tpu.yield
      }) : () -> ()
      %mul3A_139 = arith.constant 2 : i32
      %mul3A_140 = arith.muli %mul3A_139, %scan3A_107 : i32
      %add3A_141 = arith.constant 2 : i32
      %add3A_142 = arith.addi %mul3A_140, %add3A_141 : i32
      %mul3A_143 = arith.constant 64 : i32
      %mul3A_144 = arith.muli %add3A_142, %mul3A_143 : i32
      %add3A_145 = arith.addi %mul3A_42, %mul3A_144 : i32
      "tpu.region"() ({
        %run_scoped3A = tpu.sem_alloc : memref<!tpu.dma_semaphore, #tpu.memory_space<semaphore_mem>>
        %dma_start3A_170 = tpu.memref_slice %arg5[%add3A_145] : memref<323648xi32, #tpu.memory_space<hbm>> -> memref<64xi32, #tpu.memory_space<hbm>>
        %dma_start3A_171 = tpu.memref_slice %arg5[%add3A_145] : memref<323648xi32, #tpu.memory_space<hbm>> -> memref<64xi32, #tpu.memory_space<hbm>>
        tpu.enqueue_dma source(%dma_start3A_171 : memref<64xi32, #tpu.memory_space<hbm>>) target(%arg9 : memref<64xi32, #tpu.memory_space<vmem>>) target_semaphore(%run_scoped3A : memref<!tpu.dma_semaphore, #tpu.memory_space<semaphore_mem>>)
        %dma_wait3A_172 = tpu.memref_slice %arg5[%add3A_145] : memref<323648xi32, #tpu.memory_space<hbm>> -> memref<64xi32, #tpu.memory_space<hbm>>
        %dma_wait3A_173 = tpu.memref_slice %arg5[%add3A_145] : memref<323648xi32, #tpu.memory_space<hbm>> -> memref<64xi32, #tpu.memory_space<hbm>>
        tpu.wait_dma2 semaphore(%run_scoped3A : memref<!tpu.dma_semaphore, #tpu.memory_space<semaphore_mem>>) src(%dma_wait3A_173 : memref<64xi32, #tpu.memory_space<hbm>>) dst(%arg9 : memref<64xi32, #tpu.memory_space<vmem>>)
        tpu.yield
      }) : () -> ()
      "tpu.region"() ({
        %run_scoped3A = tpu.sem_alloc : memref<!tpu.dma_semaphore, #tpu.memory_space<semaphore_mem>>
        %dma_start3A_170 = tpu.memref_slice %arg6[%add3A_145] : memref<323648xi32, #tpu.memory_space<hbm>> -> memref<64xi32, #tpu.memory_space<hbm>>
        %dma_start3A_171 = tpu.memref_slice %arg6[%add3A_145] : memref<323648xi32, #tpu.memory_space<hbm>> -> memref<64xi32, #tpu.memory_space<hbm>>
        tpu.enqueue_dma source(%dma_start3A_171 : memref<64xi32, #tpu.memory_space<hbm>>) target(%arg10 : memref<64xi32, #tpu.memory_space<vmem>>) target_semaphore(%run_scoped3A : memref<!tpu.dma_semaphore, #tpu.memory_space<semaphore_mem>>)
        %dma_wait3A_172 = tpu.memref_slice %arg6[%add3A_145] : memref<323648xi32, #tpu.memory_space<hbm>> -> memref<64xi32, #tpu.memory_space<hbm>>
        %dma_wait3A_173 = tpu.memref_slice %arg6[%add3A_145] : memref<323648xi32, #tpu.memory_space<hbm>> -> memref<64xi32, #tpu.memory_space<hbm>>
        tpu.wait_dma2 semaphore(%run_scoped3A : memref<!tpu.dma_semaphore, #tpu.memory_space<semaphore_mem>>) src(%dma_wait3A_173 : memref<64xi32, #tpu.memory_space<hbm>>) dst(%arg10 : memref<64xi32, #tpu.memory_space<vmem>>)
        tpu.yield
      }) : () -> ()
      %dma_start3A_146 = arith.constant 0 : i32
      %dma_start3A_147 = arith.constant 0 : i32
      %dma_start3A_148 = tpu.memref_slice %arg2[%dma_start3A_146, %dma_start3A_147] : memref<10016x128xf32, #tpu.memory_space<hbm>> -> memref<10016x128xf32, #tpu.memory_space<hbm>>
      tpu.enqueue_indirect_dma source(%dma_start3A_148 : memref<10016x128xf32, #tpu.memory_space<hbm>>) target(%arg13 : memref<64x128xf32, #tpu.memory_space<vmem>>) offsets(%arg9 : memref<64xi32, #tpu.memory_space<vmem>>) semaphore(%arg20 : memref<!tpu.dma_semaphore, #tpu.memory_space<semaphore_mem>>)
      %dma_start3A_149 = arith.constant 0 : i32
      %dma_start3A_150 = arith.constant 0 : i32
      %dma_start3A_151 = tpu.memref_slice %arg3[%dma_start3A_149, %dma_start3A_150] : memref<10016x128xf32, #tpu.memory_space<hbm>> -> memref<10016x128xf32, #tpu.memory_space<hbm>>
      tpu.enqueue_indirect_dma source(%dma_start3A_151 : memref<10016x128xf32, #tpu.memory_space<hbm>>) target(%arg14 : memref<64x128xf32, #tpu.memory_space<vmem>>) offsets(%arg10 : memref<64xi32, #tpu.memory_space<vmem>>) semaphore(%arg20 : memref<!tpu.dma_semaphore, #tpu.memory_space<semaphore_mem>>)
      %dma_start3A_152 = arith.constant 0 : i32
      %dma_start3A_153 = arith.constant 0 : i32
      %dma_start3A_154 = tpu.memref_slice %arg4[%dma_start3A_152, %dma_start3A_153] : memref<10016x128xf32, #tpu.memory_space<hbm>> -> memref<10016x128xf32, #tpu.memory_space<hbm>>
      tpu.enqueue_indirect_dma source(%dma_start3A_154 : memref<10016x128xf32, #tpu.memory_space<hbm>>) target(%arg15 : memref<64x128xf32, #tpu.memory_space<vmem>>) offsets(%arg9 : memref<64xi32, #tpu.memory_space<vmem>>) semaphore(%arg20 : memref<!tpu.dma_semaphore, #tpu.memory_space<semaphore_mem>>)
      %dma_wait3A_155 = arith.constant 0 : i32
      %dma_wait3A_156 = arith.constant 0 : i32
      %dma_wait3A_157 = tpu.memref_slice %arg2[%dma_wait3A_155, %dma_wait3A_156] : memref<10016x128xf32, #tpu.memory_space<hbm>> -> memref<10016x128xf32, #tpu.memory_space<hbm>>
      tpu.wait_indirect_dma semaphore(%arg21 : memref<!tpu.dma_semaphore, #tpu.memory_space<semaphore_mem>>) src(%dma_wait3A_157 : memref<10016x128xf32, #tpu.memory_space<hbm>>) dst(%arg16 : memref<64x128xf32, #tpu.memory_space<vmem>>)
      %dma_wait3A_158 = arith.constant 0 : i32
      %dma_wait3A_159 = arith.constant 0 : i32
      %dma_wait3A_160 = tpu.memref_slice %arg3[%dma_wait3A_158, %dma_wait3A_159] : memref<10016x128xf32, #tpu.memory_space<hbm>> -> memref<10016x128xf32, #tpu.memory_space<hbm>>
      tpu.wait_indirect_dma semaphore(%arg21 : memref<!tpu.dma_semaphore, #tpu.memory_space<semaphore_mem>>) src(%dma_wait3A_160 : memref<10016x128xf32, #tpu.memory_space<hbm>>) dst(%arg17 : memref<64x128xf32, #tpu.memory_space<vmem>>)
      %dma_wait3A_161 = arith.constant 0 : i32
      %dma_wait3A_162 = arith.constant 0 : i32
      %dma_wait3A_163 = tpu.memref_slice %arg4[%dma_wait3A_161, %dma_wait3A_162] : memref<10016x128xf32, #tpu.memory_space<hbm>> -> memref<10016x128xf32, #tpu.memory_space<hbm>>
      tpu.wait_indirect_dma semaphore(%arg21 : memref<!tpu.dma_semaphore, #tpu.memory_space<semaphore_mem>>) src(%dma_wait3A_163 : memref<10016x128xf32, #tpu.memory_space<hbm>>) dst(%arg18 : memref<64x128xf32, #tpu.memory_space<vmem>>)
      %scan3A_164 = arith.constant 0 : i32
      %scan3A_165 = arith.constant 0 : i32
      %scan3A_166 = arith.constant 64 : i32
      %scan3A_167 = arith.addi %scan3A_165, %scan3A_166 : i32
      %scan3A_168 = arith.constant 1 : i32
      scf.for %scan3A_170 = %scan3A_165 to %scan3A_167 step %scan3A_168  : i32 {
        %broadcast_in_dim3A = arith.constant -1.000000e+30 : f32
        %broadcast_in_dim3A_171 = vector.broadcast %broadcast_in_dim3A : f32 to vector<16xf32>
        %get3A = arith.index_cast %scan3A_170 : i32 to index
        %get3A_172 = arith.constant 0 : index
        %get3A_173 = tpu.vector_load %arg16[%get3A, %get3A_172] {strides = array<i32>} : memref<64x128xf32, #tpu.memory_space<vmem>>, vector<16xf32>,
        %get3A_174 = arith.index_cast %scan3A_170 : i32 to index
        %get3A_175 = arith.constant 0 : index
        %get3A_176 = tpu.vector_load %arg17[%get3A_174, %get3A_175] {strides = array<i32>} : memref<64x128xf32, #tpu.memory_space<vmem>>, vector<16xf32>,
        %mul3A_177 = arith.mulf %get3A_173, %get3A_176 : vector<16xf32>
        %reduce_sum3A = arith.constant true
        %reduce_sum3A_178 = vector.broadcast %reduce_sum3A : i1 to vector<16xi1>
        %reduce_sum3A_179 = tpu.scan <sum>, %mul3A_177 masked %reduce_sum3A_178 : vector<16xf32>, vector<16xi1> -> vector<16xf32>
        %reduce_sum3A_180 = vector.extract %reduce_sum3A_179[15] : f32 from vector<16xf32>
        %eq3A = arith.constant 0 : i32
        %eq3A_181 = vector.broadcast %eq3A : i32 to vector<16xi32>
        %eq3A_182 = arith.cmpi eq, %iota3A, %eq3A_181 : vector<16xi32>
        %broadcast_in_dim3A_183 = vector.broadcast %reduce_sum3A_180 : f32 to vector<16xf32>
        %select_n3A = arith.select %eq3A_182, %broadcast_in_dim3A_183, %broadcast_in_dim3A_171 : vector<16xi1>, vector<16xf32>
        %get3A_184 = arith.index_cast %scan3A_170 : i32 to index
        %get3A_185 = arith.constant 16 : index
        %get3A_186 = tpu.vector_load %arg16[%get3A_184, %get3A_185] {strides = array<i32>} : memref<64x128xf32, #tpu.memory_space<vmem>>, vector<16xf32>,
        %get3A_187 = arith.index_cast %scan3A_170 : i32 to index
        %get3A_188 = arith.constant 16 : index
        %get3A_189 = tpu.vector_load %arg17[%get3A_187, %get3A_188] {strides = array<i32>} : memref<64x128xf32, #tpu.memory_space<vmem>>, vector<16xf32>,
        %mul3A_190 = arith.mulf %get3A_186, %get3A_189 : vector<16xf32>
        %reduce_sum3A_191 = arith.constant true
        %reduce_sum3A_192 = vector.broadcast %reduce_sum3A_191 : i1 to vector<16xi1>
        %reduce_sum3A_193 = tpu.scan <sum>, %mul3A_190 masked %reduce_sum3A_192 : vector<16xf32>, vector<16xi1> -> vector<16xf32>
        %reduce_sum3A_194 = vector.extract %reduce_sum3A_193[15] : f32 from vector<16xf32>
        %eq3A_195 = arith.constant 1 : i32
        %eq3A_196 = vector.broadcast %eq3A_195 : i32 to vector<16xi32>
        %eq3A_197 = arith.cmpi eq, %iota3A, %eq3A_196 : vector<16xi32>
        %broadcast_in_dim3A_198 = vector.broadcast %reduce_sum3A_194 : f32 to vector<16xf32>
        %select_n3A_199 = arith.select %eq3A_197, %broadcast_in_dim3A_198, %select_n3A : vector<16xi1>, vector<16xf32>
        %get3A_200 = arith.index_cast %scan3A_170 : i32 to index
        %get3A_201 = arith.constant 32 : index
        %get3A_202 = tpu.vector_load %arg16[%get3A_200, %get3A_201] {strides = array<i32>} : memref<64x128xf32, #tpu.memory_space<vmem>>, vector<16xf32>,
        %get3A_203 = arith.index_cast %scan3A_170 : i32 to index
        %get3A_204 = arith.constant 32 : index
        %get3A_205 = tpu.vector_load %arg17[%get3A_203, %get3A_204] {strides = array<i32>} : memref<64x128xf32, #tpu.memory_space<vmem>>, vector<16xf32>,
        %mul3A_206 = arith.mulf %get3A_202, %get3A_205 : vector<16xf32>
        %reduce_sum3A_207 = arith.constant true
        %reduce_sum3A_208 = vector.broadcast %reduce_sum3A_207 : i1 to vector<16xi1>
        %reduce_sum3A_209 = tpu.scan <sum>, %mul3A_206 masked %reduce_sum3A_208 : vector<16xf32>, vector<16xi1> -> vector<16xf32>
        %reduce_sum3A_210 = vector.extract %reduce_sum3A_209[15] : f32 from vector<16xf32>
        %eq3A_211 = arith.constant 2 : i32
        %eq3A_212 = vector.broadcast %eq3A_211 : i32 to vector<16xi32>
        %eq3A_213 = arith.cmpi eq, %iota3A, %eq3A_212 : vector<16xi32>
        %broadcast_in_dim3A_214 = vector.broadcast %reduce_sum3A_210 : f32 to vector<16xf32>
        %select_n3A_215 = arith.select %eq3A_213, %broadcast_in_dim3A_214, %select_n3A_199 : vector<16xi1>, vector<16xf32>
        %get3A_216 = arith.index_cast %scan3A_170 : i32 to index
        %get3A_217 = arith.constant 48 : index
        %get3A_218 = tpu.vector_load %arg16[%get3A_216, %get3A_217] {strides = array<i32>} : memref<64x128xf32, #tpu.memory_space<vmem>>, vector<16xf32>,
        %get3A_219 = arith.index_cast %scan3A_170 : i32 to index
        %get3A_220 = arith.constant 48 : index
        %get3A_221 = tpu.vector_load %arg17[%get3A_219, %get3A_220] {strides = array<i32>} : memref<64x128xf32, #tpu.memory_space<vmem>>, vector<16xf32>,
        %mul3A_222 = arith.mulf %get3A_218, %get3A_221 : vector<16xf32>
        %reduce_sum3A_223 = arith.constant true
        %reduce_sum3A_224 = vector.broadcast %reduce_sum3A_223 : i1 to vector<16xi1>
        %reduce_sum3A_225 = tpu.scan <sum>, %mul3A_222 masked %reduce_sum3A_224 : vector<16xf32>, vector<16xi1> -> vector<16xf32>
        %reduce_sum3A_226 = vector.extract %reduce_sum3A_225[15] : f32 from vector<16xf32>
        %eq3A_227 = arith.constant 3 : i32
        %eq3A_228 = vector.broadcast %eq3A_227 : i32 to vector<16xi32>
        %eq3A_229 = arith.cmpi eq, %iota3A, %eq3A_228 : vector<16xi32>
        %broadcast_in_dim3A_230 = vector.broadcast %reduce_sum3A_226 : f32 to vector<16xf32>
        %select_n3A_231 = arith.select %eq3A_229, %broadcast_in_dim3A_230, %select_n3A_215 : vector<16xi1>, vector<16xf32>
        %get3A_232 = arith.index_cast %scan3A_170 : i32 to index
        %get3A_233 = arith.constant 64 : index
        %get3A_234 = tpu.vector_load %arg16[%get3A_232, %get3A_233] {strides = array<i32>} : memref<64x128xf32, #tpu.memory_space<vmem>>, vector<16xf32>,
        %get3A_235 = arith.index_cast %scan3A_170 : i32 to index
        %get3A_236 = arith.constant 64 : index
        %get3A_237 = tpu.vector_load %arg17[%get3A_235, %get3A_236] {strides = array<i32>} : memref<64x128xf32, #tpu.memory_space<vmem>>, vector<16xf32>,
        %mul3A_238 = arith.mulf %get3A_234, %get3A_237 : vector<16xf32>
        %reduce_sum3A_239 = arith.constant true
        %reduce_sum3A_240 = vector.broadcast %reduce_sum3A_239 : i1 to vector<16xi1>
        %reduce_sum3A_241 = tpu.scan <sum>, %mul3A_238 masked %reduce_sum3A_240 : vector<16xf32>, vector<16xi1> -> vector<16xf32>
        %reduce_sum3A_242 = vector.extract %reduce_sum3A_241[15] : f32 from vector<16xf32>
        %eq3A_243 = arith.constant 4 : i32
        %eq3A_244 = vector.broadcast %eq3A_243 : i32 to vector<16xi32>
        %eq3A_245 = arith.cmpi eq, %iota3A, %eq3A_244 : vector<16xi32>
        %broadcast_in_dim3A_246 = vector.broadcast %reduce_sum3A_242 : f32 to vector<16xf32>
        %select_n3A_247 = arith.select %eq3A_245, %broadcast_in_dim3A_246, %select_n3A_231 : vector<16xi1>, vector<16xf32>
        %get3A_248 = arith.index_cast %scan3A_170 : i32 to index
        %get3A_249 = arith.constant 80 : index
        %get3A_250 = tpu.vector_load %arg16[%get3A_248, %get3A_249] {strides = array<i32>} : memref<64x128xf32, #tpu.memory_space<vmem>>, vector<16xf32>,
        %get3A_251 = arith.index_cast %scan3A_170 : i32 to index
        %get3A_252 = arith.constant 80 : index
        %get3A_253 = tpu.vector_load %arg17[%get3A_251, %get3A_252] {strides = array<i32>} : memref<64x128xf32, #tpu.memory_space<vmem>>, vector<16xf32>,
        %mul3A_254 = arith.mulf %get3A_250, %get3A_253 : vector<16xf32>
        %reduce_sum3A_255 = arith.constant true
        %reduce_sum3A_256 = vector.broadcast %reduce_sum3A_255 : i1 to vector<16xi1>
        %reduce_sum3A_257 = tpu.scan <sum>, %mul3A_254 masked %reduce_sum3A_256 : vector<16xf32>, vector<16xi1> -> vector<16xf32>
        %reduce_sum3A_258 = vector.extract %reduce_sum3A_257[15] : f32 from vector<16xf32>
        %eq3A_259 = arith.constant 5 : i32
        %eq3A_260 = vector.broadcast %eq3A_259 : i32 to vector<16xi32>
        %eq3A_261 = arith.cmpi eq, %iota3A, %eq3A_260 : vector<16xi32>
        %broadcast_in_dim3A_262 = vector.broadcast %reduce_sum3A_258 : f32 to vector<16xf32>
        %select_n3A_263 = arith.select %eq3A_261, %broadcast_in_dim3A_262, %select_n3A_247 : vector<16xi1>, vector<16xf32>
        %get3A_264 = arith.index_cast %scan3A_170 : i32 to index
        %get3A_265 = arith.constant 96 : index
        %get3A_266 = tpu.vector_load %arg16[%get3A_264, %get3A_265] {strides = array<i32>} : memref<64x128xf32, #tpu.memory_space<vmem>>, vector<16xf32>,
        %get3A_267 = arith.index_cast %scan3A_170 : i32 to index
        %get3A_268 = arith.constant 96 : index
        %get3A_269 = tpu.vector_load %arg17[%get3A_267, %get3A_268] {strides = array<i32>} : memref<64x128xf32, #tpu.memory_space<vmem>>, vector<16xf32>,
        %mul3A_270 = arith.mulf %get3A_266, %get3A_269 : vector<16xf32>
        %reduce_sum3A_271 = arith.constant true
        %reduce_sum3A_272 = vector.broadcast %reduce_sum3A_271 : i1 to vector<16xi1>
        %reduce_sum3A_273 = tpu.scan <sum>, %mul3A_270 masked %reduce_sum3A_272 : vector<16xf32>, vector<16xi1> -> vector<16xf32>
        %reduce_sum3A_274 = vector.extract %reduce_sum3A_273[15] : f32 from vector<16xf32>
        %eq3A_275 = arith.constant 6 : i32
        %eq3A_276 = vector.broadcast %eq3A_275 : i32 to vector<16xi32>
        %eq3A_277 = arith.cmpi eq, %iota3A, %eq3A_276 : vector<16xi32>
        %broadcast_in_dim3A_278 = vector.broadcast %reduce_sum3A_274 : f32 to vector<16xf32>
        %select_n3A_279 = arith.select %eq3A_277, %broadcast_in_dim3A_278, %select_n3A_263 : vector<16xi1>, vector<16xf32>
        %get3A_280 = arith.index_cast %scan3A_170 : i32 to index
        %get3A_281 = arith.constant 112 : index
        %get3A_282 = tpu.vector_load %arg16[%get3A_280, %get3A_281] {strides = array<i32>} : memref<64x128xf32, #tpu.memory_space<vmem>>, vector<16xf32>,
        %get3A_283 = arith.index_cast %scan3A_170 : i32 to index
        %get3A_284 = arith.constant 112 : index
        %get3A_285 = tpu.vector_load %arg17[%get3A_283, %get3A_284] {strides = array<i32>} : memref<64x128xf32, #tpu.memory_space<vmem>>, vector<16xf32>,
        %mul3A_286 = arith.mulf %get3A_282, %get3A_285 : vector<16xf32>
        %reduce_sum3A_287 = arith.constant true
        %reduce_sum3A_288 = vector.broadcast %reduce_sum3A_287 : i1 to vector<16xi1>
        %reduce_sum3A_289 = tpu.scan <sum>, %mul3A_286 masked %reduce_sum3A_288 : vector<16xf32>, vector<16xi1> -> vector<16xf32>
        %reduce_sum3A_290 = vector.extract %reduce_sum3A_289[15] : f32 from vector<16xf32>
        %eq3A_291 = arith.constant 7 : i32
        %eq3A_292 = vector.broadcast %eq3A_291 : i32 to vector<16xi32>
        %eq3A_293 = arith.cmpi eq, %iota3A, %eq3A_292 : vector<16xi32>
        %broadcast_in_dim3A_294 = vector.broadcast %reduce_sum3A_290 : f32 to vector<16xf32>
        %select_n3A_295 = arith.select %eq3A_293, %broadcast_in_dim3A_294, %select_n3A_279 : vector<16xi1>, vector<16xf32>
        %reduce_max3A = arith.constant true
        %reduce_max3A_296 = vector.broadcast %reduce_max3A : i1 to vector<16xi1>
        %reduce_max3A_297 = tpu.scan <max>, %select_n3A_295 masked %reduce_max3A_296 : vector<16xf32>, vector<16xi1> -> vector<16xf32>
        %reduce_max3A_298 = vector.extract %reduce_max3A_297[15] : f32 from vector<16xf32>
        %sub3A = vector.broadcast %reduce_max3A_298 : f32 to vector<16xf32>
        %sub3A_299 = arith.subf %select_n3A_295, %sub3A : vector<16xf32>
        %exp3A = math.exp %sub3A_299 : vector<16xf32>
        %reduce_sum3A_300 = arith.constant true
        %reduce_sum3A_301 = vector.broadcast %reduce_sum3A_300 : i1 to vector<16xi1>
        %reduce_sum3A_302 = tpu.scan <sum>, %exp3A masked %reduce_sum3A_301 : vector<16xf32>, vector<16xi1> -> vector<16xf32>
        %reduce_sum3A_303 = vector.extract %reduce_sum3A_302[15] : f32 from vector<16xf32>
        %div3A = vector.broadcast %reduce_sum3A_303 : f32 to vector<16xf32>
        %div3A_304 = arith.divf %exp3A, %div3A : vector<16xf32>
        %broadcast_in_dim3A_305 = arith.constant 0 : i32
        %broadcast_in_dim3A_306 = vector.broadcast %broadcast_in_dim3A_305 : i32 to vector<16xi32>
        %lt3A = arith.constant 0 : i32
        %lt3A_307 = vector.broadcast %lt3A : i32 to vector<16xi32>
        %lt3A_308 = arith.cmpi slt, %broadcast_in_dim3A_306, %lt3A_307 : vector<16xi32>
        %add3A_309 = arith.constant 16 : i32
        %add3A_310 = vector.broadcast %add3A_309 : i32 to vector<16xi32>
        %add3A_311 = arith.addi %broadcast_in_dim3A_306, %add3A_310 : vector<16xi32>
        %select_n3A_312 = arith.select %lt3A_308, %add3A_311, %broadcast_in_dim3A_306 : vector<16xi1>, vector<16xi32>
        %broadcast_in_dim3A_313 = vector.shape_cast %select_n3A_312 : vector<16xi32> to vector<16x1xi32>
        %gather3A = vector.shape_cast %broadcast_in_dim3A_313 : vector<16x1xi32> to vector<16xi32>
        %gather3A_314 = tpu.dynamic_gather %div3A_304[%gather3A] in [0] : vector<16xf32>, vector<16xi32> -> vector<16xf32>
        %get3A_315 = arith.index_cast %scan3A_170 : i32 to index
        %get3A_316 = arith.constant 0 : index
        %get3A_317 = tpu.vector_load %arg18[%get3A_315, %get3A_316] {strides = array<i32>} : memref<64x128xf32, #tpu.memory_space<vmem>>, vector<16xf32>,
        %mul3A_318 = arith.mulf %get3A_317, %gather3A_314 : vector<16xf32>
        %swap3A = arith.index_cast %scan3A_170 : i32 to index
        %swap3A_319 = arith.constant 0 : index
        %swap3A_320 = tpu.vector_load %arg18[%swap3A, %swap3A_319] {strides = array<i32>} : memref<64x128xf32, #tpu.memory_space<vmem>>, vector<16xf32>,
        tpu.vector_store %arg18[%swap3A, %swap3A_319], %mul3A_318 {strides = array<i32>} : memref<64x128xf32, #tpu.memory_space<vmem>>, vector<16xf32>,
        %broadcast_in_dim3A_321 = arith.constant 1 : i32
        %broadcast_in_dim3A_322 = vector.broadcast %broadcast_in_dim3A_321 : i32 to vector<16xi32>
        %lt3A_323 = arith.constant 0 : i32
        %lt3A_324 = vector.broadcast %lt3A_323 : i32 to vector<16xi32>
        %lt3A_325 = arith.cmpi slt, %broadcast_in_dim3A_322, %lt3A_324 : vector<16xi32>
        %add3A_326 = arith.constant 16 : i32
        %add3A_327 = vector.broadcast %add3A_326 : i32 to vector<16xi32>
        %add3A_328 = arith.addi %broadcast_in_dim3A_322, %add3A_327 : vector<16xi32>
        %select_n3A_329 = arith.select %lt3A_325, %add3A_328, %broadcast_in_dim3A_322 : vector<16xi1>, vector<16xi32>
        %broadcast_in_dim3A_330 = vector.shape_cast %select_n3A_329 : vector<16xi32> to vector<16x1xi32>
        %gather3A_331 = vector.shape_cast %broadcast_in_dim3A_330 : vector<16x1xi32> to vector<16xi32>
        %gather3A_332 = tpu.dynamic_gather %div3A_304[%gather3A_331] in [0] : vector<16xf32>, vector<16xi32> -> vector<16xf32>
        %get3A_333 = arith.index_cast %scan3A_170 : i32 to index
        %get3A_334 = arith.constant 16 : index
        %get3A_335 = tpu.vector_load %arg18[%get3A_333, %get3A_334] {strides = array<i32>} : memref<64x128xf32, #tpu.memory_space<vmem>>, vector<16xf32>,
        %mul3A_336 = arith.mulf %get3A_335, %gather3A_332 : vector<16xf32>
        %swap3A_337 = arith.index_cast %scan3A_170 : i32 to index
        %swap3A_338 = arith.constant 16 : index
        %swap3A_339 = tpu.vector_load %arg18[%swap3A_337, %swap3A_338] {strides = array<i32>} : memref<64x128xf32, #tpu.memory_space<vmem>>, vector<16xf32>,
        tpu.vector_store %arg18[%swap3A_337, %swap3A_338], %mul3A_336 {strides = array<i32>} : memref<64x128xf32, #tpu.memory_space<vmem>>, vector<16xf32>,
        %broadcast_in_dim3A_340 = arith.constant 2 : i32
        %broadcast_in_dim3A_341 = vector.broadcast %broadcast_in_dim3A_340 : i32 to vector<16xi32>
        %lt3A_342 = arith.constant 0 : i32
        %lt3A_343 = vector.broadcast %lt3A_342 : i32 to vector<16xi32>
        %lt3A_344 = arith.cmpi slt, %broadcast_in_dim3A_341, %lt3A_343 : vector<16xi32>
        %add3A_345 = arith.constant 16 : i32
        %add3A_346 = vector.broadcast %add3A_345 : i32 to vector<16xi32>
        %add3A_347 = arith.addi %broadcast_in_dim3A_341, %add3A_346 : vector<16xi32>
        %select_n3A_348 = arith.select %lt3A_344, %add3A_347, %broadcast_in_dim3A_341 : vector<16xi1>, vector<16xi32>
        %broadcast_in_dim3A_349 = vector.shape_cast %select_n3A_348 : vector<16xi32> to vector<16x1xi32>
        %gather3A_350 = vector.shape_cast %broadcast_in_dim3A_349 : vector<16x1xi32> to vector<16xi32>
        %gather3A_351 = tpu.dynamic_gather %div3A_304[%gather3A_350] in [0] : vector<16xf32>, vector<16xi32> -> vector<16xf32>
        %get3A_352 = arith.index_cast %scan3A_170 : i32 to index
        %get3A_353 = arith.constant 32 : index
        %get3A_354 = tpu.vector_load %arg18[%get3A_352, %get3A_353] {strides = array<i32>} : memref<64x128xf32, #tpu.memory_space<vmem>>, vector<16xf32>,
        %mul3A_355 = arith.mulf %get3A_354, %gather3A_351 : vector<16xf32>
        %swap3A_356 = arith.index_cast %scan3A_170 : i32 to index
        %swap3A_357 = arith.constant 32 : index
        %swap3A_358 = tpu.vector_load %arg18[%swap3A_356, %swap3A_357] {strides = array<i32>} : memref<64x128xf32, #tpu.memory_space<vmem>>, vector<16xf32>,
        tpu.vector_store %arg18[%swap3A_356, %swap3A_357], %mul3A_355 {strides = array<i32>} : memref<64x128xf32, #tpu.memory_space<vmem>>, vector<16xf32>,
        %broadcast_in_dim3A_359 = arith.constant 3 : i32
        %broadcast_in_dim3A_360 = vector.broadcast %broadcast_in_dim3A_359 : i32 to vector<16xi32>
        %lt3A_361 = arith.constant 0 : i32
        %lt3A_362 = vector.broadcast %lt3A_361 : i32 to vector<16xi32>
        %lt3A_363 = arith.cmpi slt, %broadcast_in_dim3A_360, %lt3A_362 : vector<16xi32>
        %add3A_364 = arith.constant 16 : i32
        %add3A_365 = vector.broadcast %add3A_364 : i32 to vector<16xi32>
        %add3A_366 = arith.addi %broadcast_in_dim3A_360, %add3A_365 : vector<16xi32>
        %select_n3A_367 = arith.select %lt3A_363, %add3A_366, %broadcast_in_dim3A_360 : vector<16xi1>, vector<16xi32>
        %broadcast_in_dim3A_368 = vector.shape_cast %select_n3A_367 : vector<16xi32> to vector<16x1xi32>
        %gather3A_369 = vector.shape_cast %broadcast_in_dim3A_368 : vector<16x1xi32> to vector<16xi32>
        %gather3A_370 = tpu.dynamic_gather %div3A_304[%gather3A_369] in [0] : vector<16xf32>, vector<16xi32> -> vector<16xf32>
        %get3A_371 = arith.index_cast %scan3A_170 : i32 to index
        %get3A_372 = arith.constant 48 : index
        %get3A_373 = tpu.vector_load %arg18[%get3A_371, %get3A_372] {strides = array<i32>} : memref<64x128xf32, #tpu.memory_space<vmem>>, vector<16xf32>,
        %mul3A_374 = arith.mulf %get3A_373, %gather3A_370 : vector<16xf32>
        %swap3A_375 = arith.index_cast %scan3A_170 : i32 to index
        %swap3A_376 = arith.constant 48 : index
        %swap3A_377 = tpu.vector_load %arg18[%swap3A_375, %swap3A_376] {strides = array<i32>} : memref<64x128xf32, #tpu.memory_space<vmem>>, vector<16xf32>,
        tpu.vector_store %arg18[%swap3A_375, %swap3A_376], %mul3A_374 {strides = array<i32>} : memref<64x128xf32, #tpu.memory_space<vmem>>, vector<16xf32>,
        %broadcast_in_dim3A_378 = arith.constant 4 : i32
        %broadcast_in_dim3A_379 = vector.broadcast %broadcast_in_dim3A_378 : i32 to vector<16xi32>
        %lt3A_380 = arith.constant 0 : i32
        %lt3A_381 = vector.broadcast %lt3A_380 : i32 to vector<16xi32>
        %lt3A_382 = arith.cmpi slt, %broadcast_in_dim3A_379, %lt3A_381 : vector<16xi32>
        %add3A_383 = arith.constant 16 : i32
        %add3A_384 = vector.broadcast %add3A_383 : i32 to vector<16xi32>
        %add3A_385 = arith.addi %broadcast_in_dim3A_379, %add3A_384 : vector<16xi32>
        %select_n3A_386 = arith.select %lt3A_382, %add3A_385, %broadcast_in_dim3A_379 : vector<16xi1>, vector<16xi32>
        %broadcast_in_dim3A_387 = vector.shape_cast %select_n3A_386 : vector<16xi32> to vector<16x1xi32>
        %gather3A_388 = vector.shape_cast %broadcast_in_dim3A_387 : vector<16x1xi32> to vector<16xi32>
        %gather3A_389 = tpu.dynamic_gather %div3A_304[%gather3A_388] in [0] : vector<16xf32>, vector<16xi32> -> vector<16xf32>
        %get3A_390 = arith.index_cast %scan3A_170 : i32 to index
        %get3A_391 = arith.constant 64 : index
        %get3A_392 = tpu.vector_load %arg18[%get3A_390, %get3A_391] {strides = array<i32>} : memref<64x128xf32, #tpu.memory_space<vmem>>, vector<16xf32>,
        %mul3A_393 = arith.mulf %get3A_392, %gather3A_389 : vector<16xf32>
        %swap3A_394 = arith.index_cast %scan3A_170 : i32 to index
        %swap3A_395 = arith.constant 64 : index
        %swap3A_396 = tpu.vector_load %arg18[%swap3A_394, %swap3A_395] {strides = array<i32>} : memref<64x128xf32, #tpu.memory_space<vmem>>, vector<16xf32>,
        tpu.vector_store %arg18[%swap3A_394, %swap3A_395], %mul3A_393 {strides = array<i32>} : memref<64x128xf32, #tpu.memory_space<vmem>>, vector<16xf32>,
        %broadcast_in_dim3A_397 = arith.constant 5 : i32
        %broadcast_in_dim3A_398 = vector.broadcast %broadcast_in_dim3A_397 : i32 to vector<16xi32>
        %lt3A_399 = arith.constant 0 : i32
        %lt3A_400 = vector.broadcast %lt3A_399 : i32 to vector<16xi32>
        %lt3A_401 = arith.cmpi slt, %broadcast_in_dim3A_398, %lt3A_400 : vector<16xi32>
        %add3A_402 = arith.constant 16 : i32
        %add3A_403 = vector.broadcast %add3A_402 : i32 to vector<16xi32>
        %add3A_404 = arith.addi %broadcast_in_dim3A_398, %add3A_403 : vector<16xi32>
        %select_n3A_405 = arith.select %lt3A_401, %add3A_404, %broadcast_in_dim3A_398 : vector<16xi1>, vector<16xi32>
        %broadcast_in_dim3A_406 = vector.shape_cast %select_n3A_405 : vector<16xi32> to vector<16x1xi32>
        %gather3A_407 = vector.shape_cast %broadcast_in_dim3A_406 : vector<16x1xi32> to vector<16xi32>
        %gather3A_408 = tpu.dynamic_gather %div3A_304[%gather3A_407] in [0] : vector<16xf32>, vector<16xi32> -> vector<16xf32>
        %get3A_409 = arith.index_cast %scan3A_170 : i32 to index
        %get3A_410 = arith.constant 80 : index
        %get3A_411 = tpu.vector_load %arg18[%get3A_409, %get3A_410] {strides = array<i32>} : memref<64x128xf32, #tpu.memory_space<vmem>>, vector<16xf32>,
        %mul3A_412 = arith.mulf %get3A_411, %gather3A_408 : vector<16xf32>
        %swap3A_413 = arith.index_cast %scan3A_170 : i32 to index
        %swap3A_414 = arith.constant 80 : index
        %swap3A_415 = tpu.vector_load %arg18[%swap3A_413, %swap3A_414] {strides = array<i32>} : memref<64x128xf32, #tpu.memory_space<vmem>>, vector<16xf32>,
        tpu.vector_store %arg18[%swap3A_413, %swap3A_414], %mul3A_412 {strides = array<i32>} : memref<64x128xf32, #tpu.memory_space<vmem>>, vector<16xf32>,
        %broadcast_in_dim3A_416 = arith.constant 6 : i32
        %broadcast_in_dim3A_417 = vector.broadcast %broadcast_in_dim3A_416 : i32 to vector<16xi32>
        %lt3A_418 = arith.constant 0 : i32
        %lt3A_419 = vector.broadcast %lt3A_418 : i32 to vector<16xi32>
        %lt3A_420 = arith.cmpi slt, %broadcast_in_dim3A_417, %lt3A_419 : vector<16xi32>
        %add3A_421 = arith.constant 16 : i32
        %add3A_422 = vector.broadcast %add3A_421 : i32 to vector<16xi32>
        %add3A_423 = arith.addi %broadcast_in_dim3A_417, %add3A_422 : vector<16xi32>
        %select_n3A_424 = arith.select %lt3A_420, %add3A_423, %broadcast_in_dim3A_417 : vector<16xi1>, vector<16xi32>
        %broadcast_in_dim3A_425 = vector.shape_cast %select_n3A_424 : vector<16xi32> to vector<16x1xi32>
        %gather3A_426 = vector.shape_cast %broadcast_in_dim3A_425 : vector<16x1xi32> to vector<16xi32>
        %gather3A_427 = tpu.dynamic_gather %div3A_304[%gather3A_426] in [0] : vector<16xf32>, vector<16xi32> -> vector<16xf32>
        %get3A_428 = arith.index_cast %scan3A_170 : i32 to index
        %get3A_429 = arith.constant 96 : index
        %get3A_430 = tpu.vector_load %arg18[%get3A_428, %get3A_429] {strides = array<i32>} : memref<64x128xf32, #tpu.memory_space<vmem>>, vector<16xf32>,
        %mul3A_431 = arith.mulf %get3A_430, %gather3A_427 : vector<16xf32>
        %swap3A_432 = arith.index_cast %scan3A_170 : i32 to index
        %swap3A_433 = arith.constant 96 : index
        %swap3A_434 = tpu.vector_load %arg18[%swap3A_432, %swap3A_433] {strides = array<i32>} : memref<64x128xf32, #tpu.memory_space<vmem>>, vector<16xf32>,
        tpu.vector_store %arg18[%swap3A_432, %swap3A_433], %mul3A_431 {strides = array<i32>} : memref<64x128xf32, #tpu.memory_space<vmem>>, vector<16xf32>,
        %broadcast_in_dim3A_435 = arith.constant 7 : i32
        %broadcast_in_dim3A_436 = vector.broadcast %broadcast_in_dim3A_435 : i32 to vector<16xi32>
        %lt3A_437 = arith.constant 0 : i32
        %lt3A_438 = vector.broadcast %lt3A_437 : i32 to vector<16xi32>
        %lt3A_439 = arith.cmpi slt, %broadcast_in_dim3A_436, %lt3A_438 : vector<16xi32>
        %add3A_440 = arith.constant 16 : i32
        %add3A_441 = vector.broadcast %add3A_440 : i32 to vector<16xi32>
        %add3A_442 = arith.addi %broadcast_in_dim3A_436, %add3A_441 : vector<16xi32>
        %select_n3A_443 = arith.select %lt3A_439, %add3A_442, %broadcast_in_dim3A_436 : vector<16xi1>, vector<16xi32>
        %broadcast_in_dim3A_444 = vector.shape_cast %select_n3A_443 : vector<16xi32> to vector<16x1xi32>
        %gather3A_445 = vector.shape_cast %broadcast_in_dim3A_444 : vector<16x1xi32> to vector<16xi32>
        %gather3A_446 = tpu.dynamic_gather %div3A_304[%gather3A_445] in [0] : vector<16xf32>, vector<16xi32> -> vector<16xf32>
        %get3A_447 = arith.index_cast %scan3A_170 : i32 to index
        %get3A_448 = arith.constant 112 : index
        %get3A_449 = tpu.vector_load %arg18[%get3A_447, %get3A_448] {strides = array<i32>} : memref<64x128xf32, #tpu.memory_space<vmem>>, vector<16xf32>,
        %mul3A_450 = arith.mulf %get3A_449, %gather3A_446 : vector<16xf32>
        %swap3A_451 = arith.index_cast %scan3A_170 : i32 to index
        %swap3A_452 = arith.constant 112 : index
        %swap3A_453 = tpu.vector_load %arg18[%swap3A_451, %swap3A_452] {strides = array<i32>} : memref<64x128xf32, #tpu.memory_space<vmem>>, vector<16xf32>,
        tpu.vector_store %arg18[%swap3A_451, %swap3A_452], %mul3A_450 {strides = array<i32>} : memref<64x128xf32, #tpu.memory_space<vmem>>, vector<16xf32>,
      }
      %scan3A_169 = arith.constant 64 : i32
      "tpu.region"() ({
        %run_scoped3A = tpu.sem_alloc : memref<!tpu.dma_semaphore, #tpu.memory_space<semaphore_mem>>
        %dma_start3A_170 = arith.constant 0 : i32
        %dma_start3A_171 = arith.constant 0 : i32
        %dma_start3A_172 = tpu.memref_slice %arg19[%dma_start3A_170, %dma_start3A_171] : memref<10000x128xf32, #tpu.memory_space<vmem_shared>> -> memref<10000x128xf32, #tpu.memory_space<vmem_shared>>
        tpu.enqueue_indirect_dma source(%arg18 : memref<64x128xf32, #tpu.memory_space<vmem>>) target(%dma_start3A_172 : memref<10000x128xf32, #tpu.memory_space<vmem_shared>>) offsets(%arg12 : memref<64xi32, #tpu.memory_space<vmem>>) semaphore(%run_scoped3A : memref<!tpu.dma_semaphore, #tpu.memory_space<semaphore_mem>>) {add = true}
        %dma_wait3A_173 = arith.constant 0 : i32
        %dma_wait3A_174 = arith.constant 0 : i32
        %dma_wait3A_175 = tpu.memref_slice %arg19[%dma_wait3A_173, %dma_wait3A_174] : memref<10000x128xf32, #tpu.memory_space<vmem_shared>> -> memref<10000x128xf32, #tpu.memory_space<vmem_shared>>
        tpu.wait_indirect_dma semaphore(%run_scoped3A : memref<!tpu.dma_semaphore, #tpu.memory_space<semaphore_mem>>) src(%arg18 : memref<64x128xf32, #tpu.memory_space<vmem>>) dst(%dma_wait3A_175 : memref<10000x128xf32, #tpu.memory_space<vmem_shared>>)
        tpu.yield
      }) : () -> ()
    }
    %scan3A_57 = arith.constant 79 : i32
    %dma_wait3A = arith.constant 0 : i32
    %dma_wait3A_58 = arith.constant 0 : i32
    %dma_wait3A_59 = tpu.memref_slice %arg2[%dma_wait3A, %dma_wait3A_58] : memref<10016x128xf32, #tpu.memory_space<hbm>> -> memref<10016x128xf32, #tpu.memory_space<hbm>>
    tpu.wait_indirect_dma semaphore(%arg20 : memref<!tpu.dma_semaphore, #tpu.memory_space<semaphore_mem>>) src(%dma_wait3A_59 : memref<10016x128xf32, #tpu.memory_space<hbm>>) dst(%arg13 : memref<64x128xf32, #tpu.memory_space<vmem>>)
    %dma_wait3A_60 = arith.constant 0 : i32
    %dma_wait3A_61 = arith.constant 0 : i32
    %dma_wait3A_62 = tpu.memref_slice %arg3[%dma_wait3A_60, %dma_wait3A_61] : memref<10016x128xf32, #tpu.memory_space<hbm>> -> memref<10016x128xf32, #tpu.memory_space<hbm>>
    tpu.wait_indirect_dma semaphore(%arg20 : memref<!tpu.dma_semaphore, #tpu.memory_space<semaphore_mem>>) src(%dma_wait3A_62 : memref<10016x128xf32, #tpu.memory_space<hbm>>) dst(%arg14 : memref<64x128xf32, #tpu.memory_space<vmem>>)
    %dma_wait3A_63 = arith.constant 0 : i32
    %dma_wait3A_64 = arith.constant 0 : i32
    %dma_wait3A_65 = tpu.memref_slice %arg4[%dma_wait3A_63, %dma_wait3A_64] : memref<10016x128xf32, #tpu.memory_space<hbm>> -> memref<10016x128xf32, #tpu.memory_space<hbm>>
    tpu.wait_indirect_dma semaphore(%arg20 : memref<!tpu.dma_semaphore, #tpu.memory_space<semaphore_mem>>) src(%dma_wait3A_65 : memref<10016x128xf32, #tpu.memory_space<hbm>>) dst(%arg15 : memref<64x128xf32, #tpu.memory_space<vmem>>)
    %barrier3A_66 = arith.constant 0 : index
    tpu.barrier barrier_id(%barrier3A_66)
    %mul3A_67 = arith.constant 624 : i32
    %mul3A_68 = arith.muli %arg1, %mul3A_67 : i32
    %add3A_69 = arith.constant 0 : i32
    %add3A_70 = arith.addi %mul3A_68, %add3A_69 : i32
    "tpu.region"() ({
      %run_scoped3A = tpu.sem_alloc : memref<!tpu.dma_semaphore, #tpu.memory_space<semaphore_mem>>
      %dma_start3A_107 = arith.constant 0 : i32
      %dma_start3A_108 = tpu.memref_slice %arg8[%arg0, %add3A_70, %dma_start3A_107] : memref<2x10000x128xf32, #tpu.memory_space<hbm>> -> memref<1x64x128xf32, #tpu.memory_space<hbm>>
      %dma_start3A_109 = tpu.memref_squeeze %dma_start3A_108 : memref<1x64x128xf32, #tpu.memory_space<hbm>> -> memref<64x128xf32, #tpu.memory_space<hbm>>
      %dma_start3A_110 = arith.constant 0 : i32
      %dma_start3A_111 = tpu.memref_slice %arg19[%add3A_70, %dma_start3A_110] : memref<10000x128xf32, #tpu.memory_space<vmem_shared>> -> memref<64x128xf32, #tpu.memory_space<vmem_shared>>
      tpu.enqueue_dma source(%dma_start3A_111 : memref<64x128xf32, #tpu.memory_space<vmem_shared>>) target(%dma_start3A_109 : memref<64x128xf32, #tpu.memory_space<hbm>>) target_semaphore(%run_scoped3A : memref<!tpu.dma_semaphore, #tpu.memory_space<semaphore_mem>>)
      %dma_wait3A_112 = arith.constant 0 : i32
      %dma_wait3A_113 = tpu.memref_slice %arg8[%arg0, %add3A_70, %dma_wait3A_112] : memref<2x10000x128xf32, #tpu.memory_space<hbm>> -> memref<1x64x128xf32, #tpu.memory_space<hbm>>
      %dma_wait3A_114 = tpu.memref_squeeze %dma_wait3A_113 : memref<1x64x128xf32, #tpu.memory_space<hbm>> -> memref<64x128xf32, #tpu.memory_space<hbm>>
      %dma_wait3A_115 = arith.constant 0 : i32
      %dma_wait3A_116 = tpu.memref_slice %arg19[%add3A_70, %dma_wait3A_115] : memref<10000x128xf32, #tpu.memory_space<vmem_shared>> -> memref<64x128xf32, #tpu.memory_space<vmem_shared>>
      tpu.wait_dma2 semaphore(%run_scoped3A : memref<!tpu.dma_semaphore, #tpu.memory_space<semaphore_mem>>) src(%dma_wait3A_116 : memref<64x128xf32, #tpu.memory_space<vmem_shared>>) dst(%dma_wait3A_114 : memref<64x128xf32, #tpu.memory_space<hbm>>)
      tpu.yield
    }) : () -> ()
    %mul3A_71 = arith.constant 624 : i32
    %mul3A_72 = arith.muli %arg1, %mul3A_71 : i32
    %add3A_73 = arith.constant 64 : i32
    %add3A_74 = arith.addi %mul3A_72, %add3A_73 : i32
    "tpu.region"() ({
      %run_scoped3A = tpu.sem_alloc : memref<!tpu.dma_semaphore, #tpu.memory_space<semaphore_mem>>
      %dma_start3A_107 = arith.constant 0 : i32
      %dma_start3A_108 = tpu.memref_slice %arg8[%arg0, %add3A_74, %dma_start3A_107] : memref<2x10000x128xf32, #tpu.memory_space<hbm>> -> memref<1x64x128xf32, #tpu.memory_space<hbm>>
      %dma_start3A_109 = tpu.memref_squeeze %dma_start3A_108 : memref<1x64x128xf32, #tpu.memory_space<hbm>> -> memref<64x128xf32, #tpu.memory_space<hbm>>
      %dma_start3A_110 = arith.constant 0 : i32
      %dma_start3A_111 = tpu.memref_slice %arg19[%add3A_74, %dma_start3A_110] : memref<10000x128xf32, #tpu.memory_space<vmem_shared>> -> memref<64x128xf32, #tpu.memory_space<vmem_shared>>
      tpu.enqueue_dma source(%dma_start3A_111 : memref<64x128xf32, #tpu.memory_space<vmem_shared>>) target(%dma_start3A_109 : memref<64x128xf32, #tpu.memory_space<hbm>>) target_semaphore(%run_scoped3A : memref<!tpu.dma_semaphore, #tpu.memory_space<semaphore_mem>>)
      %dma_wait3A_112 = arith.constant 0 : i32
      %dma_wait3A_113 = tpu.memref_slice %arg8[%arg0, %add3A_74, %dma_wait3A_112] : memref<2x10000x128xf32, #tpu.memory_space<hbm>> -> memref<1x64x128xf32, #tpu.memory_space<hbm>>
      %dma_wait3A_114 = tpu.memref_squeeze %dma_wait3A_113 : memref<1x64x128xf32, #tpu.memory_space<hbm>> -> memref<64x128xf32, #tpu.memory_space<hbm>>
      %dma_wait3A_115 = arith.constant 0 : i32
      %dma_wait3A_116 = tpu.memref_slice %arg19[%add3A_74, %dma_wait3A_115] : memref<10000x128xf32, #tpu.memory_space<vmem_shared>> -> memref<64x128xf32, #tpu.memory_space<vmem_shared>>
      tpu.wait_dma2 semaphore(%run_scoped3A : memref<!tpu.dma_semaphore, #tpu.memory_space<semaphore_mem>>) src(%dma_wait3A_116 : memref<64x128xf32, #tpu.memory_space<vmem_shared>>) dst(%dma_wait3A_114 : memref<64x128xf32, #tpu.memory_space<hbm>>)
      tpu.yield
    }) : () -> ()
    %mul3A_75 = arith.constant 624 : i32
    %mul3A_76 = arith.muli %arg1, %mul3A_75 : i32
    %add3A_77 = arith.constant 128 : i32
    %add3A_78 = arith.addi %mul3A_76, %add3A_77 : i32
    "tpu.region"() ({
      %run_scoped3A = tpu.sem_alloc : memref<!tpu.dma_semaphore, #tpu.memory_space<semaphore_mem>>
      %dma_start3A_107 = arith.constant 0 : i32
      %dma_start3A_108 = tpu.memref_slice %arg8[%arg0, %add3A_78, %dma_start3A_107] : memref<2x10000x128xf32, #tpu.memory_space<hbm>> -> memref<1x64x128xf32, #tpu.memory_space<hbm>>
      %dma_start3A_109 = tpu.memref_squeeze %dma_start3A_108 : memref<1x64x128xf32, #tpu.memory_space<hbm>> -> memref<64x128xf32, #tpu.memory_space<hbm>>
      %dma_start3A_110 = arith.constant 0 : i32
      %dma_start3A_111 = tpu.memref_slice %arg19[%add3A_78, %dma_start3A_110] : memref<10000x128xf32, #tpu.memory_space<vmem_shared>> -> memref<64x128xf32, #tpu.memory_space<vmem_shared>>
      tpu.enqueue_dma source(%dma_start3A_111 : memref<64x128xf32, #tpu.memory_space<vmem_shared>>) target(%dma_start3A_109 : memref<64x128xf32, #tpu.memory_space<hbm>>) target_semaphore(%run_scoped3A : memref<!tpu.dma_semaphore, #tpu.memory_space<semaphore_mem>>)
      %dma_wait3A_112 = arith.constant 0 : i32
      %dma_wait3A_113 = tpu.memref_slice %arg8[%arg0, %add3A_78, %dma_wait3A_112] : memref<2x10000x128xf32, #tpu.memory_space<hbm>> -> memref<1x64x128xf32, #tpu.memory_space<hbm>>
      %dma_wait3A_114 = tpu.memref_squeeze %dma_wait3A_113 : memref<1x64x128xf32, #tpu.memory_space<hbm>> -> memref<64x128xf32, #tpu.memory_space<hbm>>
      %dma_wait3A_115 = arith.constant 0 : i32
      %dma_wait3A_116 = tpu.memref_slice %arg19[%add3A_78, %dma_wait3A_115] : memref<10000x128xf32, #tpu.memory_space<vmem_shared>> -> memref<64x128xf32, #tpu.memory_space<vmem_shared>>
      tpu.wait_dma2 semaphore(%run_scoped3A : memref<!tpu.dma_semaphore, #tpu.memory_space<semaphore_mem>>) src(%dma_wait3A_116 : memref<64x128xf32, #tpu.memory_space<vmem_shared>>) dst(%dma_wait3A_114 : memref<64x128xf32, #tpu.memory_space<hbm>>)
      tpu.yield
    }) : () -> ()
    %mul3A_79 = arith.constant 624 : i32
    %mul3A_80 = arith.muli %arg1, %mul3A_79 : i32
    %add3A_81 = arith.constant 192 : i32
    %add3A_82 = arith.addi %mul3A_80, %add3A_81 : i32
    "tpu.region"() ({
      %run_scoped3A = tpu.sem_alloc : memref<!tpu.dma_semaphore, #tpu.memory_space<semaphore_mem>>
      %dma_start3A_107 = arith.constant 0 : i32
      %dma_start3A_108 = tpu.memref_slice %arg8[%arg0, %add3A_82, %dma_start3A_107] : memref<2x10000x128xf32, #tpu.memory_space<hbm>> -> memref<1x64x128xf32, #tpu.memory_space<hbm>>
      %dma_start3A_109 = tpu.memref_squeeze %dma_start3A_108 : memref<1x64x128xf32, #tpu.memory_space<hbm>> -> memref<64x128xf32, #tpu.memory_space<hbm>>
      %dma_start3A_110 = arith.constant 0 : i32
      %dma_start3A_111 = tpu.memref_slice %arg19[%add3A_82, %dma_start3A_110] : memref<10000x128xf32, #tpu.memory_space<vmem_shared>> -> memref<64x128xf32, #tpu.memory_space<vmem_shared>>
      tpu.enqueue_dma source(%dma_start3A_111 : memref<64x128xf32, #tpu.memory_space<vmem_shared>>) target(%dma_start3A_109 : memref<64x128xf32, #tpu.memory_space<hbm>>) target_semaphore(%run_scoped3A : memref<!tpu.dma_semaphore, #tpu.memory_space<semaphore_mem>>)
      %dma_wait3A_112 = arith.constant 0 : i32
      %dma_wait3A_113 = tpu.memref_slice %arg8[%arg0, %add3A_82, %dma_wait3A_112] : memref<2x10000x128xf32, #tpu.memory_space<hbm>> -> memref<1x64x128xf32, #tpu.memory_space<hbm>>
      %dma_wait3A_114 = tpu.memref_squeeze %dma_wait3A_113 : memref<1x64x128xf32, #tpu.memory_space<hbm>> -> memref<64x128xf32, #tpu.memory_space<hbm>>
      %dma_wait3A_115 = arith.constant 0 : i32
      %dma_wait3A_116 = tpu.memref_slice %arg19[%add3A_82, %dma_wait3A_115] : memref<10000x128xf32, #tpu.memory_space<vmem_shared>> -> memref<64x128xf32, #tpu.memory_space<vmem_shared>>
      tpu.wait_dma2 semaphore(%run_scoped3A : memref<!tpu.dma_semaphore, #tpu.memory_space<semaphore_mem>>) src(%dma_wait3A_116 : memref<64x128xf32, #tpu.memory_space<vmem_shared>>) dst(%dma_wait3A_114 : memref<64x128xf32, #tpu.memory_space<hbm>>)
      tpu.yield
    }) : () -> ()
    %mul3A_83 = arith.constant 624 : i32
    %mul3A_84 = arith.muli %arg1, %mul3A_83 : i32
    %add3A_85 = arith.constant 256 : i32
    %add3A_86 = arith.addi %mul3A_84, %add3A_85 : i32
    "tpu.region"() ({
      %run_scoped3A = tpu.sem_alloc : memref<!tpu.dma_semaphore, #tpu.memory_space<semaphore_mem>>
      %dma_start3A_107 = arith.constant 0 : i32
      %dma_start3A_108 = tpu.memref_slice %arg8[%arg0, %add3A_86, %dma_start3A_107] : memref<2x10000x128xf32, #tpu.memory_space<hbm>> -> memref<1x64x128xf32, #tpu.memory_space<hbm>>
      %dma_start3A_109 = tpu.memref_squeeze %dma_start3A_108 : memref<1x64x128xf32, #tpu.memory_space<hbm>> -> memref<64x128xf32, #tpu.memory_space<hbm>>
      %dma_start3A_110 = arith.constant 0 : i32
      %dma_start3A_111 = tpu.memref_slice %arg19[%add3A_86, %dma_start3A_110] : memref<10000x128xf32, #tpu.memory_space<vmem_shared>> -> memref<64x128xf32, #tpu.memory_space<vmem_shared>>
      tpu.enqueue_dma source(%dma_start3A_111 : memref<64x128xf32, #tpu.memory_space<vmem_shared>>) target(%dma_start3A_109 : memref<64x128xf32, #tpu.memory_space<hbm>>) target_semaphore(%run_scoped3A : memref<!tpu.dma_semaphore, #tpu.memory_space<semaphore_mem>>)
      %dma_wait3A_112 = arith.constant 0 : i32
      %dma_wait3A_113 = tpu.memref_slice %arg8[%arg0, %add3A_86, %dma_wait3A_112] : memref<2x10000x128xf32, #tpu.memory_space<hbm>> -> memref<1x64x128xf32, #tpu.memory_space<hbm>>
      %dma_wait3A_114 = tpu.memref_squeeze %dma_wait3A_113 : memref<1x64x128xf32, #tpu.memory_space<hbm>> -> memref<64x128xf32, #tpu.memory_space<hbm>>
      %dma_wait3A_115 = arith.constant 0 : i32
      %dma_wait3A_116 = tpu.memref_slice %arg19[%add3A_86, %dma_wait3A_115] : memref<10000x128xf32, #tpu.memory_space<vmem_shared>> -> memref<64x128xf32, #tpu.memory_space<vmem_shared>>
      tpu.wait_dma2 semaphore(%run_scoped3A : memref<!tpu.dma_semaphore, #tpu.memory_space<semaphore_mem>>) src(%dma_wait3A_116 : memref<64x128xf32, #tpu.memory_space<vmem_shared>>) dst(%dma_wait3A_114 : memref<64x128xf32, #tpu.memory_space<hbm>>)
      tpu.yield
    }) : () -> ()
    %mul3A_87 = arith.constant 624 : i32
    %mul3A_88 = arith.muli %arg1, %mul3A_87 : i32
    %add3A_89 = arith.constant 320 : i32
    %add3A_90 = arith.addi %mul3A_88, %add3A_89 : i32
    "tpu.region"() ({
      %run_scoped3A = tpu.sem_alloc : memref<!tpu.dma_semaphore, #tpu.memory_space<semaphore_mem>>
      %dma_start3A_107 = arith.constant 0 : i32
      %dma_start3A_108 = tpu.memref_slice %arg8[%arg0, %add3A_90, %dma_start3A_107] : memref<2x10000x128xf32, #tpu.memory_space<hbm>> -> memref<1x64x128xf32, #tpu.memory_space<hbm>>
      %dma_start3A_109 = tpu.memref_squeeze %dma_start3A_108 : memref<1x64x128xf32, #tpu.memory_space<hbm>> -> memref<64x128xf32, #tpu.memory_space<hbm>>
      %dma_start3A_110 = arith.constant 0 : i32
      %dma_start3A_111 = tpu.memref_slice %arg19[%add3A_90, %dma_start3A_110] : memref<10000x128xf32, #tpu.memory_space<vmem_shared>> -> memref<64x128xf32, #tpu.memory_space<vmem_shared>>
      tpu.enqueue_dma source(%dma_start3A_111 : memref<64x128xf32, #tpu.memory_space<vmem_shared>>) target(%dma_start3A_109 : memref<64x128xf32, #tpu.memory_space<hbm>>) target_semaphore(%run_scoped3A : memref<!tpu.dma_semaphore, #tpu.memory_space<semaphore_mem>>)
      %dma_wait3A_112 = arith.constant 0 : i32
      %dma_wait3A_113 = tpu.memref_slice %arg8[%arg0, %add3A_90, %dma_wait3A_112] : memref<2x10000x128xf32, #tpu.memory_space<hbm>> -> memref<1x64x128xf32, #tpu.memory_space<hbm>>
      %dma_wait3A_114 = tpu.memref_squeeze %dma_wait3A_113 : memref<1x64x128xf32, #tpu.memory_space<hbm>> -> memref<64x128xf32, #tpu.memory_space<hbm>>
      %dma_wait3A_115 = arith.constant 0 : i32
      %dma_wait3A_116 = tpu.memref_slice %arg19[%add3A_90, %dma_wait3A_115] : memref<10000x128xf32, #tpu.memory_space<vmem_shared>> -> memref<64x128xf32, #tpu.memory_space<vmem_shared>>
      tpu.wait_dma2 semaphore(%run_scoped3A : memref<!tpu.dma_semaphore, #tpu.memory_space<semaphore_mem>>) src(%dma_wait3A_116 : memref<64x128xf32, #tpu.memory_space<vmem_shared>>) dst(%dma_wait3A_114 : memref<64x128xf32, #tpu.memory_space<hbm>>)
      tpu.yield
    }) : () -> ()
    %mul3A_91 = arith.constant 624 : i32
    %mul3A_92 = arith.muli %arg1, %mul3A_91 : i32
    %add3A_93 = arith.constant 384 : i32
    %add3A_94 = arith.addi %mul3A_92, %add3A_93 : i32
    "tpu.region"() ({
      %run_scoped3A = tpu.sem_alloc : memref<!tpu.dma_semaphore, #tpu.memory_space<semaphore_mem>>
      %dma_start3A_107 = arith.constant 0 : i32
      %dma_start3A_108 = tpu.memref_slice %arg8[%arg0, %add3A_94, %dma_start3A_107] : memref<2x10000x128xf32, #tpu.memory_space<hbm>> -> memref<1x64x128xf32, #tpu.memory_space<hbm>>
      %dma_start3A_109 = tpu.memref_squeeze %dma_start3A_108 : memref<1x64x128xf32, #tpu.memory_space<hbm>> -> memref<64x128xf32, #tpu.memory_space<hbm>>
      %dma_start3A_110 = arith.constant 0 : i32
      %dma_start3A_111 = tpu.memref_slice %arg19[%add3A_94, %dma_start3A_110] : memref<10000x128xf32, #tpu.memory_space<vmem_shared>> -> memref<64x128xf32, #tpu.memory_space<vmem_shared>>
      tpu.enqueue_dma source(%dma_start3A_111 : memref<64x128xf32, #tpu.memory_space<vmem_shared>>) target(%dma_start3A_109 : memref<64x128xf32, #tpu.memory_space<hbm>>) target_semaphore(%run_scoped3A : memref<!tpu.dma_semaphore, #tpu.memory_space<semaphore_mem>>)
      %dma_wait3A_112 = arith.constant 0 : i32
      %dma_wait3A_113 = tpu.memref_slice %arg8[%arg0, %add3A_94, %dma_wait3A_112] : memref<2x10000x128xf32, #tpu.memory_space<hbm>> -> memref<1x64x128xf32, #tpu.memory_space<hbm>>
      %dma_wait3A_114 = tpu.memref_squeeze %dma_wait3A_113 : memref<1x64x128xf32, #tpu.memory_space<hbm>> -> memref<64x128xf32, #tpu.memory_space<hbm>>
      %dma_wait3A_115 = arith.constant 0 : i32
      %dma_wait3A_116 = tpu.memref_slice %arg19[%add3A_94, %dma_wait3A_115] : memref<10000x128xf32, #tpu.memory_space<vmem_shared>> -> memref<64x128xf32, #tpu.memory_space<vmem_shared>>
      tpu.wait_dma2 semaphore(%run_scoped3A : memref<!tpu.dma_semaphore, #tpu.memory_space<semaphore_mem>>) src(%dma_wait3A_116 : memref<64x128xf32, #tpu.memory_space<vmem_shared>>) dst(%dma_wait3A_114 : memref<64x128xf32, #tpu.memory_space<hbm>>)
      tpu.yield
    }) : () -> ()
    %mul3A_95 = arith.constant 624 : i32
    %mul3A_96 = arith.muli %arg1, %mul3A_95 : i32
    %add3A_97 = arith.constant 448 : i32
    %add3A_98 = arith.addi %mul3A_96, %add3A_97 : i32
    "tpu.region"() ({
      %run_scoped3A = tpu.sem_alloc : memref<!tpu.dma_semaphore, #tpu.memory_space<semaphore_mem>>
      %dma_start3A_107 = arith.constant 0 : i32
      %dma_start3A_108 = tpu.memref_slice %arg8[%arg0, %add3A_98, %dma_start3A_107] : memref<2x10000x128xf32, #tpu.memory_space<hbm>> -> memref<1x64x128xf32, #tpu.memory_space<hbm>>
      %dma_start3A_109 = tpu.memref_squeeze %dma_start3A_108 : memref<1x64x128xf32, #tpu.memory_space<hbm>> -> memref<64x128xf32, #tpu.memory_space<hbm>>
      %dma_start3A_110 = arith.constant 0 : i32
      %dma_start3A_111 = tpu.memref_slice %arg19[%add3A_98, %dma_start3A_110] : memref<10000x128xf32, #tpu.memory_space<vmem_shared>> -> memref<64x128xf32, #tpu.memory_space<vmem_shared>>
      tpu.enqueue_dma source(%dma_start3A_111 : memref<64x128xf32, #tpu.memory_space<vmem_shared>>) target(%dma_start3A_109 : memref<64x128xf32, #tpu.memory_space<hbm>>) target_semaphore(%run_scoped3A : memref<!tpu.dma_semaphore, #tpu.memory_space<semaphore_mem>>)
      %dma_wait3A_112 = arith.constant 0 : i32
      %dma_wait3A_113 = tpu.memref_slice %arg8[%arg0, %add3A_98, %dma_wait3A_112] : memref<2x10000x128xf32, #tpu.memory_space<hbm>> -> memref<1x64x128xf32, #tpu.memory_space<hbm>>
      %dma_wait3A_114 = tpu.memref_squeeze %dma_wait3A_113 : memref<1x64x128xf32, #tpu.memory_space<hbm>> -> memref<64x128xf32, #tpu.memory_space<hbm>>
      %dma_wait3A_115 = arith.constant 0 : i32
      %dma_wait3A_116 = tpu.memref_slice %arg19[%add3A_98, %dma_wait3A_115] : memref<10000x128xf32, #tpu.memory_space<vmem_shared>> -> memref<64x128xf32, #tpu.memory_space<vmem_shared>>
      tpu.wait_dma2 semaphore(%run_scoped3A : memref<!tpu.dma_semaphore, #tpu.memory_space<semaphore_mem>>) src(%dma_wait3A_116 : memref<64x128xf32, #tpu.memory_space<vmem_shared>>) dst(%dma_wait3A_114 : memref<64x128xf32, #tpu.memory_space<hbm>>)
      tpu.yield
    }) : () -> ()
    %mul3A_99 = arith.constant 624 : i32
    %mul3A_100 = arith.muli %arg1, %mul3A_99 : i32
    %add3A_101 = arith.constant 512 : i32
    %add3A_102 = arith.addi %mul3A_100, %add3A_101 : i32
    "tpu.region"() ({
      %run_scoped3A = tpu.sem_alloc : memref<!tpu.dma_semaphore, #tpu.memory_space<semaphore_mem>>
      %dma_start3A_107 = arith.constant 0 : i32
      %dma_start3A_108 = tpu.memref_slice %arg8[%arg0, %add3A_102, %dma_start3A_107] : memref<2x10000x128xf32, #tpu.memory_space<hbm>> -> memref<1x64x128xf32, #tpu.memory_space<hbm>>
      %dma_start3A_109 = tpu.memref_squeeze %dma_start3A_108 : memref<1x64x128xf32, #tpu.memory_space<hbm>> -> memref<64x128xf32, #tpu.memory_space<hbm>>
      %dma_start3A_110 = arith.constant 0 : i32
      %dma_start3A_111 = tpu.memref_slice %arg19[%add3A_102, %dma_start3A_110] : memref<10000x128xf32, #tpu.memory_space<vmem_shared>> -> memref<64x128xf32, #tpu.memory_space<vmem_shared>>
      tpu.enqueue_dma source(%dma_start3A_111 : memref<64x128xf32, #tpu.memory_space<vmem_shared>>) target(%dma_start3A_109 : memref<64x128xf32, #tpu.memory_space<hbm>>) target_semaphore(%run_scoped3A : memref<!tpu.dma_semaphore, #tpu.memory_space<semaphore_mem>>)
      %dma_wait3A_112 = arith.constant 0 : i32
      %dma_wait3A_113 = tpu.memref_slice %arg8[%arg0, %add3A_102, %dma_wait3A_112] : memref<2x10000x128xf32, #tpu.memory_space<hbm>> -> memref<1x64x128xf32, #tpu.memory_space<hbm>>
      %dma_wait3A_114 = tpu.memref_squeeze %dma_wait3A_113 : memref<1x64x128xf32, #tpu.memory_space<hbm>> -> memref<64x128xf32, #tpu.memory_space<hbm>>
      %dma_wait3A_115 = arith.constant 0 : i32
      %dma_wait3A_116 = tpu.memref_slice %arg19[%add3A_102, %dma_wait3A_115] : memref<10000x128xf32, #tpu.memory_space<vmem_shared>> -> memref<64x128xf32, #tpu.memory_space<vmem_shared>>
      tpu.wait_dma2 semaphore(%run_scoped3A : memref<!tpu.dma_semaphore, #tpu.memory_space<semaphore_mem>>) src(%dma_wait3A_116 : memref<64x128xf32, #tpu.memory_space<vmem_shared>>) dst(%dma_wait3A_114 : memref<64x128xf32, #tpu.memory_space<hbm>>)
      tpu.yield
    }) : () -> ()
    %mul3A_103 = arith.constant 624 : i32
    %mul3A_104 = arith.muli %arg1, %mul3A_103 : i32
    %add3A_105 = arith.constant 576 : i32
    %add3A_106 = arith.addi %mul3A_104, %add3A_105 : i32
    "tpu.region"() ({
      %run_scoped3A = tpu.sem_alloc : memref<!tpu.dma_semaphore, #tpu.memory_space<semaphore_mem>>
      %dma_start3A_107 = arith.constant 0 : i32
      %dma_start3A_108 = tpu.memref_slice %arg8[%arg0, %add3A_106, %dma_start3A_107] : memref<2x10000x128xf32, #tpu.memory_space<hbm>> -> memref<1x64x128xf32, #tpu.memory_space<hbm>>
      %dma_start3A_109 = tpu.memref_squeeze %dma_start3A_108 : memref<1x64x128xf32, #tpu.memory_space<hbm>> -> memref<64x128xf32, #tpu.memory_space<hbm>>
      %dma_start3A_110 = arith.constant 0 : i32
      %dma_start3A_111 = tpu.memref_slice %arg19[%add3A_106, %dma_start3A_110] : memref<10000x128xf32, #tpu.memory_space<vmem_shared>> -> memref<64x128xf32, #tpu.memory_space<vmem_shared>>
      tpu.enqueue_dma source(%dma_start3A_111 : memref<64x128xf32, #tpu.memory_space<vmem_shared>>) target(%dma_start3A_109 : memref<64x128xf32, #tpu.memory_space<hbm>>) target_semaphore(%run_scoped3A : memref<!tpu.dma_semaphore, #tpu.memory_space<semaphore_mem>>)
      %dma_wait3A_112 = arith.constant 0 : i32
      %dma_wait3A_113 = tpu.memref_slice %arg8[%arg0, %add3A_106, %dma_wait3A_112] : memref<2x10000x128xf32, #tpu.memory_space<hbm>> -> memref<1x64x128xf32, #tpu.memory_space<hbm>>
      %dma_wait3A_114 = tpu.memref_squeeze %dma_wait3A_113 : memref<1x64x128xf32, #tpu.memory_space<hbm>> -> memref<64x128xf32, #tpu.memory_space<hbm>>
      %dma_wait3A_115 = arith.constant 0 : i32
      %dma_wait3A_116 = tpu.memref_slice %arg19[%add3A_106, %dma_wait3A_115] : memref<10000x128xf32, #tpu.memory_space<vmem_shared>> -> memref<64x128xf32, #tpu.memory_space<vmem_shared>>
      tpu.wait_dma2 semaphore(%run_scoped3A : memref<!tpu.dma_semaphore, #tpu.memory_space<semaphore_mem>>) src(%dma_wait3A_116 : memref<64x128xf32, #tpu.memory_space<vmem_shared>>) dst(%dma_wait3A_114 : memref<64x128xf32, #tpu.memory_space<hbm>>)
      tpu.yield
    }) : () -> ()
    return
  }
}

module attributes {stable_mosaic.version = 14 : i64} {
  func.func @_qkv_body(%arg0: i32, %arg1: memref<1000x128xf32, #tpu.memory_space<vmem>>, %arg2: memref<128x128xf32, #tpu.memory_space<vmem>>, %arg3: memref<1x128xf32, #tpu.memory_space<vmem>>, %arg4: memref<128x128xf32, #tpu.memory_space<vmem>>, %arg5: memref<1x128xf32, #tpu.memory_space<vmem>>, %arg6: memref<128x128xf32, #tpu.memory_space<vmem>>, %arg7: memref<1x128xf32, #tpu.memory_space<vmem>>, %arg8: memref<1000x128xf32, #tpu.memory_space<vmem>>, %arg9: memref<1000x128xf32, #tpu.memory_space<vmem>>, %arg10: memref<1000x128xf32, #tpu.memory_space<vmem>>) attributes {dimension_semantics = [#tpu.dimension_semantics<arbitrary>], iteration_bounds = array<i64: 10>, scalar_prefetch = 0 : i64, scratch_operands = 0 : i64, tpu.core_type = #tpu.core_type<tc>, window_params = [{transform_indices = @transform_0, window_bounds = array<i64: 1000, 128>}, {pipeline_mode = #tpu.pipeline_mode<synchronous>, transform_indices = @transform_1, window_bounds = array<i64: 128, 128>}, {pipeline_mode = #tpu.pipeline_mode<synchronous>, transform_indices = @transform_2, window_bounds = array<i64: 1, 128>}, {pipeline_mode = #tpu.pipeline_mode<synchronous>, transform_indices = @transform_3, window_bounds = array<i64: 128, 128>}, {pipeline_mode = #tpu.pipeline_mode<synchronous>, transform_indices = @transform_4, window_bounds = array<i64: 1, 128>}, {pipeline_mode = #tpu.pipeline_mode<synchronous>, transform_indices = @transform_5, window_bounds = array<i64: 128, 128>}, {pipeline_mode = #tpu.pipeline_mode<synchronous>, transform_indices = @transform_6, window_bounds = array<i64: 1, 128>}, {transform_indices = @transform_7, window_bounds = array<i64: 1000, 128>}, {transform_indices = @transform_8, window_bounds = array<i64: 1000, 128>}, {transform_indices = @transform_9, window_bounds = array<i64: 1000, 128>}]} {
    %get3A = arith.constant 0 : index
    %get3A_0 = arith.constant 0 : index
    %get3A_1 = vector.load %arg1[%get3A, %get3A_0] : memref<1000x128xf32, #tpu.memory_space<vmem>>, vector<1000x128xf32>
    %get3A_2 = arith.constant 0 : index
    %get3A_3 = arith.constant 0 : index
    %get3A_4 = vector.load %arg2[%get3A_2, %get3A_3] : memref<128x128xf32, #tpu.memory_space<vmem>>, vector<128x128xf32>
    %dot_general3A = arith.constant dense<0.000000e+00> : vector<1000x128xf32>
    %dot_general3A_5 = tpu.matmul %get3A_1, %get3A_4, %dot_general3A {dimension_numbers = #tpu.dot_dimension_numbers<[1], [1], [0], [0], [0, 0, 1, 0], [], []>, transpose_lhs_hint = false} : vector<1000x128xf32>, vector<128x128xf32>, vector<1000x128xf32> -> vector<1000x128xf32>
    %get3A_6 = arith.constant 0 : index
    %get3A_7 = arith.constant 0 : index
    %get3A_8 = vector.load %arg3[%get3A_6, %get3A_7] : memref<1x128xf32, #tpu.memory_space<vmem>>, vector<1x128xf32>
    %add3A = vector.broadcast %get3A_8 : vector<1x128xf32> to vector<1000x128xf32>
    %add3A_9 = arith.addf %dot_general3A_5, %add3A : vector<1000x128xf32>
    %mul3A = arith.constant 2.500000e-01 : f32
    %mul3A_10 = vector.broadcast %mul3A : f32 to vector<1000x128xf32>
    %mul3A_11 = arith.mulf %add3A_9, %mul3A_10 : vector<1000x128xf32>
    %swap3A = arith.constant 0 : index
    %swap3A_12 = arith.constant 0 : index
    %swap3A_13 = vector.load %arg8[%swap3A, %swap3A_12] : memref<1000x128xf32, #tpu.memory_space<vmem>>, vector<1000x128xf32>
    tpu.vector_store %arg8[%swap3A, %swap3A_12], %mul3A_11 {strides = array<i32>} : memref<1000x128xf32, #tpu.memory_space<vmem>>, vector<1000x128xf32>,
    %get3A_14 = arith.constant 0 : index
    %get3A_15 = arith.constant 0 : index
    %get3A_16 = vector.load %arg4[%get3A_14, %get3A_15] : memref<128x128xf32, #tpu.memory_space<vmem>>, vector<128x128xf32>
    %dot_general3A_17 = arith.constant dense<0.000000e+00> : vector<1000x128xf32>
    %dot_general3A_18 = tpu.matmul %get3A_1, %get3A_16, %dot_general3A_17 {dimension_numbers = #tpu.dot_dimension_numbers<[1], [1], [0], [0], [0, 0, 1, 0], [], []>, transpose_lhs_hint = false} : vector<1000x128xf32>, vector<128x128xf32>, vector<1000x128xf32> -> vector<1000x128xf32>
    %get3A_19 = arith.constant 0 : index
    %get3A_20 = arith.constant 0 : index
    %get3A_21 = vector.load %arg5[%get3A_19, %get3A_20] : memref<1x128xf32, #tpu.memory_space<vmem>>, vector<1x128xf32>
    %add3A_22 = vector.broadcast %get3A_21 : vector<1x128xf32> to vector<1000x128xf32>
    %add3A_23 = arith.addf %dot_general3A_18, %add3A_22 : vector<1000x128xf32>
    %swap3A_24 = arith.constant 0 : index
    %swap3A_25 = arith.constant 0 : index
    %swap3A_26 = vector.load %arg9[%swap3A_24, %swap3A_25] : memref<1000x128xf32, #tpu.memory_space<vmem>>, vector<1000x128xf32>
    tpu.vector_store %arg9[%swap3A_24, %swap3A_25], %add3A_23 {strides = array<i32>} : memref<1000x128xf32, #tpu.memory_space<vmem>>, vector<1000x128xf32>,
    %get3A_27 = arith.constant 0 : index
    %get3A_28 = arith.constant 0 : index
    %get3A_29 = vector.load %arg6[%get3A_27, %get3A_28] : memref<128x128xf32, #tpu.memory_space<vmem>>, vector<128x128xf32>
    %dot_general3A_30 = arith.constant dense<0.000000e+00> : vector<1000x128xf32>
    %dot_general3A_31 = tpu.matmul %get3A_1, %get3A_29, %dot_general3A_30 {dimension_numbers = #tpu.dot_dimension_numbers<[1], [1], [0], [0], [0, 0, 1, 0], [], []>, transpose_lhs_hint = false} : vector<1000x128xf32>, vector<128x128xf32>, vector<1000x128xf32> -> vector<1000x128xf32>
    %get3A_32 = arith.constant 0 : index
    %get3A_33 = arith.constant 0 : index
    %get3A_34 = vector.load %arg7[%get3A_32, %get3A_33] : memref<1x128xf32, #tpu.memory_space<vmem>>, vector<1x128xf32>
    %add3A_35 = vector.broadcast %get3A_34 : vector<1x128xf32> to vector<1000x128xf32>
    %add3A_36 = arith.addf %dot_general3A_31, %add3A_35 : vector<1000x128xf32>
    %swap3A_37 = arith.constant 0 : index
    %swap3A_38 = arith.constant 0 : index
    %swap3A_39 = vector.load %arg10[%swap3A_37, %swap3A_38] : memref<1000x128xf32, #tpu.memory_space<vmem>>, vector<1000x128xf32>
    tpu.vector_store %arg10[%swap3A_37, %swap3A_38], %add3A_36 {strides = array<i32>} : memref<1000x128xf32, #tpu.memory_space<vmem>>, vector<1000x128xf32>,
    return
  }
  func.func @transform_0(%arg0: i32) -> (i32, i32) {
    %c0_i32 = arith.constant 0 : i32
    %c0_i32_0 = arith.constant 0 : i32
    return %arg0, %c0_i32 : i32, i32
  }
  func.func @transform_1(%arg0: i32) -> (i32, i32) {
    %c0_i32 = arith.constant 0 : i32
    %c0_i32_0 = arith.constant 0 : i32
    %c0_i32_1 = arith.constant 0 : i32
    return %c0_i32, %c0_i32_0 : i32, i32
  }
  func.func @transform_2(%arg0: i32) -> (i32, i32) {
    %c0_i32 = arith.constant 0 : i32
    %c0_i32_0 = arith.constant 0 : i32
    %c0_i32_1 = arith.constant 0 : i32
    return %c0_i32, %c0_i32_0 : i32, i32
  }
  func.func @transform_3(%arg0: i32) -> (i32, i32) {
    %c0_i32 = arith.constant 0 : i32
    %c0_i32_0 = arith.constant 0 : i32
    %c0_i32_1 = arith.constant 0 : i32
    return %c0_i32, %c0_i32_0 : i32, i32
  }
  func.func @transform_4(%arg0: i32) -> (i32, i32) {
    %c0_i32 = arith.constant 0 : i32
    %c0_i32_0 = arith.constant 0 : i32
    %c0_i32_1 = arith.constant 0 : i32
    return %c0_i32, %c0_i32_0 : i32, i32
  }
  func.func @transform_5(%arg0: i32) -> (i32, i32) {
    %c0_i32 = arith.constant 0 : i32
    %c0_i32_0 = arith.constant 0 : i32
    %c0_i32_1 = arith.constant 0 : i32
    return %c0_i32, %c0_i32_0 : i32, i32
  }
  func.func @transform_6(%arg0: i32) -> (i32, i32) {
    %c0_i32 = arith.constant 0 : i32
    %c0_i32_0 = arith.constant 0 : i32
    %c0_i32_1 = arith.constant 0 : i32
    return %c0_i32, %c0_i32_0 : i32, i32
  }
  func.func @transform_7(%arg0: i32) -> (i32, i32) {
    %c0_i32 = arith.constant 0 : i32
    %c0_i32_0 = arith.constant 0 : i32
    return %arg0, %c0_i32 : i32, i32
  }
  func.func @transform_8(%arg0: i32) -> (i32, i32) {
    %c0_i32 = arith.constant 0 : i32
    %c0_i32_0 = arith.constant 0 : i32
    return %arg0, %c0_i32 : i32, i32
  }
  func.func @transform_9(%arg0: i32) -> (i32, i32) {
    %c0_i32 = arith.constant 0 : i32
    %c0_i32_0 = arith.constant 0 : i32
    return %arg0, %c0_i32 : i32, i32
  }
}

module attributes {stable_mosaic.version = 14 : i64} {
  func.func @_out_body(%arg0: i32, %arg1: memref<2x1000x128xf32, #tpu.memory_space<vmem>>, %arg2: memref<128x128xf32, #tpu.memory_space<vmem>>, %arg3: memref<1x128xf32, #tpu.memory_space<vmem>>, %arg4: memref<1000x128xf32, #tpu.memory_space<vmem>>) attributes {dimension_semantics = [#tpu.dimension_semantics<arbitrary>], iteration_bounds = array<i64: 10>, scalar_prefetch = 0 : i64, scratch_operands = 0 : i64, tpu.core_type = #tpu.core_type<tc>, window_params = [{transform_indices = @transform_0, window_bounds = array<i64: 2, 1000, 128>}, {pipeline_mode = #tpu.pipeline_mode<synchronous>, transform_indices = @transform_1, window_bounds = array<i64: 128, 128>}, {pipeline_mode = #tpu.pipeline_mode<synchronous>, transform_indices = @transform_2, window_bounds = array<i64: 1, 128>}, {transform_indices = @transform_3, window_bounds = array<i64: 1000, 128>}]} {
    %get3A = arith.constant 0 : index
    %get3A_0 = arith.constant 0 : index
    %get3A_1 = arith.constant 0 : index
    %get3A_2 = vector.load %arg1[%get3A, %get3A_0, %get3A_1] : memref<2x1000x128xf32, #tpu.memory_space<vmem>>, vector<1x1000x128xf32>
    %get3A_3 = vector.shape_cast %get3A_2 : vector<1x1000x128xf32> to vector<1000x128xf32>
    %get3A_4 = arith.constant 1 : index
    %get3A_5 = arith.constant 0 : index
    %get3A_6 = arith.constant 0 : index
    %get3A_7 = vector.load %arg1[%get3A_4, %get3A_5, %get3A_6] : memref<2x1000x128xf32, #tpu.memory_space<vmem>>, vector<1x1000x128xf32>
    %get3A_8 = vector.shape_cast %get3A_7 : vector<1x1000x128xf32> to vector<1000x128xf32>
    %add3A = arith.addf %get3A_3, %get3A_8 : vector<1000x128xf32>
    %get3A_9 = arith.constant 0 : index
    %get3A_10 = arith.constant 0 : index
    %get3A_11 = vector.load %arg2[%get3A_9, %get3A_10] : memref<128x128xf32, #tpu.memory_space<vmem>>, vector<128x128xf32>
    %dot_general3A = arith.constant dense<0.000000e+00> : vector<1000x128xf32>
    %dot_general3A_12 = tpu.matmul %add3A, %get3A_11, %dot_general3A {dimension_numbers = #tpu.dot_dimension_numbers<[1], [1], [0], [0], [0, 0, 1, 0], [], []>, transpose_lhs_hint = false} : vector<1000x128xf32>, vector<128x128xf32>, vector<1000x128xf32> -> vector<1000x128xf32>
    %get3A_13 = arith.constant 0 : index
    %get3A_14 = arith.constant 0 : index
    %get3A_15 = vector.load %arg3[%get3A_13, %get3A_14] : memref<1x128xf32, #tpu.memory_space<vmem>>, vector<1x128xf32>
    %add3A_16 = vector.broadcast %get3A_15 : vector<1x128xf32> to vector<1000x128xf32>
    %add3A_17 = arith.addf %dot_general3A_12, %add3A_16 : vector<1000x128xf32>
    %swap3A = arith.constant 0 : index
    %swap3A_18 = arith.constant 0 : index
    %swap3A_19 = vector.load %arg4[%swap3A, %swap3A_18] : memref<1000x128xf32, #tpu.memory_space<vmem>>, vector<1000x128xf32>
    tpu.vector_store %arg4[%swap3A, %swap3A_18], %add3A_17 {strides = array<i32>} : memref<1000x128xf32, #tpu.memory_space<vmem>>, vector<1000x128xf32>,
    return
  }
  func.func @transform_0(%arg0: i32) -> (i32, i32, i32) {
    %c0_i32 = arith.constant 0 : i32
    %c0_i32_0 = arith.constant 0 : i32
    %c0_i32_1 = arith.constant 0 : i32
    return %c0_i32, %arg0, %c0_i32_0 : i32, i32, i32
  }
  func.func @transform_1(%arg0: i32) -> (i32, i32) {
    %c0_i32 = arith.constant 0 : i32
    %c0_i32_0 = arith.constant 0 : i32
    %c0_i32_1 = arith.constant 0 : i32
    return %c0_i32, %c0_i32_0 : i32, i32
  }
  func.func @transform_2(%arg0: i32) -> (i32, i32) {
    %c0_i32 = arith.constant 0 : i32
    %c0_i32_0 = arith.constant 0 : i32
    %c0_i32_1 = arith.constant 0 : i32
    return %c0_i32, %c0_i32_0 : i32, i32
  }
  func.func @transform_3(%arg0: i32) -> (i32, i32) {
    %c0_i32 = arith.constant 0 : i32
    %c0_i32_0 = arith.constant 0 : i32
    return %arg0, %c0_i32 : i32, i32
  }
}

</mosaic_0001>

<sc_bundles>
// kernel: kernel.5.cloned.1.call-start
scs
__scs_entry_jumppad:
0x0: {  	(pc) =	sbr.rel $0x88, $3  }
0x1: {  	(tag) =	ssettag $0x0;
	lr =	simm.s32 $0x1  }
0x2: {  	[smem:$0x3F97] =	sst lr;
	_ =	strace $0xD0000000  }
0x3: {  	_ = 	snop  }
0x4: {  	_ = 	snop  }
0x5: {  	_ = 	snop  }
0x6: {  	_ = 	snop  }
0x7: {  	_ = 	snop  }
__scs_overlays_trampoline_lowered:
0x8: {  	[smem:$0x3FA6] =	sst s0  }
0x9: {  	[smem:$0x3FA7] =	sst s1  }
0xa: {  	[smem:$0x3FA8] =	sst s2  }
0xb: {  	[smem:$0x3FA9] =	sst s3  }
0xc: {  	[smem:$0x3FAA] =	sst s4  }
0xd: {  	[smem:$0x3FAB] =	sst s5  }
0xe: {  	[smem:$0x3FAC] =	sst s6  }
0xf: {  	[smem:$0x3FAD] =	sst s7  }
0x10: {  	[smem:$0x3FAE] =	sst s8  }
0x11: {  	[smem:$0x3FAF] =	sst s9;
	s0 =	simm.s32 @!p0 $0x0  }
0x12: {  	s1 =	sld [smem:$0x3F95];
	s0 =	simm.s32 @p0 $0x1  }
0x13: {  	[smem:$0x3FB0] =	sst s0;
	s0 =	simm.s32 @!p1 $0x0  }
0x14: {  	s2 =	sld [smem:$0x3F94];
	s0 =	simm.s32 @p1 $0x1  }
0x15: {  	[smem:$0x3FB1] =	sst s0;
	s0 =	simm.s32 @!p2 $0x0  }
0x16: {  	s3 =	sld [smem:$0x3FDB];
	s0 =	simm.s32 @p2 $0x1  }
0x17: {  	s4 =	simm.s32 $0x1BF5;
	[smem:$0x3FB3] =	sst s0  }
0x18: {  	s0 =	sld [smem:$0x3F96];
	_ =	swait.ge [sflag:s4], $0x0  }
0x19: {  	s7 =	sld [smem:$0x3F97]  }
0x1a: {  	s8 =	sadd.s32 $0xFFFFE003, lr  }
0x1b: {  	s9 =	sadd.s32 $0xFFFFFEF7, lr;
	s5 =	simm.s32 $0xFFFFFFFF;
	p2 =	slt.u32 s8, $0xFFFFF086  }
0x1c: {  	p1 =	slt.u32 s9, $0xF7A;
	s5 =	simm.s32 @!p2 $0x0  }
0x1d: {  	s5 =	simm.s32 @p1 $0x1;
	p0 =	seq.s32 s7, s2  }
0x1e: {  	s7 =	smul.u32 @!p0 $0xF7A, s2;
	p2 =	seq.s32 @!p0 s5, $0x0  }
0x1f: {  	s9 =	smul.u32 $0xF7A, s1;
	s8 =	simm.s32 @!p0 $0x1BF5;
	p2 =	por !p2, p0  }
0x20: {  	[sflag:s8] =	ssyncset.s32 @!p0 $0xFFFFF086;
	s6 =	sadd.s32 @!p0 s3, s7;
	s7 =	simm.s32 @!p0 $0x108  }
0x21: {  	s3 =	sadd.s32 s3, s9;
	s6 =	sadd.s32 @!p0 $0x88, s6;
	s7 =	simm.s32 @p2 $0x1082  }
0x22: {  	[simem:s7], [sflag:s8] =	dma.local @!p0 [hbm:s6], $0xF7A  }
0x23: {  	s9 =	sor.u32 $0xD0000000, s2;
	s6 =	simm.s32 $0x108;
	_ =	swait.ge @!p0 [sflag:s8], $0x0  }
0x24: {  	s3 =	sadd.s32 $0x88, s3;
	s6 =	simm.s32 @!p1 $0x1082;
	[sflag:s4] =	ssyncset.s32 $0xFFFFF086  }
0x25: {  	[simem:s6], [sflag:s4] =	dma.local [hbm:s3], $0xF7A  }
0x26: {  	[smem:$0x3F97] =	sst s1;
	(tag) =	ssettag s2;
	_ =	strace s9  }
0x27: {  	s1 =	sld [smem:$0x3FA7]  }
0x28: {  	s2 =	sld [smem:$0x3FA8]  }
0x29: {  	s4 =	sld [smem:$0x3FAA]  }
0x2a: {  	p0 =	seq.s32 s5, $0x0;
	s5 =	sld [smem:$0x3FAB]  }
0x2b: {  	s6 =	sld [smem:$0x3FAC]  }
0x2c: {  	s7 =	sld [smem:$0x3FAD]  }
0x2d: {  	s3 =	simm.s32 $0x108;
	s8 =	sld [smem:$0x3FAE]  }
0x2e: {  	s3 =	simm.s32 @!p0 $0x1082;
	s9 =	sld [smem:$0x3FAF]  }
0x2f: {  	lr =	sadd.s32 s0, s3;
	s0 =	sld [smem:$0x3FA6]  }
0x30: {  	s3 =	sld [smem:$0x3FA9]  }
0x31: {  	[smem:$0x3FB2] =	sst s10  }
0x32: {  	s10 =	sld [smem:$0x3FB0];
	_ =	sdelay $0x3  }
0x33: {  	p0 =	seq.s32 s10, $0x1;
	s10 =	sld [smem:$0x3FB2];
	_ =	sdelay $0x3  }
0x34: {  	[smem:$0x3FB2] =	sst s10  }
0x35: {  	s10 =	sld [smem:$0x3FB1];
	_ =	sdelay $0x3  }
0x36: {  	p1 =	seq.s32 s10, $0x1;
	s10 =	sld [smem:$0x3FB2];
	_ =	sdelay $0x3  }
0x37: {  	[smem:$0x3FB2] =	sst s10  }
0x38: {  	s10 =	sld [smem:$0x3FB3]  }
0x39: {  	_ = 	snop;
	(pc) =	sbr.ind lr, $3  }
0x3a: {  	_ = 	snop  }
0x3b: {  	_ = 	snop  }
0x3c: {  	p2 =	seq.s32 s10, $0x1;
	s10 =	sld [smem:$0x3FB2]  }
0x3d: {  	_ =	shalt  }
0x3e: {  	_ =	shalt  }
0x3f: {  	_ =	shalt  }
0x40: {  	_ =	shalt  }
0x41: {  	_ =	shalt  }
0x42: {  	_ =	shalt  }
0x43: {  	_ =	shalt  }
0x44: {  	_ =	shalt  }
0x45: {  	_ =	shalt  }
0x46: {  	_ =	shalt  }
0x47: {  	_ =	shalt  }
0x48: {  	_ =	shalt  }
0x49: {  	_ =	shalt  }
0x4a: {  	_ =	shalt  }
0x4b: {  	_ =	shalt  }
0x4c: {  	_ =	shalt  }
0x4d: {  	_ =	shalt  }
0x4e: {  	_ =	shalt  }
0x4f: {  	_ =	shalt  }
0x50: {  	_ =	shalt  }
0x51: {  	_ =	shalt  }
0x52: {  	_ =	shalt  }
0x53: {  	_ =	shalt  }
0x54: {  	_ =	shalt  }
0x55: {  	_ =	shalt  }
0x56: {  	_ =	shalt  }
0x57: {  	_ =	shalt  }
0x58: {  	_ =	shalt  }
0x59: {  	_ =	shalt  }
0x5a: {  	_ =	shalt  }
0x5b: {  	_ =	shalt  }
0x5c: {  	_ =	shalt  }
0x5d: {  	_ =	shalt  }
0x5e: {  	_ =	shalt  }
0x5f: {  	_ =	shalt  }
0x60: {  	_ =	shalt  }
0x61: {  	_ =	shalt  }
0x62: {  	_ =	shalt  }
0x63: {  	_ =	shalt  }
0x64: {  	_ =	shalt  }
0x65: {  	_ =	shalt  }
0x66: {  	_ =	shalt  }
0x67: {  	_ =	shalt  }
0x68: {  	_ =	shalt  }
0x69: {  	_ =	shalt  }
0x6a: {  	_ =	shalt  }
0x6b: {  	_ =	shalt  }
0x6c: {  	_ =	shalt  }
0x6d: {  	_ =	shalt  }
0x6e: {  	_ =	shalt  }
0x6f: {  	_ =	shalt  }
0x70: {  	_ =	shalt  }
0x71: {  	_ =	shalt  }
0x72: {  	_ =	shalt  }
0x73: {  	_ =	shalt  }
0x74: {  	_ =	shalt  }
0x75: {  	_ =	shalt  }
0x76: {  	_ =	shalt  }
0x77: {  	_ =	shalt  }
0x78: {  	_ =	shalt  }
0x79: {  	_ =	shalt  }
0x7a: {  	_ =	shalt  }
0x7b: {  	_ =	shalt  }
0x7c: {  	_ =	shalt  }
0x7d: {  	_ =	shalt  }
0x7e: {  	_ =	shalt  }
0x7f: {  	_ =	shalt  }
0x80: {  	_ =	shalt  }
0x81: {  	_ =	shalt  }
0x82: {  	_ =	shalt  }
0x83: {  	_ =	shalt  }
0x84: {  	_ =	shalt  }
0x85: {  	_ =	shalt  }
0x86: {  	_ =	shalt  }
0x87: {  	_ =	shalt  }
.Lfunc_end0:
.L_simem_size_0:
called_computation_lowered:
.L_overlay_start_0:
0x88: {  	s2 =	sld [smem:$0x3FD9]  }
0x89: {  	s3 =	sld [smem:$0x3FFE];
	_ =	sdelay $0x1  }
0x8a: {  	s1 =	srdreg.scid  }
0x8b: {  	s0 =	sand.u32 $0x1, s1  }
0x8c: {  	s17 =	sshll.u32 s0, $0xA;
	s2 =	sadd.s32 s3, s2  }
0x8d: {  	s2 =	sadd.s32 s2, s17  }
0x8e: {  	[smem:$0x3FBE] =	sst s2  }
0x8f: {  	_ = 	snop  }
0x90: {  	s2 =	sld [smem:$0x3FD0];
	(tm) =	ssettm $0x1  }
0x91: {  	s18 =	sld [smem:$0x3FFB];
	_ =	sdelay $0x3  }
0x92: {  	_ =	strace s18  }
0x93: {  	s3 =	sld [smem:$0x3FFC];
	_ =	sdelay $0x3  }
0x94: {  	_ =	strace s3  }
0x95: {  	s3 =	sld [smem:$0x3FFD];
	_ =	sdelay $0x3  }
0x96: {  	_ =	strace s3  }
0x97: {  	_ =	strace $0x8FFFFFFF  }
0x98: {  	s19 =	sld [smem:$0x3FDB];
	_ =	sdelay $0x1  }
0x99: {  	s4 =	simm.s32 $_scs_section_size  }
0x9a: {  	s5 =	simm.s32 $_size__tile_overlayer_lowered;
	s6 =	simm.s32 $_tile_overlayer_lowered  }
0x9b: {  	s22 =	simm.s32 $0x1BFF;
	s21 =	sshll.u32 s6, $0x1;
	s3 =	sadd.s32 s4, s19  }
0x9c: {  	s7 =	simm.s32 $0x0;
	s20 =	sshll.u32 s5, $0x1;
	s5 =	sadd.s32 s21, s3  }
0x9d: {  	[timem:s7], [sflag:s22] =	dma.local [hbm:s5], s20  }
0x9e: {  	_ =	swait.ge [sflag:s22], s20  }
0x9f: {  	s4 =	ssub.s32 $0x0, s20;
	[sflag:s22] =	ssyncset.done $0x0  }
0xa0: {  	[sflag:s22] =	ssyncadd.s32 s4;
	_ =	sdelay $0x1  }
0xa1: {  	s23 =	simm.s32 $0x1B8B  }
0xa2: {  	_ =	swait.ge [sflag:s23], $0x1  }
0xa3: {  	[sflag:s23] =	ssyncset.done $0x0  }
0xa4: {  	s25 =	simm.s32 $0x1B8E;
	s24 =	sld [smem:$0x3FFE];
	[sflag:s23] =	ssyncadd.s32 $0xFFFFFFFF  }
0xa5: {  	s26 =	simm.s32 $execute0_lowered;
	[smem:$0x3FD2] =	sst s25  }
0xa6: {  	s5 =	sshll.u32 s26, $0x1;
	_ =	strace $0x80000046;
	[dreg:$0x1] =	wrdreg $0xFFFFFFFF  }
0xa7: {  	s28 =	simm.s32 $_size_execute0_lowered;
	s3 =	sadd.s32 s3, s5;
	[dreg:$0x0] =	wrdreg $0x0  }
0xa8: {  	s5 =	sshll.u32 s28, $0x1;
	[dreg:$0x2] =	wrdreg s3  }
0xa9: {  	[dreg:$0x3] =	wrdreg s5  }
0xaa: {  	[dreg:$0x4] =	wrdreg $0xC0  }
0xab: {  	_ =	task [dreg:s7], $0x5FFFF  }
0xac: {  	[dreg:$0x1] =	wrdreg $0xFFFFFFFF  }
0xad: {  	[dreg:$0x0] =	wrdreg $0x60  }
0xae: {  	[dreg:$0x2] =	wrdreg s24  }
0xaf: {  	[dreg:$0x3] =	wrdreg s2  }
0xb0: {  	[dreg:$0x4] =	wrdreg $0xC2000  }
0xb1: {  	[dreg:$0x5] =	wrdreg $0x9  }
0xb2: {  	_ =	task.clear_ibuf [dreg:s7], $0x6FFFF;
	_ =	strace $0x90000046  }
0xb3: {  	s29 =	simm.s32 $0x9;
	_ =	strace $0x80000048  }
0xb4: {  	_ =	swait.ge [sflag:s29], $0x1  }
0xb5: {  	[sflag:s29] =	ssyncadd.s32 $0xFFFFFFFF  }
0xb6: {  	_ =	strace $0x90000048  }
0xb7: {  	_ =	sfence  }
0xb8: {  	s30 =	sld [smem:$0x0];
	_ =	sdelay $0x2  }
0xb9: {  	s31 =	sshll.u32 s1, $0xD;
	s1 =	sshrl.u32 s1, $0x2  }
0xba: {  	s3 =	sand.u32 $0x4000, s31;
	s1 =	sadd.s32 s1, s30  }
0xbb: {  	s0 =	sor.u32 s3, s0;
	s1 =	sshll.u32 s1, $0x11  }
0xbc: {  	s0 =	sor.u32 s1, s0  }
0xbd: {  	s0 =	sadd.s32 $0x8F2B, s0  }
0xbe: {  	[sflag:s0] =	ssyncadd.remote.s32 $0x1  }
0xbf: {  	_ =	sfence.sel $0xFFFF  }
0xc0: {  	[dreg:$0x0] =	wrdreg $0xFFFFFFFF;
	(pc) =	sbr.abs _section_cstart, $3  }
0xc1: {  	[dreg:$0x1] =	wrdreg $0xFFFFFFFF  }
0xc2: {  	_ =	task.clear_ibuf [dreg:s7], $0x2FFFF;
	_ =	strace $0x9FFFFFFF  }
0xc3: {  	(tm) =	ssettm $0x7FFFFFFF  }
tec
execute0_lowered:
.L_overlay_start_1:
0x0: {  	(tag) =	ssettag $0x1  }
0x1: {  	s2 =	rddreg [dreg:$0x0]  }
0x2: {  	s0 =	srdreg.scid;
	s1 =	rddreg [dreg:$0x1]  }
0x3: {  	s4 =	simm.s32 $0x0;
	s19 =	stileid.u32;
	s3 =	sand.u32 $0x1, s0  }
0x4: {  	[smem:$0x7FF] =	sst s4;
	s5 =	smul.u32 $0x13800, s19;
	s28 =	sshll.u32 s19, $0x1  }
0x5: {  	s6 =	sadd.s32 $0x80C00, s2;
	s0 =	ssub.s32 $0x2, s3;
	s4 =	sor.u32 s3, s28  }
0x6: {  	s3 =	smul.u32 $0x138800, s3;
	s26 =	sshrl.u32 s0, $0x1;
	s7 =	sadd.s32 $0x2000, s5  }
0x7: {  	s8 =	sadd.s32 $0x4000, s5;
	s9 =	sadd.s32 $0x6000, s5;
	s10 =	sadd.s32 $0x8000, s5  }
0x8: {  	s11 =	sadd.s32 $0xA000, s5;
	s13 =	sadd.s32 $0xC000, s5;
	s14 =	sadd.s32 $0xE000, s5  }
0x9: {  	s20 =	sadd.s32 $0x10000, s5;
	s0 =	ssub.s32 s0, s26;
	s12 =	sadd.s32 s5, s3  }
0xa: {  	s15 =	sadd.s32 s3, s7;
	s5 =	sadd.s32 $0x12000, s5;
	s30 =	sadd.s32 s3, s8  }
0xb: {  	s31 =	sadd.s32 s3, s9;
	s16 =	sadd.s32 s3, s10;
	s18 =	sadd.s32 s3, s11  }
0xc: {  	s21 =	sadd.s32 s3, s13;
	s22 =	sadd.s32 s3, s14;
	s26 =	sadd.s32 s3, s20  }
0xd: {  	s12 =	sshrl.u32 s12, $0x3;
	s15 =	sshrl.u32 s15, $0x3;
	s16 =	sshrl.u32 s16, $0x3  }
0xe: {  	s23 =	sshrl.u32 s21, $0x3;
	s24 =	sshrl.u32 s22, $0x3;
	s28 =	sshrl.u32 s26, $0x3  }
0xf: {  	s3 =	sadd.s32 s3, s5;
	s12 =	sadd.s32 s6, s12;
	s29 =	sadd.s32 s6, s15  }
0x10: {  	s15 =	sshrl.u32 s31, $0x3;
	s17 =	sadd.s32 s6, s16;
	[dreg:$0x4] =	wrdreg s12  }
0x11: {  	s25 =	sadd.s32 s6, s24;
	s3 =	sshrl.u32 s3, $0x3;
	[dreg:$0x5] =	wrdreg s29  }
0x12: {  	s16 =	sadd.s32 $0x28400, s2;
	s31 =	sshll.u32 s19, $0x6;
	[dreg:$0x8] =	wrdreg s17  }
0x13: {  	s12 =	sshrl.u32 s30, $0x3;
	[dreg:$0xb] =	wrdreg s25;
	s3 =	sadd.s32 s6, s3  }
0x14: {  	s29 =	smul.u32 $0x4E000, s19;
	s12 =	sadd.s32 s6, s12;
	[dreg:$0xd] =	wrdreg s3  }
0x15: {  	s17 =	sadd.s32 $0x4F600, s2;
	[dreg:$0x6] =	wrdreg s12;
	s12 =	sadd.s32 s6, s15  }
0x16: {  	s15 =	sadd.s32 s6, s28;
	[dreg:$0x7] =	wrdreg s12;
	s12 =	sshrl.u32 s18, $0x3  }
0x17: {  	s19 =	smul.u32 $0x2780, s4;
	[dreg:$0xc] =	wrdreg s15;
	s12 =	sadd.s32 s6, s12  }
0x18: {  	s21 =	sor.u32 $0x1C03, s31;
	[dreg:$0x9] =	wrdreg s12;
	s12 =	sadd.s32 s6, s23  }
0x19: {  	s28 =	sshrl.u32 s19, $0x3;
	s15 =	sadd.s32 $0x1200, s2;
	[dreg:$0xa] =	wrdreg s12  }
0x1a: {  	s18 =	sadd.s32 $0x76800, s2;
	s2 =	sadd.s32 $0x80800, s2;
	s12 =	rddreg [dreg:$0x2]  }
0x1b: {  	s31 =	sadd.s32 s1, s28;
	_ =	strace $0x80000047;
	[dreg:$0xe] =	wrdreg s2  }
0x1c: {  	s0 =	smax.u32 s0, $0x1;
	s30 =	sshrl.u32 s29, $0x2;
	[dreg:$0x19] =	wrdreg s31  }
0x1d: {  	s3 =	sadd.s32 s30, s12;
	[dreg:$0x1b] =	wrdreg s0  }
0x1e: {  	s7 =	sadd.s32 s7, s12;
	[dreg:$0xf] =	wrdreg s3  }
0x1f: {  	s8 =	sadd.s32 s8, s12;
	[dreg:$0x10] =	wrdreg s7  }
0x20: {  	s4 =	sadd.s32 $0x80, s19;
	s22 =	sadd.s32 s9, s12;
	[dreg:$0x11] =	wrdreg s8  }
0x21: {  	s6 =	simm.s32 $0x3;
	s23 =	sadd.s32 s10, s12;
	[dreg:$0x12] =	wrdreg s22  }
0x22: {  	s24 =	sadd.s32 s11, s12;
	s25 =	sadd.s32 s13, s12;
	[dreg:$0x13] =	wrdreg s23  }
0x23: {  	s26 =	sadd.s32 s14, s12;
	s29 =	sadd.s32 s20, s12;
	[dreg:$0x14] =	wrdreg s24  }
0x24: {  	s30 =	sadd.s32 s5, s12;
	s9 =	simm.s32 $0x200;
	[dreg:$0x15] =	wrdreg s25  }
0x25: {  	vm0 =	vmmov $0x1;
	s11 =	simm.s32 $0x2200;
	s13 =	simm.s32 $0x4200;
	[dreg:$0x16] =	wrdreg s26  }
0x26: {  	vm1 =	vcmask $0x320;
	vm2 =	vcmask $0x720;
	vm3 =	vcmask $0xB20;
	s14 =	simm.s32 $0x100;
	s20 =	simm.s32 $0x180;
	[dreg:$0x17] =	wrdreg s29  }
0x27: {  	vm4 =	vcmask $0xF20;
	vm5 =	vcmask $0x1320;
	vm6 =	vcmask $0x1720;
	s2 =	simm.s32 $0x0;
	[dreg:$0x18] =	wrdreg s30;
	s3 =	sadd.s32 s18, s28  }
0x28: {  	vm7 =	vcmask $0x1B20;
	v0 =	vimm.s32 $0x0;
	v1 =	vimm.s32 $0x1;
	s7 =	simm.s32 $0x80;
	s8 =	simm.s32 $0x40;
	s22 =	simm.s32 $0x6200  }
0x29: {  	v2 =	vimm.s32 $0x2;
	v3 =	vimm.s32 $0x3;
	v4 =	vimm.s32 $0x4;
	s23 =	simm.s32 $0x8200;
	s24 =	simm.s32 $0xA200;
	s25 =	simm.s32 $0x1  }
0x2a: {  	v5 =	vimm.s32 $0x5;
	v6 =	vimm.s32 $0x6;
	v7 =	vimm.s32 $0x7;
	s26 =	simm.s32 $0x2;
	[dreg:$0x1a] =	wrdreg s3;
	s3 =	sor.u32 $0x40, s19  }
.LBB2_1:
0x2b: {  	[dreg:$0x1c] =	wrdreg s2  }
0x2c: {  	s0 =	rddreg [dreg:$0xf]  }
0x2d: {  	s10 =	sshrl.u32 s0, $0x3;
	s0 =	rddreg [dreg:$0xe]  }
0x2e: {  	[dreg:$0x1d] =	wrdreg s10  }
0x2f: {  	[spmem:s10], [sflag:s21] =	dma.local [hbm:s0], $0x400  }
0x30: {  	_ =	swait.ge [sflag:s6], $0x400  }
0x31: {  	s19 =	rddreg [dreg:$0x10]  }
0x32: {  	[sflag:s6] =	ssyncset.done $0x0;
	s2 =	sshrl.u32 s19, $0x3  }
0x33: {  	[sflag:s6] =	ssyncadd.s32 $0xFFFFFC00;
	[dreg:$0x1e] =	wrdreg s2  }
0x34: {  	[spmem:s2], [sflag:s21] =	dma.local [hbm:s0], $0x400  }
0x35: {  	_ =	swait.ge [sflag:s6], $0x400  }
0x36: {  	s28 =	rddreg [dreg:$0x11]  }
0x37: {  	[sflag:s6] =	ssyncset.done $0x0;
	s2 =	sshrl.u32 s28, $0x3  }
0x38: {  	[sflag:s6] =	ssyncadd.s32 $0xFFFFFC00;
	[dreg:$0x1f] =	wrdreg s2  }
0x39: {  	[spmem:s2], [sflag:s21] =	dma.local [hbm:s0], $0x400  }
0x3a: {  	_ =	swait.ge [sflag:s6], $0x400  }
0x3b: {  	s29 =	rddreg [dreg:$0x12]  }
0x3c: {  	[sflag:s6] =	ssyncset.done $0x0;
	s2 =	sshrl.u32 s29, $0x3  }
0x3d: {  	[sflag:s6] =	ssyncadd.s32 $0xFFFFFC00;
	[smem:$0x7F7] =	sst s2  }
0x3e: {  	[spmem:s2], [sflag:s21] =	dma.local [hbm:s0], $0x400  }
0x3f: {  	_ =	swait.ge [sflag:s6], $0x400  }
0x40: {  	s30 =	rddreg [dreg:$0x13]  }
0x41: {  	[sflag:s6] =	ssyncset.done $0x0;
	s2 =	sshrl.u32 s30, $0x3  }
0x42: {  	[sflag:s6] =	ssyncadd.s32 $0xFFFFFC00;
	[smem:$0x7F8] =	sst s2  }
0x43: {  	[spmem:s2], [sflag:s21] =	dma.local [hbm:s0], $0x400  }
0x44: {  	_ =	swait.ge [sflag:s6], $0x400  }
0x45: {  	s31 =	rddreg [dreg:$0x14]  }
0x46: {  	[sflag:s6] =	ssyncset.done $0x0;
	s2 =	sshrl.u32 s31, $0x3  }
0x47: {  	[sflag:s6] =	ssyncadd.s32 $0xFFFFFC00;
	[smem:$0x7F9] =	sst s2  }
0x48: {  	[spmem:s2], [sflag:s21] =	dma.local [hbm:s0], $0x400  }
0x49: {  	_ =	swait.ge [sflag:s6], $0x400  }
0x4a: {  	s5 =	rddreg [dreg:$0x15]  }
0x4b: {  	[sflag:s6] =	ssyncset.done $0x0;
	s2 =	sshrl.u32 s5, $0x3  }
0x4c: {  	[sflag:s6] =	ssyncadd.s32 $0xFFFFFC00;
	[smem:$0x7FA] =	sst s2  }
0x4d: {  	[spmem:s2], [sflag:s21] =	dma.local [hbm:s0], $0x400  }
0x4e: {  	_ =	swait.ge [sflag:s6], $0x400  }
0x4f: {  	s10 =	rddreg [dreg:$0x16]  }
0x50: {  	[sflag:s6] =	ssyncset.done $0x0;
	s2 =	sshrl.u32 s10, $0x3  }
0x51: {  	[sflag:s6] =	ssyncadd.s32 $0xFFFFFC00;
	[smem:$0x7FB] =	sst s2  }
0x52: {  	[spmem:s2], [sflag:s21] =	dma.local [hbm:s0], $0x400  }
0x53: {  	_ =	swait.ge [sflag:s6], $0x400  }
0x54: {  	s19 =	rddreg [dreg:$0x17]  }
0x55: {  	[sflag:s6] =	ssyncset.done $0x0;
	s2 =	sshrl.u32 s19, $0x3  }
0x56: {  	[sflag:s6] =	ssyncadd.s32 $0xFFFFFC00;
	[smem:$0x7FC] =	sst s2  }
0x57: {  	[spmem:s2], [sflag:s21] =	dma.local [hbm:s0], $0x400  }
0x58: {  	_ =	swait.ge [sflag:s6], $0x400  }
0x59: {  	s28 =	rddreg [dreg:$0x18]  }
0x5a: {  	[sflag:s6] =	ssyncset.done $0x0;
	s2 =	sshrl.u32 s28, $0x3  }
0x5b: {  	[sflag:s6] =	ssyncadd.s32 $0xFFFFFC00;
	[smem:$0x7FD] =	sst s2  }
0x5c: {  	[spmem:s2], [sflag:s21] =	dma.local [hbm:s0], $0x400  }
0x5d: {  	_ =	swait.ge [sflag:s6], $0x400  }
0x5e: {  	[sflag:s6] =	ssyncset.done $0x0  }
0x5f: {  	[sflag:s6] =	ssyncadd.s32 $0xFFFFFC00  }
0x60: {  	[bflag:$0x0] =	sbarrier.arrive $0xFFFF  }
0x61: {  	s29 =	simm.s32 $0x0;
	s30 =	rddreg [dreg:$0x19]  }
0x62: {  	[tilespmem:s29], [sflag:$0x3] =	stream.linear.gather [hbm4b:s30+s29], $0x40, $0x38;
	[tilespmem:$0x1FA80] =	vst v63  }
0x63: {  	_ =	swait.ge [sflag:s6], $0x40  }
0x64: {  	[sflag:s6] =	ssyncset.done $0x0  }
0x65: {  	s31 =	rddreg [dreg:$0x1a];
	[sflag:s6] =	ssyncadd.s32 $0xFFFFFFC0  }
0x66: {  	[tilespmem:s7], [sflag:$0x3] =	stream.linear.gather [hbm4b:s31+s29], $0x40, $0x38;
	[tilespmem:$0x1FA80] =	vst v63  }
0x67: {  	_ =	swait.ge [sflag:s6], $0x40  }
0x68: {  	[sflag:s6] =	ssyncset.done $0x0  }
0x69: {  	[sflag:s6] =	ssyncadd.s32 $0xFFFFFFC0  }
0x6a: {  	[tilespmem:s9], [sflag:$0x1] =	stream.indirect.gather [hbm4b:s15+s8], $0x80, s29, s8, $0xb8;
	[tilespmem:$0x1FA80] =	vst v63  }
0x6b: {  	_ = 	snop  }
0x6c: {  	[tilespmem:s11], [sflag:$0x1] =	stream.indirect.gather [hbm4b:s16+s8], $0x80, s7, s8, $0xb8;
	[tilespmem:$0x1FA80] =	vst v63  }
0x6d: {  	s10 =	simm.s32 $0x0  }
0x6e: {  	[tilespmem:s13], [sflag:$0x1] =	stream.indirect.gather [hbm4b:s17+s8], $0x80, s29, s8, $0xb8;
	[tilespmem:$0x1FA80] =	vst v63  }
.LBB2_2:
0x6f: {  	s0 =	sshll.u32 s10, $0x7  }
0x70: {  	s2 =	sadd.s32 s0, s3  }
0x71: {  	s2 =	sshrl.u32 s2, $0x3  }
0x72: {  	s28 =	simm.s32 $0x0;
	s5 =	sadd.s32 s1, s2  }
0x73: {  	[tilespmem:s14], [sflag:$0x3] =	stream.linear.gather [hbm4b:s5+s28], $0x40, $0x38;
	[tilespmem:$0x1FA80] =	vst v63  }
0x74: {  	_ =	swait.ge [sflag:s6], $0x40  }
0x75: {  	[sflag:s6] =	ssyncset.done $0x0  }
0x76: {  	s2 =	sadd.s32 s18, s2;
	[sflag:s6] =	ssyncadd.s32 $0xFFFFFFC0  }
0x77: {  	[tilespmem:s20], [sflag:$0x3] =	stream.linear.gather [hbm4b:s2+s28], $0x40, $0x38;
	[tilespmem:$0x1FA80] =	vst v63  }
0x78: {  	_ =	swait.ge [sflag:s6], $0x40  }
0x79: {  	[sflag:s6] =	ssyncset.done $0x0  }
0x7a: {  	[sflag:s6] =	ssyncadd.s32 $0xFFFFFFC0  }
0x7b: {  	[tilespmem:s22], [sflag:$0x2] =	stream.indirect.gather [hbm4b:s15+s8], $0x80, s14, s8, $0xb8;
	[tilespmem:$0x1FA80] =	vst v63  }
0x7c: {  	_ = 	snop  }
0x7d: {  	[tilespmem:s23], [sflag:$0x2] =	stream.indirect.gather [hbm4b:s16+s8], $0x80, s20, s8, $0xb8;
	[tilespmem:$0x1FA80] =	vst v63  }
0x7e: {  	_ = 	snop  }
0x7f: {  	[tilespmem:s24], [sflag:$0x2] =	stream.indirect.gather [hbm4b:s17+s8], $0x80, s14, s8, $0xb8;
	[tilespmem:$0x1FA80] =	vst v63  }
0x80: {  	_ =	swait.ge [sflag:s25], $0x2000  }
0x81: {  	[sflag:s25] =	ssyncset.done $0x0  }
0x82: {  	[sflag:s25] =	ssyncadd.s32 $0xFFFFE000  }
0x83: {  	_ =	swait.ge [sflag:s25], $0x2000  }
0x84: {  	[sflag:s25] =	ssyncset.done $0x0  }
0x85: {  	[sflag:s25] =	ssyncadd.s32 $0xFFFFE000  }
0x86: {  	_ =	swait.ge [sflag:s25], $0x2000  }
0x87: {  	[sflag:s25] =	ssyncset.done $0x0  }
0x88: {  	s30 =	simm.s32 $0x0;
	[sflag:s25] =	ssyncadd.s32 $0xFFFFE000  }
0x89: {  	v8 =	vld [tilespmem:s30+$0x240]  }
0x8a: {  	v9 =	vld [tilespmem:s30+$0x2260]  }
0x8b: {  	v10 =	vld [tilespmem:s30+$0x2240]  }
0x8c: {  	v11 =	vld [tilespmem:s30+$0x220]  }
0x8d: {  	v12 =	vld [tilespmem:s30+$0x2210]  }
0x8e: {  	v13 =	vld [tilespmem:s30+$0x260]  }
0x8f: {  	v14 =	vld [tilespmem:s30+$0x210]  }
0x90: {  	v15 =	vld [tilespmem:s30+$0x2200]  }
0x91: {  	v16 =	vld [tilespmem:s30+$0x2220]  }
0x92: {  	v17 =	vld [tilespmem:s30+$0x200]  }
0x93: {  	v9 =	vmul.f32 v9, v13;
	v13 =	vld [tilespmem:s30+$0x2230]  }
0x94: {  	v8 =	vmul.f32 v10, v8;
	v10 =	vld [tilespmem:s30+$0x230]  }
0x95: {  	v12 =	vmul.f32 v12, v14;
	(xrf2) =	vadd.scan.msk.f32 $0xffff, v9;
	v9 =	vld [tilespmem:s30+$0x250]  }
0x96: {  	v11 =	vmul.f32 v16, v11;
	(xrf2) =	vadd.scan.msk.f32 $0xffff, v8;
	v8 =	vld [tilespmem:s30+$0x2250]  }
0x97: {  	v14 =	vmul.f32 v15, v17;
	(xrf2) =	vadd.scan.msk.f32 $0xffff, v12  }
0x98: {  	(xrf2) =	vadd.scan.msk.f32 $0xffff, v11  }
0x99: {  	(xrf2) =	vadd.scan.msk.f32 $0xffff, v14  }
0x9a: {  	v12 =	vld [tilespmem:s30+$0x270];
	v10 =	vmul.f32 v13, v10  }
0x9b: {  	v11 =	vld [tilespmem:s30+$0x2270];
	v8 =	vmul.f32 v8, v9  }
0x9c: {  	(xrf2) =	vadd.scan.msk.f32 $0xffff, v10;
	_ =	sdelay $0x1  }
0x9d: {  	s5 =	simm.s32 $0x80  }
0x9e: {  	v18 =	vld [tilespmem:s5+$0x210];
	(xrf2) =	vadd.scan.msk.f32 $0xffff, v8;
	v8, _, _ =	vpop (xrf2)  }
0x9f: {  	v17 =	vld [tilespmem:s5+$0x260];
	v10 =	vmul.f32 v11, v12;
	v13, _, _ =	vpop (xrf2)  }
0xa0: {  	v9 =	vld [tilespmem:s5+$0x240];
	v15, _, _ =	vpop (xrf2)  }
0xa1: {  	v11 =	vld [tilespmem:s5+$0x2260];
	(xrf2) =	vadd.scan.msk.f32 $0xffff, v10;
	v16, _, _ =	vpop (xrf2)  }
0xa2: {  	v12 =	vld [tilespmem:s5+$0x2240];
	v19, _, _ =	vpop (xrf2)  }
0xa3: {  	v20 =	vld [tilespmem:s5+$0x2200];
	v19 =	vbroadcast v19, $0xF  }
0xa4: {  	v21 =	vld [tilespmem:s5+$0x2220];
	v15 =	vbroadcast v15, $0xF  }
0xa5: {  	v10 =	vld [tilespmem:s5+$0x2210];
	v16 =	vbroadcast v16, $0xF;
	v22, _, _ =	vpop (xrf2);
	v19 =	vnsel vm0, $0xF149F2CA, v19  }
0xa6: {  	v14 =	vld [tilespmem:s5+$0x220];
	v11 =	vmul.f32 v11, v17;
	v17 =	vbroadcast v22, $0xF;
	v15 =	vsel vm1, v19, v15  }
0xa7: {  	v23 =	vld [tilespmem:s5+$0x200];
	v9 =	vmul.f32 v12, v9;
	v12 =	vsel vm2, v15, v16  }
0xa8: {  	(xrf2) =	vadd.scan.msk.f32 $0xffff, v11;
	v11 =	vsel vm3, v12, v17  }
0xa9: {  	v13 =	vbroadcast v13, $0xF;
	v16 =	vld [tilespmem:s5+$0x2230];
	v15, _, _ =	vpop (xrf2)  }
0xaa: {  	v10 =	vmul.f32 v10, v18;
	(xrf2) =	vadd.scan.msk.f32 $0xffff, v9;
	v12 =	vbroadcast v15, $0xF;
	v15 =	vld [tilespmem:s5+$0x230]  }
0xab: {  	v14 =	vmul.f32 v21, v14;
	v8 =	vbroadcast v8, $0xF;
	v9 =	vsel vm4, v11, v13;
	v13 =	vld [tilespmem:s5+$0x250];
	v11, _, _ =	vpop (xrf2)  }
0xac: {  	v17 =	vmul.f32 v20, v23;
	(xrf2) =	vadd.scan.msk.f32 $0xffff, v10;
	v9 =	vsel vm5, v9, v12;
	v10 =	vbroadcast v11, $0xF;
	v11 =	vld [tilespmem:s5+$0x2250]  }
0xad: {  	(xrf2) =	vadd.scan.msk.f32 $0xffff, v14;
	v8 =	vsel vm6, v9, v8;
	v9 =	vld [tilespmem:s5+$0x270]  }
0xae: {  	(xrf2) =	vadd.scan.msk.f32 $0xffff, v17;
	v8 =	vsel vm7, v8, v10;
	v10 =	vld [tilespmem:s5+$0x2270]  }
0xaf: {  	(xrf0) =	vmax.scan.msk.f32 $0xffff, v8;
	v12 =	vmul.f32 v16, v15;
	_ =	sdelay $0x1  }
0xb0: {  	s2 =	simm.s32 $0x100;
	(xrf2) =	vadd.scan.msk.f32 $0xffff, v12  }
0xb1: {  	v24 =	vld [tilespmem:s2+$0x2220]  }
0xb2: {  	v26 =	vld [tilespmem:s2+$0x200];
	v11 =	vmul.f32 v11, v13;
	v9 =	vmul.f32 v10, v9;
	v10, _, _ =	vpop (xrf2)  }
0xb3: {  	v21 =	vld [tilespmem:s2+$0x260];
	v17, _, _ =	vpop (xrf2)  }
0xb4: {  	v14 =	vld [tilespmem:s2+$0x240];
	(xrf2) =	vadd.scan.msk.f32 $0xffff, v11;
	v16, _, _ =	vpop (xrf0)  }
0xb5: {  	v12 =	vld [tilespmem:s2+$0x2260];
	v19, _, _ =	vpop (xrf2);
	v16 =	vbroadcast v16, $0xF  }
0xb6: {  	v11 =	vld [tilespmem:s2+$0x2240];
	(xrf2) =	vadd.scan.msk.f32 $0xffff, v9;
	v20, _, _ =	vpop (xrf2)  }
0xb7: {  	v9 =	vld [tilespmem:s2+$0x2210];
	v22, _, _ =	vpop (xrf2);
	v8 =	vsub.f32 v8, v16  }
0xb8: {  	v16 =	vld [tilespmem:s2+$0x210];
	v22 =	vbroadcast v22, $0xF  }
0xb9: {  	v18 =	vld [tilespmem:s2+$0x220];
	v19 =	vbroadcast v19, $0xF;
	v8 =	vmul.f32 $1.442695020e+00, v8  }
0xba: {  	v23 =	vld [tilespmem:s2+$0x2200];
	v12 =	vmul.f32 v12, v21;
	v20 =	vbroadcast v20, $0xF;
	v22 =	vnsel vm0, $0xF149F2CA, v22;
	v25, _, _ =	vpop (xrf2)  }
0xbb: {  	v15 =	vld [tilespmem:s2+$0x2230];
	v19 =	vsel vm1, v22, v19;
	(erf) = vpow2.f32 v8;
	v21 =	vbroadcast v25, $0xF  }
0xbc: {  	v11 =	vmul.f32 v11, v14;
	v8 =	vld [tilespmem:s2+$0x230];
	v14 =	vsel vm2, v19, v20  }
0xbd: {  	s29 =	simm.s32 $0x180;
	(xrf2) =	vadd.scan.msk.f32 $0xffff, v12;
	v9 =	vmul.f32 v9, v16;
	v12 =	vsel vm3, v14, v21  }
0xbe: {  	v40 =	vld [tilespmem:s29+$0x2200];
	v17 =	vbroadcast v17, $0xF;
	v19, _, _ =	vpop (xrf2);
	(xrf2) =	vadd.scan.msk.f32 $0xffff, v11  }
0xbf: {  	v41 =	vld [tilespmem:s29+$0x2250];
	v18 =	vmul.f32 v24, v18;
	v14 =	vbroadcast v19, $0xF;
	(xrf2) =	vadd.scan.msk.f32 $0xffff, v9  }
0xc0: {  	v29 =	vld [tilespmem:s29+$0x2220];
	v10 =	vbroadcast v10, $0xF;
	v11 =	vsel vm4, v12, v17;
	v17 =	vmul.f32 v23, v26;
	v12, _, _ =	vpop (xrf2)  }
0xc1: {  	v30 =	vld [tilespmem:s29+$0x260];
	(xrf2) =	vadd.scan.msk.f32 $0xffff, v18;
	v11 =	vsel vm5, v11, v14;
	v8 =	vmul.f32 v15, v8;
	v12 =	vbroadcast v12, $0xF  }
0xc2: {  	v13 =	vld [tilespmem:s2+$0x250];
	(xrf2) =	vadd.scan.msk.f32 $0xffff, v17;
	v10 =	vsel vm6, v11, v10  }
0xc3: {  	v22 =	vld [tilespmem:s2+$0x2250];
	(xrf2) =	vadd.scan.msk.f32 $0xffff, v8;
	v10 =	vsel vm7, v10, v12  }
0xc4: {  	v20 =	vld [tilespmem:s2+$0x270];
	(xrf0) =	vmax.scan.msk.f32 $0xffff, v10;
	v15 =	vpop (erf)  }
0xc5: {  	v16 =	vld [tilespmem:s2+$0x2270];
	(xrf2) =	vadd.scan.msk.f32 $0xffff, v15  }
0xc6: {  	v32 =	vld [tilespmem:s29+$0x200]  }
0xc7: {  	v9 =	vld [tilespmem:s29+$0x240];
	v21, _, _ =	vpop (xrf2)  }
0xc8: {  	v11 =	vld [tilespmem:s29+$0x2260];
	v39, _, _ =	vpop (xrf2)  }
0xc9: {  	v13 =	vmul.f32 v22, v13;
	v8 =	vld [tilespmem:s29+$0x2240];
	v28, _, _ =	vpop (xrf2)  }
0xca: {  	v33 =	vld [tilespmem:s30+$0x4240];
	v16 =	vmul.f32 v16, v20;
	v27, _, _ =	vpop (xrf0)  }
0xcb: {  	v43 =	vld [tilespmem:s30+$0x4220];
	(xrf2) =	vadd.scan.msk.f32 $0xffff, v13;
	v22, _, _ =	vpop (xrf2);
	v27 =	vbroadcast v27, $0xF  }
0xcc: {  	v19 =	vld [tilespmem:s29+$0x2210];
	v31, _, _ =	vpop (xrf2);
	(xrf2) =	vadd.scan.msk.f32 $0xffff, v16  }
0xcd: {  	v23 =	vld [tilespmem:s29+$0x210];
	v11 =	vmul.f32 v11, v30;
	v10 =	vsub.f32 v10, v27  }
0xce: {  	v18 =	vld [tilespmem:s29+$0x220];
	v8 =	vmul.f32 v8, v9;
	v42, _, _ =	vpop (xrf2)  }
0xcf: {  	s31 =	simm.s32 $0x200;
	v44 =	vld [tilespmem:s30+$0x4210];
	v9 =	vbroadcast v31, $0xF;
	(xrf2) =	vadd.scan.msk.f32 $0xffff, v11;
	v10 =	vmul.f32 $1.442695020e+00, v10;
	v16, _, _ =	vpop (xrf2)  }
0xd0: {  	v34 =	vld [tilespmem:s31+$0x240];
	v28 =	vbroadcast v28, $0xF;
	v16 =	vbroadcast v16, $0xF  }
0xd1: {  	v17 =	vld [tilespmem:s29+$0x230];
	v11 =	vbroadcast v22, $0xF;
	v9 =	vnsel vm0, $0xF149F2CA, v9;
	(erf) = vpow2.f32 v10  }
0xd2: {  	v20 =	vld [tilespmem:s29+$0x270];
	v19 =	vmul.f32 v19, v23;
	v9 =	vsel vm1, v9, v28;
	(erf) = vrcp.f32 v16  }
0xd3: {  	v12 =	vld [tilespmem:s29+$0x2230];
	v18 =	vmul.f32 v29, v18;
	(xrf2) =	vadd.scan.msk.f32 $0xffff, v8;
	v9 =	vsel vm2, v9, v11  }
0xd4: {  	v25 =	vmul.f32 v40, v32;
	v13 =	vld [tilespmem:s29+$0x2270];
	v8 =	vbroadcast v42, $0xF;
	(xrf2) =	vadd.scan.msk.f32 $0xffff, v19  }
0xd5: {  	v45 =	vld [tilespmem:s31+$0x2260];
	v11, _, _ =	vpop (xrf2);
	(xrf2) =	vadd.scan.msk.f32 $0xffff, v18  }
0xd6: {  	v46 =	vld [tilespmem:s31+$0x2230];
	v8 =	vsel vm3, v9, v8;
	v9, _, _ =	vpop (xrf2);
	(xrf2) =	vadd.scan.msk.f32 $0xffff, v25  }
0xd7: {  	v47 =	vld [tilespmem:s31+$0x2240];
	v24 =	vbroadcast v39, $0xF  }
0xd8: {  	v52 =	vld [tilespmem:s31+$0x260];
	v21 =	vbroadcast v21, $0xF;
	v11 =	vbroadcast v11, $0xF  }
0xd9: {  	v14 =	vld [tilespmem:s29+$0x250];
	v17 =	vmul.f32 v12, v17;
	v13 =	vmul.f32 v13, v20;
	v24 =	vsel vm4, v8, v24;
	v20, _, _ =	vpop (xrf2)  }
0xda: {  	v23 =	vld [tilespmem:s31+$0x230];
	v11 =	vsel vm5, v24, v11;
	v9 =	vbroadcast v9, $0xF;
	v8 =	vpop (erf)  }
0xdb: {  	v22 =	vld [tilespmem:s31+$0x250];
	v11 =	vsel vm6, v11, v21;
	(xrf2) =	vadd.scan.msk.f32 $0xffff, v17;
	v19 =	vpop (erf)  }
0xdc: {  	v10 =	vld [tilespmem:s30+$0x4270];
	v18 =	vmul.f32 v19, v15;
	v19 =	vsel vm7, v11, v9  }
0xdd: {  	v54 =	vmul.f32 v47, v34;
	v58 =	vmul.f32 v45, v52;
	v16 =	vld [tilespmem:s30+$0x4230];
	v21, _, _ =	vpop (xrf2);
	(xrf0) =	vmax.scan.msk.f32 $0xffff, v19  }
0xde: {  	v14 =	vmul.f32 v41, v14;
	v17 =	vld [tilespmem:s31+$0x2250];
	v51 =	vbroadcast v21, $0xF;
	v53, _, _ =	vpop (xrf2)  }
0xdf: {  	v56, _, _ =	vpop (xrf2);
	v15 =	vld [tilespmem:s31+$0x2210];
	v11 =	vperm.xlane v18, v2;
	v21 =	vperm.xlane v18, v3  }
0xe0: {  	v9 =	vld [tilespmem:s31+$0x210];
	v49 =	vperm.xlane v18, v7;
	v35 =	vperm.xlane v18, v0;
	v57, _, _ =	vpop (xrf2)  }
0xe1: {  	v48 =	vld [tilespmem:s31+$0x220];
	(xrf2) =	vadd.scan.msk.f32 $0xffff, v8;
	v62 =	vperm.xlane v18, v6;
	v59 =	vbroadcast v57, $0xF  }
0xe2: {  	v50 =	vld [tilespmem:s31+$0x2220];
	v11 =	vmul.f32 v43, v11;
	v25 =	vmul.f32 v10, v49  }
0xe3: {  	v61 =	vld [tilespmem:s30+$0x4200];
	(xrf2) =	vadd.scan.msk.f32 $0xffff, v14;
	v16 =	vmul.f32 v16, v21;
	v10 =	vmul.f32 v46, v23;
	v21, _, _ =	vpop (xrf0)  }
0xe4: {  	v12 =	vld [tilespmem:s31+$0x2200];
	v23 =	vperm.xlane v18, v4;
	v14 =	vbroadcast v21, $0xF  }
0xe5: {  	v60, _, _ =	vpop (xrf2);
	(xrf2) =	vadd.scan.msk.f32 $0xffff, v13;
	v15 =	vmul.f32 v15, v9;
	v9 =	vmul.f32 v17, v22;
	v22 =	vld [tilespmem:s30+$0x4250]  }
0xe6: {  	v27 =	vbroadcast v60, $0xF;
	[tilespmem:s30+$0x4220] =	vst v11;
	v14 =	vsub.f32 v19, v14;
	v19 =	vmul.f32 v33, v23;
	v23 =	vld [tilespmem:s30+$0x4260]  }
0xe7: {  	v11 =	vbroadcast v20, $0xF;
	v20 =	vld [tilespmem:s31+$0x270];
	[tilespmem:s30+$0x4270] =	vst v25;
	v21 =	vbroadcast v53, $0xF  }
0xe8: {  	(xrf2) =	vadd.scan.msk.f32 $0xffff, v58;
	v17 =	vperm.xlane v18, v5;
	v18 =	vperm.xlane v18, v1;
	v55 =	vld [tilespmem:s31+$0x2270]  }
0xe9: {  	v13 =	vnsel vm0, $0xF149F2CA, v59;
	v25 =	vbroadcast v56, $0xF;
	[tilespmem:s30+$0x4230] =	vst v16;
	v14 =	vmul.f32 $1.442695020e+00, v14  }
0xea: {  	v16 =	vmul.f32 v50, v48;
	v13 =	vsel vm1, v13, v21;
	v63 =	vmul.f32 v22, v17;
	[tilespmem:s30+$0x4240] =	vst v19  }
0xeb: {  	v13 =	vsel vm2, v13, v25;
	v21, _, _ =	vpop (xrf2);
	v19 =	vld [tilespmem:s31+$0x200];
	(erf) = vpow2.f32 v14;
	v17 =	vmul.f32 v23, v62  }
0xec: {  	(xrf2) =	vadd.scan.msk.f32 $0xffff, v54;
	v22 =	vsel vm3, v13, v27;
	v23 =	vbroadcast v21, $0xF;
	v21 =	vmul.f32 v44, v18  }
0xed: {  	s28 =	simm.s32 $0xA00;
	v13 =	vld [tilespmem:s5+$0x4240];
	[tilespmem:s30+$0x4250] =	vst v63;
	v14 =	vmul.f32 v55, v20;
	v20, _, _ =	vpop (xrf2);
	v18 =	vsel vm4, v22, v51;
	v22 =	vmul.f32 v61, v35  }
.LBB2_3:
0xee: {  	p0 =	sne.s32 s28, $0x7E00;
	v24 =	vld [tilespmem:s5+$0x4270];
	(erf) = vrcp.f32 v23;
	[tilespmem:s30+$0x4210] =	vst v21;
	s19 =	smov.u32 s28;
	s28 =	sadd.s32 $0x200, s28  }
0xef: {  	v21 =	vld [tilespmem:s5+$0x4230];
	[tilespmem:s30+$0x4200] =	vst v22  }
0xf0: {  	v12 =	vmul.f32 v12, v19;
	(xrf2) =	vadd.scan.msk.f32 $0xffff, v15;
	v15, _, _ =	vpop (xrf2);
	v19 =	vld [tilespmem:s5+$0x4220];
	[tilespmem:s30+$0x4260] =	vst v17;
	s30 =	smov.u32 s5;
	s5 =	smov.u32 s2;
	s2 =	smov.u32 s29  }
0xf1: {  	s29 =	smov.u32 s31;
	s31 =	sshra.s32 s19, $0x2;
	v22 =	vld [tilespmem:s30+$0x4210]  }
0xf2: {  	v17 =	vld [tilespmem:s31+$0x240]  }
0xf3: {  	v20 =	vbroadcast v20, $0xF;
	v23 =	vld [tilespmem:s31+$0x250];
	(xrf2) =	vadd.scan.msk.f32 $0xffff, v16;
	v16, _, _ =	vpop (xrf2)  }
0xf4: {  	v25 =	vld [tilespmem:s31+$0x2260];
	v26 =	vpop (erf)  }
0xf5: {  	v18 =	vsel vm5, v18, v20;
	v15 =	vbroadcast v15, $0xF;
	v27 =	vld [tilespmem:s31+$0x2230]  }
0xf6: {  	v30 =	vsel vm6, v18, v11;
	v20 =	vld [tilespmem:s31+$0x230];
	(xrf2) =	vadd.scan.msk.f32 $0xffff, v12;
	v12, _, _ =	vpop (xrf2)  }
0xf7: {  	v29 =	vsel vm7, v30, v15;
	v18 =	vld [tilespmem:s31+$0x2240];
	v28 =	vbroadcast v12, $0xF;
	v11 =	vpop (erf)  }
0xf8: {  	v30 =	vld [tilespmem:s31+$0x220];
	(xrf0) =	vmax.scan.msk.f32 $0xffff, v29;
	v31 =	vmul.f32 v11, v8;
	v8 =	vmov v26  }
0xf9: {  	v15 =	vld [tilespmem:s31+$0x2210];
	(xrf2) =	vadd.scan.msk.f32 $0xffff, v10  }
0xfa: {  	v26 =	vld [tilespmem:s31+$0x210];
	v32, _, _ =	vpop (xrf2);
	v10 =	vperm.xlane v31, v2;
	v33 =	vperm.xlane v31, v3  }
0xfb: {  	v34 =	vperm.xlane v31, v0;
	v35 =	vperm.xlane v31, v7;
	v12 =	vld [tilespmem:s31+$0x2200]  }
0xfc: {  	v11 =	vbroadcast v16, $0xF;
	v36 =	vld [tilespmem:s31+$0x2250];
	(xrf2) =	vadd.scan.msk.f32 $0xffff, v8;
	v16 =	vmul.f32 v19, v10  }
0xfd: {  	v21 =	vmul.f32 v21, v33;
	v24 =	vmul.f32 v24, v35;
	v19 =	vld [tilespmem:s31+$0x2220];
	v37, _, _ =	vpop (xrf2)  }
0xfe: {  	v10 =	vmul.f32 v27, v20;
	v33 =	vperm.xlane v31, v4;
	v20 =	vld [tilespmem:s31+$0x260];
	v27, _, _ =	vpop (xrf0);
	[tilespmem:s30+$0x4220] =	vst v16  }
0xff: {  	v18 =	vmul.f32 v18, v17;
	v35 =	vld [tilespmem:s31+$0x270];
	(xrf2) =	vadd.scan.msk.f32 $0xffff, v9;
	v16 =	vbroadcast v27, $0xF;
	[tilespmem:s30+$0x4270] =	vst v24  }
0x100: {  	v17 =	vbroadcast v32, $0xF;
	v15 =	vmul.f32 v15, v26;
	v24 =	vld [tilespmem:s31+$0x2270];
	v26, _, _ =	vpop (xrf2);
	[tilespmem:s30+$0x4230] =	vst v21  }
0x101: {  	v9 =	vmul.f32 v36, v23;
	v21 =	vsub.f32 v29, v16;
	v23 =	vperm.xlane v31, v5;
	v27 =	vld [tilespmem:s30+$0x4250]  }
0x102: {  	v13 =	vmul.f32 v13, v33;
	v16 =	vmul.f32 v19, v30;
	(xrf2) =	vadd.scan.msk.f32 $0xffff, v14;
	v14 =	vld [tilespmem:s30+$0x4260]  }
0x103: {  	v19 =	vmul.f32 v25, v20;
	v20 =	vbroadcast v26, $0xF;
	v25, _, _ =	vpop (xrf2)  }
0x104: {  	v21 =	vmul.f32 $1.442695020e+00, v21;
	v25 =	vbroadcast v25, $0xF;
	v26 =	vld [tilespmem:s30+$0x4200];
	[tilespmem:s30+$0x4240] =	vst v13  }
.Ltmp0:
0x105: {  	v29 =	vperm.xlane v31, v6;
	(xrf2) =	vadd.scan.msk.f32 $0xffff, v19;
	v13 =	vnsel vm0, $0xF149F2CA, v20;
	v20 =	vbroadcast v37, $0xF;
	(pc) =	sbr.rel @p0 .LBB2_3-.Ltmp0, $4  }
0x106: {  	v31 =	vperm.xlane v31, v1;
	v13 =	vsel vm1, v13, v17;
	v30, _, _ =	vpop (xrf2);
	v27 =	vmul.f32 v27, v23  }
0x107: {  	v19 =	vld [tilespmem:s31+$0x200];
	v13 =	vsel vm2, v13, v20;
	(erf) = vpow2.f32 v21;
	v17 =	vmul.f32 v14, v29  }
0x108: {  	v23 =	vbroadcast v30, $0xF;
	v21 =	vmul.f32 v22, v31;
	(xrf2) =	vadd.scan.msk.f32 $0xffff, v18;
	v13 =	vsel vm3, v13, v25  }
0x109: {  	v14 =	vmul.f32 v24, v35;
	v18 =	vsel vm4, v13, v28;
	v20, _, _ =	vpop (xrf2);
	v13 =	vld [tilespmem:s5+$0x4240];
	v22 =	vmul.f32 v26, v34;
	[tilespmem:s30+$0x4250] =	vst v27  }
0x10a: {  	(erf) = vrcp.f32 v23;
	_ =	sdelay $0x2  }
0x10b: {  	v20 =	vbroadcast v20, $0xF;
	_ =	sdelay $0x1  }
0x10c: {  	v23, _, _ =	vpop (xrf2);
	(xrf2) =	vadd.scan.msk.f32 $0xffff, v15;
	v15 =	vsel vm5, v18, v20  }
0x10d: {  	v12 =	vmul.f32 v12, v19  }
0x10e: {  	v18 =	vbroadcast v23, $0xF;
	(xrf2) =	vadd.scan.msk.f32 $0xffff, v16  }
0x10f: {  	v19 =	vld [tilespmem:s5+$0x4270];
	[tilespmem:s30+$0x4210] =	vst v21;
	v11 =	vsel vm6, v15, v11;
	(xrf2) =	vadd.scan.msk.f32 $0xffff, v12;
	v15 =	vpop (erf)  }
0x110: {  	v12 =	vld [tilespmem:s5+$0x4230];
	[tilespmem:s30+$0x4200] =	vst v22;
	v11 =	vsel vm7, v11, v18;
	(xrf2) =	vadd.scan.msk.f32 $0xffff, v10;
	v16 =	vpop (erf)  }
0x111: {  	v10 =	vld [tilespmem:s5+$0x4220];
	(xrf0) =	vmax.scan.msk.f32 $0xffff, v11;
	v8 =	vmul.f32 v16, v8  }
0x112: {  	(xrf2) =	vadd.scan.msk.f32 $0xffff, v15  }
0x113: {  	v18 =	vperm.xlane v8, v2  }
0x114: {  	v16, _, _ =	vpop (xrf2);
	v21 =	vperm.xlane v8, v7  }
0x115: {  	[tilespmem:s30+$0x4260] =	vst v17;
	v20, _, _ =	vpop (xrf2);
	v17 =	vperm.xlane v8, v3  }
0x116: {  	v22, _, _ =	vpop (xrf2);
	v10 =	vmul.f32 v10, v18  }
0x117: {  	(xrf2) =	vadd.scan.msk.f32 $0xffff, v9;
	v12 =	vmul.f32 v12, v17;
	v18, _, _ =	vpop (xrf0)  }
0x118: {  	v19 =	vmul.f32 v19, v21;
	v21, _, _ =	vpop (xrf2);
	(xrf2) =	vadd.scan.msk.f32 $0xffff, v14;
	v18 =	vbroadcast v18, $0xF  }
0x119: {  	v14 =	vperm.xlane v8, v4  }
0x11a: {  	[tilespmem:s5+$0x4220] =	vst v10;
	v10, _, _ =	vpop (xrf2);
	v11 =	vsub.f32 v11, v18  }
0x11b: {  	v17 =	vbroadcast v22, $0xF;
	[tilespmem:s5+$0x4230] =	vst v12;
	v13 =	vmul.f32 v13, v14;
	v12, _, _ =	vpop (xrf2)  }
0x11c: {  	[tilespmem:s5+$0x4270] =	vst v19;
	v19 =	vld [tilespmem:s5+$0x4250];
	v14 =	vbroadcast v21, $0xF;
	v22, _, _ =	vpop (xrf2);
	v11 =	vmul.f32 $1.442695020e+00, v11  }
0x11d: {  	v9 =	vld [tilespmem:s5+$0x4210];
	v10 =	vbroadcast v10, $0xF;
	v22 =	vbroadcast v22, $0xF  }
0x11e: {  	[tilespmem:s5+$0x4240] =	vst v13;
	v13 =	vperm.xlane v8, v1;
	(erf) = vpow2.f32 v11  }
0x11f: {  	v18 =	vperm.xlane v8, v5;
	v10 =	vnsel vm0, $0xF149F2CA, v10;
	(erf) = vrcp.f32 v22  }
0x120: {  	v16 =	vbroadcast v16, $0xF;
	v21 =	vld [tilespmem:s5+$0x4200];
	v12 =	vbroadcast v12, $0xF;
	v10 =	vsel vm1, v10, v17  }
0x121: {  	v20 =	vbroadcast v20, $0xF;
	v17 =	vmul.f32 v19, v18;
	v10 =	vsel vm2, v10, v14;
	v14, _, _ =	vpop (xrf2)  }
0x122: {  	v9 =	vmul.f32 v9, v13;
	v10 =	vsel vm3, v10, v12;
	v14 =	vbroadcast v14, $0xF;
	v13, _, _ =	vpop (xrf2)  }
0x123: {  	v18 =	vperm.xlane v8, v0;
	v10 =	vsel vm4, v10, v20;
	v13 =	vbroadcast v13, $0xF  }
0x124: {  	v12 =	vld [tilespmem:s2+$0x4240];
	[tilespmem:s5+$0x4250] =	vst v17;
	v10 =	vsel vm5, v10, v14  }
0x125: {  	v17 =	vld [tilespmem:s2+$0x4270];
	[tilespmem:s5+$0x4210] =	vst v9;
	v14 =	vmul.f32 v21, v18;
	v9 =	vsel vm6, v10, v16  }
0x126: {  	v11 =	vld [tilespmem:s5+$0x4260];
	v9 =	vsel vm7, v9, v13  }
0x127: {  	v10 =	vld [tilespmem:s2+$0x4230];
	[tilespmem:s5+$0x4200] =	vst v14;
	(xrf0) =	vmax.scan.msk.f32 $0xffff, v9;
	v13 =	vpop (erf)  }
0x128: {  	v14 =	vld [tilespmem:s2+$0x4220];
	v16 =	vpop (erf);
	(xrf2) =	vadd.scan.msk.f32 $0xffff, v13  }
0x129: {  	v8 =	vperm.xlane v8, v6;
	v15 =	vmul.f32 v16, v15;
	_ =	sdelay $0x1  }
0x12a: {  	v8 =	vmul.f32 v11, v8;
	v11 =	vperm.xlane v15, v2;
	_ =	sdelay $0x1  }
0x12b: {  	v11 =	vmul.f32 v14, v11;
	v14, _, _ =	vpop (xrf0)  }
0x12c: {  	v14 =	vbroadcast v14, $0xF  }
0x12d: {  	[tilespmem:s5+$0x4260] =	vst v8;
	v8 =	vperm.xlane v15, v3  }
0x12e: {  	v9 =	vsub.f32 v9, v14  }
0x12f: {  	v8 =	vmul.f32 v10, v8  }
0x130: {  	v9 =	vmul.f32 $1.442695020e+00, v9;
	v10, _, _ =	vpop (xrf2)  }
0x131: {  	[tilespmem:s2+$0x4230] =	vst v8;
	v8 =	vld [tilespmem:s2+$0x4250];
	v10 =	vbroadcast v10, $0xF  }
0x132: {  	(erf) = vpow2.f32 v9  }
0x133: {  	[tilespmem:s2+$0x4220] =	vst v11;
	v11 =	vperm.xlane v15, v4;
	(erf) = vrcp.f32 v10;
	v10 =	vld [tilespmem:s2+$0x4200]  }
0x134: {  	v18 =	vld [tilespmem:s2+$0x4210];
	v14 =	vperm.xlane v15, v5  }
0x135: {  	v16 =	vperm.xlane v15, v7;
	v9 =	vmul.f32 v12, v11  }
0x136: {  	v8 =	vmul.f32 v8, v14;
	v14 =	vperm.xlane v15, v0  }
0x137: {  	v16 =	vmul.f32 v17, v16;
	[tilespmem:s2+$0x4240] =	vst v9;
	v9 =	vperm.xlane v15, v1  }
0x138: {  	v10 =	vmul.f32 v10, v14  }
0x139: {  	[tilespmem:s2+$0x4270] =	vst v16;
	v11 =	vld [tilespmem:s2+$0x4260];
	v9 =	vmul.f32 v18, v9  }
0x13a: {  	v12 =	vld [tilespmem:s29+$0x4240];
	[tilespmem:s2+$0x4250] =	vst v8  }
0x13b: {  	v8 =	vld [tilespmem:s29+$0x4270];
	[tilespmem:s2+$0x4210] =	vst v9  }
0x13c: {  	v9 =	vld [tilespmem:s29+$0x4230];
	[tilespmem:s2+$0x4200] =	vst v10;
	v10 =	vpop (erf)  }
0x13d: {  	v15 =	vperm.xlane v15, v6;
	(xrf2) =	vadd.scan.msk.f32 $0xffff, v10  }
0x13e: {  	v16 =	vpop (erf)  }
0x13f: {  	v11 =	vmul.f32 v11, v15;
	v13 =	vmul.f32 v16, v13;
	_ =	sdelay $0x1  }
0x140: {  	v14 =	vld [tilespmem:s29+$0x4220];
	[tilespmem:s2+$0x4260] =	vst v11;
	v11 =	vperm.xlane v13, v3;
	_ =	sdelay $0x1  }
0x141: {  	v9 =	vmul.f32 v9, v11;
	_ =	sdelay $0x1  }
0x142: {  	v16 =	vperm.xlane v13, v7;
	_ =	sdelay $0x1  }
0x143: {  	v8 =	vmul.f32 v8, v16;
	[tilespmem:s29+$0x4230] =	vst v9;
	v9, _, _ =	vpop (xrf2)  }
0x144: {  	v15 =	vperm.xlane v13, v2;
	v9 =	vbroadcast v9, $0xF  }
0x145: {  	v11 =	vperm.xlane v13, v4;
	[tilespmem:s29+$0x4270] =	vst v8;
	v8 =	vld [tilespmem:s29+$0x4250]  }
0x146: {  	v14 =	vmul.f32 v14, v15;
	v15 =	vld [tilespmem:s29+$0x4210];
	(erf) = vrcp.f32 v9  }
0x147: {  	v11 =	vmul.f32 v12, v11;
	v9 =	vld [tilespmem:s29+$0x4200]  }
0x148: {  	[tilespmem:s29+$0x4220] =	vst v14;
	v14 =	vperm.xlane v13, v5  }
0x149: {  	[tilespmem:s29+$0x4240] =	vst v11;
	v11 =	vperm.xlane v13, v1  }
0x14a: {  	v16 =	vperm.xlane v13, v0;
	v8 =	vmul.f32 v8, v14  }
0x14b: {  	v12 =	vld [tilespmem:s29+$0x4260];
	v11 =	vmul.f32 v15, v11  }
0x14c: {  	v14 =	vld [tilespmem:s31+$0x4240];
	[tilespmem:s29+$0x4250] =	vst v8;
	v9 =	vmul.f32 v9, v16  }
0x14d: {  	v8 =	vld [tilespmem:s31+$0x4270];
	[tilespmem:s29+$0x4210] =	vst v11  }
0x14e: {  	v11 =	vld [tilespmem:s31+$0x4230];
	[tilespmem:s29+$0x4200] =	vst v9  }
0x14f: {  	v9 =	vld [tilespmem:s31+$0x4220];
	v15 =	vpop (erf)  }
0x150: {  	v13 =	vperm.xlane v13, v6;
	v10 =	vmul.f32 v15, v10;
	_ =	sdelay $0x1  }
0x151: {  	v12 =	vmul.f32 v12, v13;
	v13 =	vperm.xlane v10, v2  }
0x152: {  	v15 =	vperm.xlane v10, v7  }
0x153: {  	[tilespmem:s29+$0x4260] =	vst v12;
	v12 =	vperm.xlane v10, v3;
	v9 =	vmul.f32 v9, v13  }
0x154: {  	v8 =	vmul.f32 v8, v15  }
0x155: {  	v13 =	vld [tilespmem:s31+$0x4210];
	v11 =	vmul.f32 v11, v12;
	[tilespmem:s31+$0x4220] =	vst v9  }
0x156: {  	[tilespmem:s31+$0x4270] =	vst v8;
	v8 =	vld [tilespmem:s31+$0x4250];
	v9 =	vperm.xlane v10, v4  }
0x157: {  	[tilespmem:s31+$0x4230] =	vst v11;
	v11 =	vld [tilespmem:s31+$0x4200]  }
0x158: {  	v15 =	vld [tilespmem:s31+$0x4260];
	v9 =	vmul.f32 v14, v9;
	v14 =	vperm.xlane v10, v1  }
0x159: {  	v16 =	vperm.xlane v10, v0;
	v12 =	vperm.xlane v10, v5  }
0x15a: {  	[tilespmem:s31+$0x4240] =	vst v9;
	v9 =	vperm.xlane v10, v6;
	v10 =	vmul.f32 v13, v14  }
0x15b: {  	v8 =	vmul.f32 v8, v12  }
0x15c: {  	v11 =	vmul.f32 v11, v16;
	[tilespmem:s31+$0x4210] =	vst v10  }
0x15d: {  	[tilespmem:s31+$0x4250] =	vst v8;
	v8 =	vmul.f32 v15, v9  }
0x15e: {  	[tilespmem:s31+$0x4200] =	vst v11  }
0x15f: {  	[tilespmem:s31+$0x4260] =	vst v8  }
0x160: {  	[spmem:s12] =	stream.indirect.scatter.add.f32 [tilespmem:s13], [sflag:$0x3], $0x80, s7, s8, $0xb8;
	[tilespmem:$0x1FA80] =	vst v63  }
0x161: {  	s0 =	sadd.s32 s0, s4;
	_ =	swait.ge [sflag:s6], $0x2000  }
0x162: {  	s0 =	sshrl.u32 s0, $0x3;
	[sflag:s6] =	ssyncset.done $0x0  }
0x163: {  	s19 =	sadd.s32 s1, s0;
	s31 =	simm.s32 $0x0;
	[sflag:s6] =	ssyncadd.s32 $0xFFFFE000  }
0x164: {  	[tilespmem:s31], [sflag:$0x3] =	stream.linear.gather [hbm4b:s19+s31], $0x40, $0x38;
	[tilespmem:$0x1FA80] =	vst v63  }
0x165: {  	_ =	swait.ge [sflag:s6], $0x40  }
0x166: {  	[sflag:s6] =	ssyncset.done $0x0  }
0x167: {  	s0 =	sadd.s32 s18, s0;
	[sflag:s6] =	ssyncadd.s32 $0xFFFFFFC0  }
0x168: {  	[tilespmem:s7], [sflag:$0x3] =	stream.linear.gather [hbm4b:s0+s31], $0x40, $0x38;
	[tilespmem:$0x1FA80] =	vst v63  }
0x169: {  	_ =	swait.ge [sflag:s6], $0x40  }
0x16a: {  	[sflag:s6] =	ssyncset.done $0x0  }
0x16b: {  	[sflag:s6] =	ssyncadd.s32 $0xFFFFFFC0  }
0x16c: {  	[tilespmem:s9], [sflag:$0x1] =	stream.indirect.gather [hbm4b:s15+s8], $0x80, s31, s8, $0xb8;
	[tilespmem:$0x1FA80] =	vst v63  }
0x16d: {  	_ = 	snop  }
0x16e: {  	[tilespmem:s11], [sflag:$0x1] =	stream.indirect.gather [hbm4b:s16+s8], $0x80, s7, s8, $0xb8;
	[tilespmem:$0x1FA80] =	vst v63  }
0x16f: {  	_ = 	snop  }
0x170: {  	[tilespmem:s13], [sflag:$0x1] =	stream.indirect.gather [hbm4b:s17+s8], $0x80, s31, s8, $0xb8;
	[tilespmem:$0x1FA80] =	vst v63  }
0x171: {  	_ =	swait.ge [sflag:s26], $0x2000  }
0x172: {  	[sflag:s26] =	ssyncset.done $0x0  }
0x173: {  	[sflag:s26] =	ssyncadd.s32 $0xFFFFE000  }
0x174: {  	_ =	swait.ge [sflag:s26], $0x2000  }
0x175: {  	[sflag:s26] =	ssyncset.done $0x0  }
0x176: {  	[sflag:s26] =	ssyncadd.s32 $0xFFFFE000  }
0x177: {  	_ =	swait.ge [sflag:s26], $0x2000  }
0x178: {  	[sflag:s26] =	ssyncset.done $0x0  }
0x179: {  	s29 =	simm.s32 $0x0;
	[sflag:s26] =	ssyncadd.s32 $0xFFFFE000  }
0x17a: {  	v8 =	vld [tilespmem:s29+$0x6240]  }
0x17b: {  	v9 =	vld [tilespmem:s29+$0x8260]  }
0x17c: {  	v10 =	vld [tilespmem:s29+$0x8240]  }
0x17d: {  	v11 =	vld [tilespmem:s29+$0x6220]  }
0x17e: {  	v12 =	vld [tilespmem:s29+$0x8210]  }
0x17f: {  	v13 =	vld [tilespmem:s29+$0x6260]  }
0x180: {  	v14 =	vld [tilespmem:s29+$0x6210]  }
0x181: {  	v15 =	vld [tilespmem:s29+$0x8200]  }
0x182: {  	v16 =	vld [tilespmem:s29+$0x8220]  }
0x183: {  	v17 =	vld [tilespmem:s29+$0x6200]  }
0x184: {  	v9 =	vmul.f32 v9, v13;
	v13 =	vld [tilespmem:s29+$0x8230]  }
0x185: {  	v8 =	vmul.f32 v10, v8;
	v10 =	vld [tilespmem:s29+$0x6230]  }
0x186: {  	v12 =	vmul.f32 v12, v14;
	(xrf2) =	vadd.scan.msk.f32 $0xffff, v9;
	v9 =	vld [tilespmem:s29+$0x6250]  }
0x187: {  	v11 =	vmul.f32 v16, v11;
	(xrf2) =	vadd.scan.msk.f32 $0xffff, v8;
	v8 =	vld [tilespmem:s29+$0x8250]  }
0x188: {  	v14 =	vmul.f32 v15, v17;
	(xrf2) =	vadd.scan.msk.f32 $0xffff, v12  }
0x189: {  	(xrf2) =	vadd.scan.msk.f32 $0xffff, v11  }
0x18a: {  	(xrf2) =	vadd.scan.msk.f32 $0xffff, v14  }
0x18b: {  	v12 =	vld [tilespmem:s29+$0x6270];
	v10 =	vmul.f32 v13, v10  }
0x18c: {  	v11 =	vld [tilespmem:s29+$0x8270];
	v8 =	vmul.f32 v8, v9  }
0x18d: {  	(xrf2) =	vadd.scan.msk.f32 $0xffff, v10;
	_ =	sdelay $0x1  }
0x18e: {  	s0 =	simm.s32 $0x80  }
0x18f: {  	v18 =	vld [tilespmem:s0+$0x6210];
	(xrf2) =	vadd.scan.msk.f32 $0xffff, v8;
	v8, _, _ =	vpop (xrf2)  }
0x190: {  	v17 =	vld [tilespmem:s0+$0x6260];
	v10 =	vmul.f32 v11, v12;
	v13, _, _ =	vpop (xrf2)  }
0x191: {  	v9 =	vld [tilespmem:s0+$0x6240];
	v15, _, _ =	vpop (xrf2)  }
0x192: {  	v11 =	vld [tilespmem:s0+$0x8260];
	(xrf2) =	vadd.scan.msk.f32 $0xffff, v10;
	v16, _, _ =	vpop (xrf2)  }
0x193: {  	v12 =	vld [tilespmem:s0+$0x8240];
	v19, _, _ =	vpop (xrf2)  }
0x194: {  	v20 =	vld [tilespmem:s0+$0x8200];
	v19 =	vbroadcast v19, $0xF  }
0x195: {  	v21 =	vld [tilespmem:s0+$0x8220];
	v15 =	vbroadcast v15, $0xF  }
0x196: {  	v10 =	vld [tilespmem:s0+$0x8210];
	v16 =	vbroadcast v16, $0xF;
	v22, _, _ =	vpop (xrf2);
	v19 =	vnsel vm0, $0xF149F2CA, v19  }
0x197: {  	v14 =	vld [tilespmem:s0+$0x6220];
	v11 =	vmul.f32 v11, v17;
	v17 =	vbroadcast v22, $0xF;
	v15 =	vsel vm1, v19, v15  }
0x198: {  	v23 =	vld [tilespmem:s0+$0x6200];
	v9 =	vmul.f32 v12, v9;
	v12 =	vsel vm2, v15, v16  }
0x199: {  	(xrf2) =	vadd.scan.msk.f32 $0xffff, v11;
	v11 =	vsel vm3, v12, v17  }
0x19a: {  	v13 =	vbroadcast v13, $0xF;
	v16 =	vld [tilespmem:s0+$0x8230];
	v15, _, _ =	vpop (xrf2)  }
0x19b: {  	v10 =	vmul.f32 v10, v18;
	(xrf2) =	vadd.scan.msk.f32 $0xffff, v9;
	v12 =	vbroadcast v15, $0xF;
	v15 =	vld [tilespmem:s0+$0x6230]  }
0x19c: {  	v14 =	vmul.f32 v21, v14;
	v8 =	vbroadcast v8, $0xF;
	v9 =	vsel vm4, v11, v13;
	v13 =	vld [tilespmem:s0+$0x6250];
	v11, _, _ =	vpop (xrf2)  }
0x19d: {  	v17 =	vmul.f32 v20, v23;
	(xrf2) =	vadd.scan.msk.f32 $0xffff, v10;
	v9 =	vsel vm5, v9, v12;
	v10 =	vbroadcast v11, $0xF;
	v11 =	vld [tilespmem:s0+$0x8250]  }
0x19e: {  	(xrf2) =	vadd.scan.msk.f32 $0xffff, v14;
	v8 =	vsel vm6, v9, v8;
	v9 =	vld [tilespmem:s0+$0x6270]  }
0x19f: {  	(xrf2) =	vadd.scan.msk.f32 $0xffff, v17;
	v8 =	vsel vm7, v8, v10;
	v10 =	vld [tilespmem:s0+$0x8270]  }
0x1a0: {  	(xrf0) =	vmax.scan.msk.f32 $0xffff, v8;
	v12 =	vmul.f32 v16, v15;
	_ =	sdelay $0x1  }
0x1a1: {  	s2 =	simm.s32 $0x100;
	(xrf2) =	vadd.scan.msk.f32 $0xffff, v12  }
0x1a2: {  	v24 =	vld [tilespmem:s2+$0x8220]  }
0x1a3: {  	v26 =	vld [tilespmem:s2+$0x6200];
	v11 =	vmul.f32 v11, v13;
	v9 =	vmul.f32 v10, v9;
	v10, _, _ =	vpop (xrf2)  }
0x1a4: {  	v21 =	vld [tilespmem:s2+$0x6260];
	v17, _, _ =	vpop (xrf2)  }
0x1a5: {  	v14 =	vld [tilespmem:s2+$0x6240];
	(xrf2) =	vadd.scan.msk.f32 $0xffff, v11;
	v16, _, _ =	vpop (xrf0)  }
0x1a6: {  	v12 =	vld [tilespmem:s2+$0x8260];
	v19, _, _ =	vpop (xrf2);
	v16 =	vbroadcast v16, $0xF  }
0x1a7: {  	v11 =	vld [tilespmem:s2+$0x8240];
	(xrf2) =	vadd.scan.msk.f32 $0xffff, v9;
	v20, _, _ =	vpop (xrf2)  }
0x1a8: {  	v9 =	vld [tilespmem:s2+$0x8210];
	v22, _, _ =	vpop (xrf2);
	v8 =	vsub.f32 v8, v16  }
0x1a9: {  	v16 =	vld [tilespmem:s2+$0x6210];
	v22 =	vbroadcast v22, $0xF  }
0x1aa: {  	v18 =	vld [tilespmem:s2+$0x6220];
	v19 =	vbroadcast v19, $0xF;
	v8 =	vmul.f32 $1.442695020e+00, v8  }
0x1ab: {  	v23 =	vld [tilespmem:s2+$0x8200];
	v12 =	vmul.f32 v12, v21;
	v20 =	vbroadcast v20, $0xF;
	v22 =	vnsel vm0, $0xF149F2CA, v22;
	v25, _, _ =	vpop (xrf2)  }
0x1ac: {  	v15 =	vld [tilespmem:s2+$0x8230];
	v19 =	vsel vm1, v22, v19;
	(erf) = vpow2.f32 v8;
	v21 =	vbroadcast v25, $0xF  }
0x1ad: {  	v11 =	vmul.f32 v11, v14;
	v8 =	vld [tilespmem:s2+$0x6230];
	v14 =	vsel vm2, v19, v20  }
0x1ae: {  	s5 =	simm.s32 $0x180;
	(xrf2) =	vadd.scan.msk.f32 $0xffff, v12;
	v9 =	vmul.f32 v9, v16;
	v12 =	vsel vm3, v14, v21  }
0x1af: {  	v40 =	vld [tilespmem:s5+$0x8200];
	v17 =	vbroadcast v17, $0xF;
	v19, _, _ =	vpop (xrf2);
	(xrf2) =	vadd.scan.msk.f32 $0xffff, v11  }
0x1b0: {  	v41 =	vld [tilespmem:s5+$0x8250];
	v18 =	vmul.f32 v24, v18;
	v14 =	vbroadcast v19, $0xF;
	(xrf2) =	vadd.scan.msk.f32 $0xffff, v9  }
0x1b1: {  	v29 =	vld [tilespmem:s5+$0x8220];
	v10 =	vbroadcast v10, $0xF;
	v11 =	vsel vm4, v12, v17;
	v17 =	vmul.f32 v23, v26;
	v12, _, _ =	vpop (xrf2)  }
0x1b2: {  	v30 =	vld [tilespmem:s5+$0x6260];
	(xrf2) =	vadd.scan.msk.f32 $0xffff, v18;
	v11 =	vsel vm5, v11, v14;
	v8 =	vmul.f32 v15, v8;
	v12 =	vbroadcast v12, $0xF  }
0x1b3: {  	v13 =	vld [tilespmem:s2+$0x6250];
	(xrf2) =	vadd.scan.msk.f32 $0xffff, v17;
	v10 =	vsel vm6, v11, v10  }
0x1b4: {  	v22 =	vld [tilespmem:s2+$0x8250];
	(xrf2) =	vadd.scan.msk.f32 $0xffff, v8;
	v10 =	vsel vm7, v10, v12  }
0x1b5: {  	v20 =	vld [tilespmem:s2+$0x6270];
	(xrf0) =	vmax.scan.msk.f32 $0xffff, v10;
	v15 =	vpop (erf)  }
0x1b6: {  	v16 =	vld [tilespmem:s2+$0x8270];
	(xrf2) =	vadd.scan.msk.f32 $0xffff, v15  }
0x1b7: {  	v32 =	vld [tilespmem:s5+$0x6200]  }
0x1b8: {  	v9 =	vld [tilespmem:s5+$0x6240];
	v21, _, _ =	vpop (xrf2)  }
0x1b9: {  	v11 =	vld [tilespmem:s5+$0x8260];
	v39, _, _ =	vpop (xrf2)  }
0x1ba: {  	v13 =	vmul.f32 v22, v13;
	v8 =	vld [tilespmem:s5+$0x8240];
	v28, _, _ =	vpop (xrf2)  }
0x1bb: {  	v33 =	vld [tilespmem:s29+$0xA240];
	v16 =	vmul.f32 v16, v20;
	v27, _, _ =	vpop (xrf0)  }
0x1bc: {  	v43 =	vld [tilespmem:s29+$0xA220];
	(xrf2) =	vadd.scan.msk.f32 $0xffff, v13;
	v22, _, _ =	vpop (xrf2);
	v27 =	vbroadcast v27, $0xF  }
0x1bd: {  	v19 =	vld [tilespmem:s5+$0x8210];
	v31, _, _ =	vpop (xrf2);
	(xrf2) =	vadd.scan.msk.f32 $0xffff, v16  }
0x1be: {  	v23 =	vld [tilespmem:s5+$0x6210];
	v11 =	vmul.f32 v11, v30;
	v10 =	vsub.f32 v10, v27  }
0x1bf: {  	v18 =	vld [tilespmem:s5+$0x6220];
	v8 =	vmul.f32 v8, v9;
	v42, _, _ =	vpop (xrf2)  }
0x1c0: {  	s30 =	simm.s32 $0x200;
	v44 =	vld [tilespmem:s29+$0xA210];
	v9 =	vbroadcast v31, $0xF;
	(xrf2) =	vadd.scan.msk.f32 $0xffff, v11;
	v10 =	vmul.f32 $1.442695020e+00, v10;
	v16, _, _ =	vpop (xrf2)  }
0x1c1: {  	v34 =	vld [tilespmem:s30+$0x6240];
	v28 =	vbroadcast v28, $0xF;
	v16 =	vbroadcast v16, $0xF  }
0x1c2: {  	v17 =	vld [tilespmem:s5+$0x6230];
	v11 =	vbroadcast v22, $0xF;
	v9 =	vnsel vm0, $0xF149F2CA, v9;
	(erf) = vpow2.f32 v10  }
0x1c3: {  	v20 =	vld [tilespmem:s5+$0x6270];
	v19 =	vmul.f32 v19, v23;
	v9 =	vsel vm1, v9, v28;
	(erf) = vrcp.f32 v16  }
0x1c4: {  	v12 =	vld [tilespmem:s5+$0x8230];
	v18 =	vmul.f32 v29, v18;
	(xrf2) =	vadd.scan.msk.f32 $0xffff, v8;
	v9 =	vsel vm2, v9, v11  }
0x1c5: {  	v25 =	vmul.f32 v40, v32;
	v13 =	vld [tilespmem:s5+$0x8270];
	v8 =	vbroadcast v42, $0xF;
	(xrf2) =	vadd.scan.msk.f32 $0xffff, v19  }
0x1c6: {  	v45 =	vld [tilespmem:s30+$0x8260];
	v11, _, _ =	vpop (xrf2);
	(xrf2) =	vadd.scan.msk.f32 $0xffff, v18  }
0x1c7: {  	v46 =	vld [tilespmem:s30+$0x8230];
	v8 =	vsel vm3, v9, v8;
	v9, _, _ =	vpop (xrf2);
	(xrf2) =	vadd.scan.msk.f32 $0xffff, v25  }
0x1c8: {  	v47 =	vld [tilespmem:s30+$0x8240];
	v24 =	vbroadcast v39, $0xF  }
0x1c9: {  	v52 =	vld [tilespmem:s30+$0x6260];
	v21 =	vbroadcast v21, $0xF;
	v11 =	vbroadcast v11, $0xF  }
0x1ca: {  	v14 =	vld [tilespmem:s5+$0x6250];
	v17 =	vmul.f32 v12, v17;
	v13 =	vmul.f32 v13, v20;
	v24 =	vsel vm4, v8, v24;
	v20, _, _ =	vpop (xrf2)  }
0x1cb: {  	v23 =	vld [tilespmem:s30+$0x6230];
	v11 =	vsel vm5, v24, v11;
	v9 =	vbroadcast v9, $0xF;
	v8 =	vpop (erf)  }
0x1cc: {  	v22 =	vld [tilespmem:s30+$0x6250];
	v11 =	vsel vm6, v11, v21;
	(xrf2) =	vadd.scan.msk.f32 $0xffff, v17;
	v19 =	vpop (erf)  }
0x1cd: {  	v10 =	vld [tilespmem:s29+$0xA270];
	v18 =	vmul.f32 v19, v15;
	v19 =	vsel vm7, v11, v9  }
0x1ce: {  	v54 =	vmul.f32 v47, v34;
	v58 =	vmul.f32 v45, v52;
	v16 =	vld [tilespmem:s29+$0xA230];
	v21, _, _ =	vpop (xrf2);
	(xrf0) =	vmax.scan.msk.f32 $0xffff, v19  }
0x1cf: {  	v14 =	vmul.f32 v41, v14;
	v17 =	vld [tilespmem:s30+$0x8250];
	v51 =	vbroadcast v21, $0xF;
	v53, _, _ =	vpop (xrf2)  }
0x1d0: {  	v56, _, _ =	vpop (xrf2);
	v15 =	vld [tilespmem:s30+$0x8210];
	v11 =	vperm.xlane v18, v2;
	v21 =	vperm.xlane v18, v3  }
0x1d1: {  	v9 =	vld [tilespmem:s30+$0x6210];
	v49 =	vperm.xlane v18, v7;
	v35 =	vperm.xlane v18, v0;
	v57, _, _ =	vpop (xrf2)  }
0x1d2: {  	v48 =	vld [tilespmem:s30+$0x6220];
	(xrf2) =	vadd.scan.msk.f32 $0xffff, v8;
	v62 =	vperm.xlane v18, v6;
	v59 =	vbroadcast v57, $0xF  }
0x1d3: {  	v50 =	vld [tilespmem:s30+$0x8220];
	v11 =	vmul.f32 v43, v11;
	v25 =	vmul.f32 v10, v49  }
0x1d4: {  	v61 =	vld [tilespmem:s29+$0xA200];
	(xrf2) =	vadd.scan.msk.f32 $0xffff, v14;
	v16 =	vmul.f32 v16, v21;
	v10 =	vmul.f32 v46, v23;
	v21, _, _ =	vpop (xrf0)  }
0x1d5: {  	v12 =	vld [tilespmem:s30+$0x8200];
	v23 =	vperm.xlane v18, v4;
	v14 =	vbroadcast v21, $0xF  }
0x1d6: {  	v60, _, _ =	vpop (xrf2);
	(xrf2) =	vadd.scan.msk.f32 $0xffff, v13;
	v15 =	vmul.f32 v15, v9;
	v9 =	vmul.f32 v17, v22;
	v22 =	vld [tilespmem:s29+$0xA250]  }
0x1d7: {  	v27 =	vbroadcast v60, $0xF;
	[tilespmem:s29+$0xA220] =	vst v11;
	v14 =	vsub.f32 v19, v14;
	v19 =	vmul.f32 v33, v23;
	v23 =	vld [tilespmem:s29+$0xA260]  }
0x1d8: {  	v11 =	vbroadcast v20, $0xF;
	v20 =	vld [tilespmem:s30+$0x6270];
	[tilespmem:s29+$0xA270] =	vst v25;
	v21 =	vbroadcast v53, $0xF  }
0x1d9: {  	(xrf2) =	vadd.scan.msk.f32 $0xffff, v58;
	v17 =	vperm.xlane v18, v5;
	v18 =	vperm.xlane v18, v1;
	v55 =	vld [tilespmem:s30+$0x8270]  }
0x1da: {  	v13 =	vnsel vm0, $0xF149F2CA, v59;
	v25 =	vbroadcast v56, $0xF;
	[tilespmem:s29+$0xA230] =	vst v16;
	v14 =	vmul.f32 $1.442695020e+00, v14  }
0x1db: {  	v16 =	vmul.f32 v50, v48;
	v13 =	vsel vm1, v13, v21;
	v63 =	vmul.f32 v22, v17;
	[tilespmem:s29+$0xA240] =	vst v19  }
0x1dc: {  	v13 =	vsel vm2, v13, v25;
	v21, _, _ =	vpop (xrf2);
	v19 =	vld [tilespmem:s30+$0x6200];
	(erf) = vpow2.f32 v14;
	v17 =	vmul.f32 v23, v62  }
0x1dd: {  	(xrf2) =	vadd.scan.msk.f32 $0xffff, v54;
	v22 =	vsel vm3, v13, v27;
	v23 =	vbroadcast v21, $0xF;
	v21 =	vmul.f32 v44, v18  }
0x1de: {  	s28 =	simm.s32 $0xA00;
	v13 =	vld [tilespmem:s0+$0xA240];
	[tilespmem:s29+$0xA250] =	vst v63;
	v14 =	vmul.f32 v55, v20;
	v20, _, _ =	vpop (xrf2);
	v18 =	vsel vm4, v22, v51;
	v22 =	vmul.f32 v61, v35  }
.LBB2_5:
0x1df: {  	p0 =	sne.s32 s28, $0x7E00;
	v24 =	vld [tilespmem:s0+$0xA270];
	(erf) = vrcp.f32 v23;
	[tilespmem:s29+$0xA210] =	vst v21;
	s19 =	smov.u32 s28;
	s28 =	sadd.s32 $0x200, s28  }
0x1e0: {  	v21 =	vld [tilespmem:s0+$0xA230];
	[tilespmem:s29+$0xA200] =	vst v22  }
0x1e1: {  	v12 =	vmul.f32 v12, v19;
	(xrf2) =	vadd.scan.msk.f32 $0xffff, v15;
	v15, _, _ =	vpop (xrf2);
	v19 =	vld [tilespmem:s0+$0xA220];
	[tilespmem:s29+$0xA260] =	vst v17;
	s29 =	smov.u32 s0;
	s0 =	smov.u32 s2;
	s2 =	smov.u32 s5  }
0x1e2: {  	s5 =	smov.u32 s30;
	s30 =	sshra.s32 s19, $0x2;
	v22 =	vld [tilespmem:s29+$0xA210]  }
0x1e3: {  	v17 =	vld [tilespmem:s30+$0x6240]  }
0x1e4: {  	v20 =	vbroadcast v20, $0xF;
	v23 =	vld [tilespmem:s30+$0x6250];
	(xrf2) =	vadd.scan.msk.f32 $0xffff, v16;
	v16, _, _ =	vpop (xrf2)  }
0x1e5: {  	v25 =	vld [tilespmem:s30+$0x8260];
	v26 =	vpop (erf)  }
0x1e6: {  	v18 =	vsel vm5, v18, v20;
	v15 =	vbroadcast v15, $0xF;
	v27 =	vld [tilespmem:s30+$0x8230]  }
0x1e7: {  	v30 =	vsel vm6, v18, v11;
	v20 =	vld [tilespmem:s30+$0x6230];
	(xrf2) =	vadd.scan.msk.f32 $0xffff, v12;
	v12, _, _ =	vpop (xrf2)  }
0x1e8: {  	v29 =	vsel vm7, v30, v15;
	v18 =	vld [tilespmem:s30+$0x8240];
	v28 =	vbroadcast v12, $0xF;
	v11 =	vpop (erf)  }
0x1e9: {  	v30 =	vld [tilespmem:s30+$0x6220];
	(xrf0) =	vmax.scan.msk.f32 $0xffff, v29;
	v31 =	vmul.f32 v11, v8;
	v8 =	vmov v26  }
0x1ea: {  	v15 =	vld [tilespmem:s30+$0x8210];
	(xrf2) =	vadd.scan.msk.f32 $0xffff, v10  }
0x1eb: {  	v26 =	vld [tilespmem:s30+$0x6210];
	v32, _, _ =	vpop (xrf2);
	v10 =	vperm.xlane v31, v2;
	v33 =	vperm.xlane v31, v3  }
0x1ec: {  	v34 =	vperm.xlane v31, v0;
	v35 =	vperm.xlane v31, v7;
	v12 =	vld [tilespmem:s30+$0x8200]  }
0x1ed: {  	v11 =	vbroadcast v16, $0xF;
	v36 =	vld [tilespmem:s30+$0x8250];
	(xrf2) =	vadd.scan.msk.f32 $0xffff, v8;
	v16 =	vmul.f32 v19, v10  }
0x1ee: {  	v21 =	vmul.f32 v21, v33;
	v24 =	vmul.f32 v24, v35;
	v19 =	vld [tilespmem:s30+$0x8220];
	v37, _, _ =	vpop (xrf2)  }
0x1ef: {  	v10 =	vmul.f32 v27, v20;
	v33 =	vperm.xlane v31, v4;
	v20 =	vld [tilespmem:s30+$0x6260];
	v27, _, _ =	vpop (xrf0);
	[tilespmem:s29+$0xA220] =	vst v16  }
0x1f0: {  	v18 =	vmul.f32 v18, v17;
	v35 =	vld [tilespmem:s30+$0x6270];
	(xrf2) =	vadd.scan.msk.f32 $0xffff, v9;
	v16 =	vbroadcast v27, $0xF;
	[tilespmem:s29+$0xA270] =	vst v24  }
0x1f1: {  	v17 =	vbroadcast v32, $0xF;
	v15 =	vmul.f32 v15, v26;
	v24 =	vld [tilespmem:s30+$0x8270];
	v26, _, _ =	vpop (xrf2);
	[tilespmem:s29+$0xA230] =	vst v21  }
0x1f2: {  	v9 =	vmul.f32 v36, v23;
	v21 =	vsub.f32 v29, v16;
	v23 =	vperm.xlane v31, v5;
	v27 =	vld [tilespmem:s29+$0xA250]  }
0x1f3: {  	v13 =	vmul.f32 v13, v33;
	v16 =	vmul.f32 v19, v30;
	(xrf2) =	vadd.scan.msk.f32 $0xffff, v14;
	v14 =	vld [tilespmem:s29+$0xA260]  }
0x1f4: {  	v19 =	vmul.f32 v25, v20;
	v20 =	vbroadcast v26, $0xF;
	v25, _, _ =	vpop (xrf2)  }
0x1f5: {  	v21 =	vmul.f32 $1.442695020e+00, v21;
	v25 =	vbroadcast v25, $0xF;
	v26 =	vld [tilespmem:s29+$0xA200];
	[tilespmem:s29+$0xA240] =	vst v13  }
.Ltmp1:
0x1f6: {  	v29 =	vperm.xlane v31, v6;
	(xrf2) =	vadd.scan.msk.f32 $0xffff, v19;
	v13 =	vnsel vm0, $0xF149F2CA, v20;
	v20 =	vbroadcast v37, $0xF;
	(pc) =	sbr.rel @p0 .LBB2_5-.Ltmp1, $4  }
0x1f7: {  	v31 =	vperm.xlane v31, v1;
	v13 =	vsel vm1, v13, v17;
	v30, _, _ =	vpop (xrf2);
	v27 =	vmul.f32 v27, v23  }
0x1f8: {  	v19 =	vld [tilespmem:s30+$0x6200];
	v13 =	vsel vm2, v13, v20;
	(erf) = vpow2.f32 v21;
	v17 =	vmul.f32 v14, v29  }
0x1f9: {  	v23 =	vbroadcast v30, $0xF;
	v21 =	vmul.f32 v22, v31;
	(xrf2) =	vadd.scan.msk.f32 $0xffff, v18;
	v13 =	vsel vm3, v13, v25  }
0x1fa: {  	v14 =	vmul.f32 v24, v35;
	v18 =	vsel vm4, v13, v28;
	v20, _, _ =	vpop (xrf2);
	v13 =	vld [tilespmem:s0+$0xA240];
	v22 =	vmul.f32 v26, v34;
	[tilespmem:s29+$0xA250] =	vst v27  }
0x1fb: {  	_ = 	snop  }
0x1fc: {  	(erf) = vrcp.f32 v23;
	v20 =	vbroadcast v20, $0xF  }
0x1fd: {  	v33, _, _ =	vpop (xrf2);
	v12 =	vmul.f32 v12, v19;
	(xrf2) =	vadd.scan.msk.f32 $0xffff, v15  }
0x1fe: {  	v34 =	vsel vm5, v18, v20;
	v35 =	vbroadcast v33, $0xF;
	(xrf2) =	vadd.scan.msk.f32 $0xffff, v16  }
0x1ff: {  	v11 =	vsel vm6, v34, v11;
	(xrf2) =	vadd.scan.msk.f32 $0xffff, v12  }
0x200: {  	v11 =	vsel vm7, v11, v35;
	(xrf2) =	vadd.scan.msk.f32 $0xffff, v10  }
0x201: {  	(xrf0) =	vmax.scan.msk.f32 $0xffff, v11;
	v38 =	vpop (erf)  }
0x202: {  	(xrf2) =	vadd.scan.msk.f32 $0xffff, v38  }
0x203: {  	v36 =	vld [tilespmem:s0+$0xA270];
	[tilespmem:s29+$0xA210] =	vst v21  }
0x204: {  	v37 =	vld [tilespmem:s0+$0xA230];
	[tilespmem:s29+$0xA200] =	vst v22;
	v41, _, _ =	vpop (xrf2)  }
0x205: {  	v39 =	vld [tilespmem:s0+$0xA220];
	v40 =	vpop (erf)  }
0x206: {  	v43, _, _ =	vpop (xrf2);
	(xrf2) =	vadd.scan.msk.f32 $0xffff, v9;
	v8 =	vmul.f32 v40, v8  }
0x207: {  	v16 =	vbroadcast v41, $0xF;
	v46, _, _ =	vpop (xrf0)  }
0x208: {  	(xrf2) =	vadd.scan.msk.f32 $0xffff, v14;
	v42 =	vperm.xlane v8, v2;
	v47, _, _ =	vpop (xrf2);
	v18 =	vbroadcast v46, $0xF  }
0x209: {  	v44 =	vperm.xlane v8, v7;
	v45 =	vperm.xlane v8, v3;
	v48, _, _ =	vpop (xrf2)  }
0x20a: {  	v50 =	vperm.xlane v8, v4;
	v10 =	vmul.f32 v39, v42;
	v49, _, _ =	vpop (xrf2);
	v11 =	vsub.f32 v11, v18  }
0x20b: {  	[tilespmem:s29+$0xA260] =	vst v17;
	v9 =	vbroadcast v47, $0xF;
	v19 =	vmul.f32 v36, v44;
	v51, _, _ =	vpop (xrf2)  }
0x20c: {  	[tilespmem:s0+$0xA220] =	vst v10;
	v10 =	vbroadcast v49, $0xF;
	v11 =	vmul.f32 $1.442695020e+00, v11;
	v54, _, _ =	vpop (xrf2)  }
0x20d: {  	v12 =	vmul.f32 v37, v45;
	[tilespmem:s0+$0xA270] =	vst v19;
	v19 =	vbroadcast v54, $0xF  }
0x20e: {  	v53 =	vld [tilespmem:s0+$0xA250];
	v56 =	vbroadcast v48, $0xF;
	v10 =	vnsel vm0, $0xF149F2CA, v10;
	(erf) = vpow2.f32 v11  }
0x20f: {  	v22 =	vld [tilespmem:s0+$0xA210];
	[tilespmem:s0+$0xA230] =	vst v12;
	v12 =	vbroadcast v51, $0xF;
	v9 =	vsel vm1, v10, v9;
	(erf) = vrcp.f32 v19  }
0x210: {  	v58 =	vld [tilespmem:s0+$0xA200];
	v57 =	vbroadcast v43, $0xF;
	v52 =	vperm.xlane v8, v5;
	v61, _, _ =	vpop (xrf2);
	v9 =	vsel vm2, v9, v56  }
0x211: {  	v13 =	vmul.f32 v13, v50;
	v14 =	vbroadcast v61, $0xF;
	v9 =	vsel vm3, v9, v12  }
0x212: {  	v59 =	vperm.xlane v8, v1;
	v62 =	vperm.xlane v8, v0;
	v21, _, _ =	vpop (xrf2);
	v9 =	vsel vm4, v9, v57  }
0x213: {  	v60 =	vmul.f32 v53, v52;
	[tilespmem:s0+$0xA240] =	vst v13;
	v13 =	vbroadcast v21, $0xF;
	v9 =	vsel vm5, v9, v14  }
0x214: {  	v10 =	vmul.f32 v22, v59;
	v9 =	vsel vm6, v9, v16  }
0x215: {  	v23 =	vmul.f32 v58, v62;
	v63 =	vld [tilespmem:s2+$0xA240];
	[tilespmem:s0+$0xA250] =	vst v60;
	v9 =	vsel vm7, v9, v13  }
0x216: {  	v22 =	vld [tilespmem:s2+$0xA270];
	[tilespmem:s0+$0xA210] =	vst v10;
	(xrf0) =	vmax.scan.msk.f32 $0xffff, v9  }
0x217: {  	v10 =	vld [tilespmem:s2+$0xA230];
	[tilespmem:s0+$0xA200] =	vst v23;
	v24 =	vpop (erf)  }
0x218: {  	v14 =	vld [tilespmem:s2+$0xA220];
	v25 =	vpop (erf)  }
0x219: {  	v15 =	vmul.f32 v25, v38;
	_ =	sdelay $0x1  }
0x21a: {  	(xrf2) =	vadd.scan.msk.f32 $0xffff, v24;
	v26 =	vperm.xlane v15, v2  }
0x21b: {  	v27, _, _ =	vpop (xrf0)  }
0x21c: {  	v55 =	vld [tilespmem:s0+$0xA260];
	v11 =	vmul.f32 v14, v26;
	v14 =	vbroadcast v27, $0xF;
	_ =	sdelay $0x1  }
0x21d: {  	v9 =	vsub.f32 v9, v14  }
0x21e: {  	v8 =	vperm.xlane v8, v6  }
0x21f: {  	v9 =	vmul.f32 $1.442695020e+00, v9  }
0x220: {  	v8 =	vmul.f32 v55, v8  }
0x221: {  	(erf) = vpow2.f32 v9  }
0x222: {  	[tilespmem:s0+$0xA260] =	vst v8;
	v8 =	vperm.xlane v15, v3  }
0x223: {  	v29, _, _ =	vpop (xrf2)  }
0x224: {  	v8 =	vmul.f32 v10, v8;
	v10 =	vbroadcast v29, $0xF;
	_ =	sdelay $0x1  }
0x225: {  	[tilespmem:s2+$0xA230] =	vst v8;
	v8 =	vld [tilespmem:s2+$0xA250];
	(erf) = vrcp.f32 v10  }
0x226: {  	v28 =	vld [tilespmem:s2+$0xA210];
	v16 =	vperm.xlane v15, v7  }
0x227: {  	v30 =	vperm.xlane v15, v4  }
0x228: {  	v31 =	vperm.xlane v15, v5;
	v16 =	vmul.f32 v22, v16  }
0x229: {  	v35 =	vperm.xlane v15, v1;
	v32 =	vmul.f32 v63, v30;
	[tilespmem:s2+$0xA220] =	vst v11;
	v38 =	vpop (erf)  }
0x22a: {  	v33 =	vld [tilespmem:s2+$0xA260];
	[tilespmem:s2+$0xA270] =	vst v16;
	v8 =	vmul.f32 v8, v31;
	(xrf2) =	vadd.scan.msk.f32 $0xffff, v38  }
0x22b: {  	v34 =	vld [tilespmem:s2+$0xA200];
	[tilespmem:s2+$0xA240] =	vst v32;
	v9 =	vmul.f32 v28, v35  }
0x22c: {  	v36 =	vld [tilespmem:s5+$0xA240];
	[tilespmem:s2+$0xA250] =	vst v8  }
0x22d: {  	v8 =	vld [tilespmem:s5+$0xA270];
	[tilespmem:s2+$0xA210] =	vst v9  }
0x22e: {  	v9 =	vld [tilespmem:s5+$0xA230];
	v40 =	vpop (erf)  }
0x22f: {  	v37 =	vperm.xlane v15, v0;
	v13 =	vmul.f32 v40, v24  }
0x230: {  	v15 =	vperm.xlane v15, v6  }
0x231: {  	v10 =	vmul.f32 v34, v37;
	v42 =	vperm.xlane v13, v3  }
0x232: {  	v11 =	vmul.f32 v33, v15  }
0x233: {  	[tilespmem:s2+$0xA200] =	vst v10;
	v9 =	vmul.f32 v9, v42  }
0x234: {  	v39 =	vld [tilespmem:s5+$0xA220];
	[tilespmem:s2+$0xA260] =	vst v11;
	v16 =	vperm.xlane v13, v7;
	v44, _, _ =	vpop (xrf2)  }
0x235: {  	[tilespmem:s5+$0xA230] =	vst v9;
	v9 =	vbroadcast v44, $0xF  }
0x236: {  	v8 =	vmul.f32 v8, v16  }
0x237: {  	(erf) = vrcp.f32 v9  }
0x238: {  	[tilespmem:s5+$0xA270] =	vst v8;
	v8 =	vld [tilespmem:s5+$0xA250]  }
0x239: {  	v41 =	vperm.xlane v13, v2  }
0x23a: {  	v43 =	vld [tilespmem:s5+$0xA210];
	v45 =	vperm.xlane v13, v4  }
0x23b: {  	v48 =	vld [tilespmem:s5+$0xA200];
	v46 =	vperm.xlane v13, v5;
	v14 =	vmul.f32 v39, v41  }
0x23c: {  	v11 =	vmul.f32 v36, v45  }
0x23d: {  	v47 =	vld [tilespmem:s5+$0xA260];
	v49 =	vperm.xlane v13, v1;
	[tilespmem:s5+$0xA220] =	vst v14;
	v8 =	vmul.f32 v8, v46  }
0x23e: {  	v51 =	vperm.xlane v13, v0;
	[tilespmem:s5+$0xA240] =	vst v11  }
0x23f: {  	v11 =	vmul.f32 v43, v49;
	v50 =	vld [tilespmem:s30+$0xA240];
	[tilespmem:s5+$0xA250] =	vst v8  }
0x240: {  	v13 =	vperm.xlane v13, v6;
	v9 =	vmul.f32 v48, v51;
	v8 =	vld [tilespmem:s30+$0xA270];
	v52 =	vpop (erf)  }
0x241: {  	[tilespmem:s5+$0xA210] =	vst v11;
	v10 =	vmul.f32 v52, v38  }
0x242: {  	v12 =	vmul.f32 v47, v13;
	v11 =	vld [tilespmem:s30+$0xA230];
	[tilespmem:s5+$0xA200] =	vst v9  }
0x243: {  	v9 =	vld [tilespmem:s30+$0xA220];
	v15 =	vperm.xlane v10, v7  }
0x244: {  	[tilespmem:s5+$0xA260] =	vst v12  }
0x245: {  	v55 =	vld [tilespmem:s30+$0xA210];
	v8 =	vmul.f32 v8, v15  }
0x246: {  	v53 =	vperm.xlane v10, v2  }
0x247: {  	v54 =	vperm.xlane v10, v3;
	[tilespmem:s30+$0xA270] =	vst v8;
	v8 =	vld [tilespmem:s30+$0xA250]  }
0x248: {  	v57 =	vld [tilespmem:s30+$0xA200];
	v60 =	vperm.xlane v10, v1;
	v9 =	vmul.f32 v9, v53  }
0x249: {  	v59 =	vld [tilespmem:s30+$0xA260];
	v56 =	vperm.xlane v10, v4;
	v11 =	vmul.f32 v11, v54  }
0x24a: {  	v58 =	vperm.xlane v10, v5;
	v63 =	vmul.f32 v55, v60;
	[tilespmem:s30+$0xA220] =	vst v9  }
0x24b: {  	v61 =	vperm.xlane v10, v0;
	[tilespmem:s30+$0xA230] =	vst v11;
	v9 =	vmul.f32 v50, v56  }
0x24c: {  	v62 =	vperm.xlane v10, v6;
	[tilespmem:s30+$0xA210] =	vst v63;
	v8 =	vmul.f32 v8, v58  }
0x24d: {  	v11 =	vmul.f32 v57, v61;
	[tilespmem:s30+$0xA240] =	vst v9  }
0x24e: {  	s10 =	sadd.s32 $0x1, s10;
	[tilespmem:s30+$0xA250] =	vst v8;
	v8 =	vmul.f32 v59, v62  }
0x24f: {  	p0 =	sne.s32 s10, $0x4F;
	[tilespmem:s30+$0xA200] =	vst v11  }
.Ltmp2:
0x250: {  	[tilespmem:s30+$0xA260] =	vst v8;
	(pc) =	sbr.rel @p0 .LBB2_2-.Ltmp2, $4  }
0x251: {  	[spmem:s12] =	stream.indirect.scatter.add.f32 [tilespmem:s24], [sflag:$0x3], $0x80, s20, s8, $0xb8;
	[tilespmem:$0x1FA80] =	vst v63  }
0x252: {  	_ =	swait.ge [sflag:s6], $0x2000  }
0x253: {  	[sflag:s6] =	ssyncset.done $0x0  }
0x254: {  	[sflag:s6] =	ssyncadd.s32 $0xFFFFE000  }
0x255: {  	_ =	swait.ge [sflag:s25], $0x2000  }
0x256: {  	[sflag:s25] =	ssyncset.done $0x0  }
0x257: {  	[sflag:s25] =	ssyncadd.s32 $0xFFFFE000  }
0x258: {  	_ =	swait.ge [sflag:s25], $0x2000  }
0x259: {  	[sflag:s25] =	ssyncset.done $0x0  }
0x25a: {  	[sflag:s25] =	ssyncadd.s32 $0xFFFFE000  }
0x25b: {  	_ =	swait.ge [sflag:s25], $0x2000  }
0x25c: {  	[sflag:s25] =	ssyncset.done $0x0  }
0x25d: {  	[sflag:s25] =	ssyncadd.s32 $0xFFFFE000  }
0x25e: {  	[bflag:$0x0] =	sbarrier.arrive $0xFFFF  }
0x25f: {  	s0 =	rddreg [dreg:$0x4]  }
0x260: {  	s2 =	rddreg [dreg:$0x1d]  }
0x261: {  	[hbm:s0], [sflag:s21] =	dma.local [spmem:s2], $0x400  }
0x262: {  	_ =	swait.ge [sflag:s6], $0x400  }
0x263: {  	[sflag:s6] =	ssyncset.done $0x0;
	s28 =	rddreg [dreg:$0x5]  }
0x264: {  	s29 =	rddreg [dreg:$0x1e];
	[sflag:s6] =	ssyncadd.s32 $0xFFFFFC00  }
0x265: {  	[hbm:s28], [sflag:s21] =	dma.local [spmem:s29], $0x400  }
0x266: {  	_ =	swait.ge [sflag:s6], $0x400  }
0x267: {  	[sflag:s6] =	ssyncset.done $0x0;
	s30 =	rddreg [dreg:$0x6]  }
0x268: {  	s31 =	rddreg [dreg:$0x1f];
	[sflag:s6] =	ssyncadd.s32 $0xFFFFFC00  }
0x269: {  	[hbm:s30], [sflag:s21] =	dma.local [spmem:s31], $0x400  }
0x26a: {  	_ =	swait.ge [sflag:s6], $0x400  }
0x26b: {  	s5 =	sld [smem:$0x7F7]  }
0x26c: {  	[sflag:s6] =	ssyncset.done $0x0  }
0x26d: {  	s2 =	rddreg [dreg:$0x7];
	[sflag:s6] =	ssyncadd.s32 $0xFFFFFC00  }
0x26e: {  	[hbm:s2], [sflag:s21] =	dma.local [spmem:s5], $0x400  }
0x26f: {  	_ =	swait.ge [sflag:s6], $0x400  }
0x270: {  	s19 =	sld [smem:$0x7F8]  }
0x271: {  	[sflag:s6] =	ssyncset.done $0x0  }
0x272: {  	s10 =	rddreg [dreg:$0x8];
	[sflag:s6] =	ssyncadd.s32 $0xFFFFFC00  }
0x273: {  	[hbm:s10], [sflag:s21] =	dma.local [spmem:s19], $0x400  }
0x274: {  	_ =	swait.ge [sflag:s6], $0x400  }
0x275: {  	s29 =	sld [smem:$0x7F9]  }
0x276: {  	[sflag:s6] =	ssyncset.done $0x0  }
0x277: {  	s28 =	rddreg [dreg:$0x9];
	[sflag:s6] =	ssyncadd.s32 $0xFFFFFC00  }
0x278: {  	[hbm:s28], [sflag:s21] =	dma.local [spmem:s29], $0x400  }
0x279: {  	_ =	swait.ge [sflag:s6], $0x400  }
0x27a: {  	s31 =	sld [smem:$0x7FA]  }
0x27b: {  	[sflag:s6] =	ssyncset.done $0x0  }
0x27c: {  	s30 =	rddreg [dreg:$0xa];
	[sflag:s6] =	ssyncadd.s32 $0xFFFFFC00  }
0x27d: {  	[hbm:s30], [sflag:s21] =	dma.local [spmem:s31], $0x400  }
0x27e: {  	_ =	swait.ge [sflag:s6], $0x400  }
0x27f: {  	s5 =	sld [smem:$0x7FB]  }
0x280: {  	[sflag:s6] =	ssyncset.done $0x0  }
0x281: {  	s2 =	rddreg [dreg:$0xb];
	[sflag:s6] =	ssyncadd.s32 $0xFFFFFC00  }
0x282: {  	[hbm:s2], [sflag:s21] =	dma.local [spmem:s5], $0x400  }
0x283: {  	_ =	swait.ge [sflag:s6], $0x400  }
0x284: {  	s19 =	sld [smem:$0x7FC]  }
0x285: {  	[sflag:s6] =	ssyncset.done $0x0  }
0x286: {  	s10 =	rddreg [dreg:$0xc];
	[sflag:s6] =	ssyncadd.s32 $0xFFFFFC00  }
0x287: {  	[hbm:s10], [sflag:s21] =	dma.local [spmem:s19], $0x400  }
0x288: {  	_ =	swait.ge [sflag:s6], $0x400  }
0x289: {  	s29 =	sld [smem:$0x7FD]  }
0x28a: {  	[sflag:s6] =	ssyncset.done $0x0  }
0x28b: {  	s28 =	rddreg [dreg:$0xd];
	[sflag:s6] =	ssyncadd.s32 $0xFFFFFC00  }
0x28c: {  	[hbm:s28], [sflag:s21] =	dma.local [spmem:s29], $0x400  }
0x28d: {  	_ =	swait.ge [sflag:s6], $0x400  }
0x28e: {  	s30 =	rddreg [dreg:$0x1c]  }
0x28f: {  	s31 =	rddreg [dreg:$0x1b];
	s2 =	sadd.s32 $0x1, s30  }
0x290: {  	p0 =	sne.s32 s2, s31  }
.Ltmp3:
0x291: {  	_ = 	snop;
	(pc) =	sbr.rel @p0 .LBB2_1-.Ltmp3, $3  }
0x292: {  	_ =	sdelay $0x1  }
0x293: {  	[sflag:s6] =	ssyncset.done $0x0  }
0x294: {  	[sflag:s6] =	ssyncadd.s32 $0xFFFFFC00  }
0x295: {  	_ =	sfence.sel $0x180000  }
0x296: {  	[bflag:$0x0] =	sbarrier.arrive $0xFFFF  }
0x297: {  	_ =	strace $0x90000047  }
0x298: {  	s0 =	stileid.u32;
	[bflag:$0x2] =	sbarrier.arrive $0xFFFF  }
0x299: {  	p0 =	sne.s32 s0, $0x0;
	s0 =	rddreg [dreg:$0x3]  }
0x29a: {  	s0 =	sadd.s32 @!p0 $0x100000, s0  }
0x29b: {  	[sflag:s0] =	ssyncadd.tile.s32 @!p0 $0x1;
	_ =	shalt  }
.Lfunc_end2:
_tile_overlayer_lowered:
.L_overlay_start_2:
0x29c: {  	(tag) =	ssettag $0x2  }
0x29d: {  	s0 =	rddreg [dreg:$0x0];
	s2 =	stileid.u32  }
0x29e: {  	s1 =	rddreg [dreg:$0x1];
	p0 =	sne.s32 s2, $0x0  }
0x29f: {  	s3 =	rddreg [dreg:$0x2];
	[bflag:$0x3] =	sbarrier.arrive $0xFFFF;
	s2 =	simm.s32 @!p0 $0x1C03  }
0x2a0: {  	[timem:s3], [sflag:s2] =	dma.local @!p0 [hbm:s0], s1  }
0x2a1: {  	s0 =	simm.s32 @!p0 $0x3  }
0x2a2: {  	_ =	swait.ge @!p0 [sflag:s0], s1  }
0x2a3: {  	s1 =	ssub.s32 @!p0 $0x0, s1;
	[sflag:s0] =	ssyncset.done @!p0 $0x0  }
0x2a4: {  	[sflag:s0] =	ssyncadd.s32 @!p0 s1  }
0x2a5: {  	[bflag:$0x3] =	sbarrier.arrive $0xFFFF  }
0x2a6: {  	_ =	shalt  }

</sc_bundles>
